<compile_context>
chip_gen: v7x
topology: tpu7x:2x2x1
jax: 0.10.2.dev20260603
libtpu: 0.0.44.dev20260713+nightly
codegen_flags: <defaults>
</compile_context>

<pallas_src>
import functools

import jax
import jax.numpy as jnp
from jax import lax
from jax.experimental import pallas as pl
from jax.experimental.pallas import tpu as pltpu, tpu_sc as plsc

_N = 10000
_E = 320000
_D = 128
_COND = 10
_G = 64
_HID = 128
_EPS = 1e-5

_NC = 2
_NS = 16
_NW = _NC * _NS
_CHUNK = 128
_NCH = 80
_NCHP = 40
_EPAD = _NW * _NCH * _CHUNK
_BR = 2048
_NPAD = 10240
_GRID = _NPAD // _BR
_STRIPE = _NPAD // _NS

_mesh = plsc.VectorSubcoreMesh(core_axis_name="c", subcore_axis_name="s")
_f32 = jnp.float32



@functools.partial(
    pl.kernel,
    out_type=jax.ShapeDtypeStruct((_NC, _NPAD), _f32),
    mesh=_mesh,
    scratch_types=[
        pltpu.VMEM((_NCH, _CHUNK), jnp.int32),
        pltpu.VMEM((_CHUNK,), _f32),
        pltpu.VMEM_SHARED((_NPAD,), _f32),
    ],
)
def _deg_kernel(dst_hbm, zeros_hbm, ones_hbm, out_hbm, dstbuf, onesbuf, degsh):
    cid = lax.axis_index("c")
    sid = lax.axis_index("s")
    w = cid * _NS + sid
    pltpu.sync_copy(dst_hbm.at[w], dstbuf)
    pltpu.sync_copy(ones_hbm, onesbuf)
    pltpu.sync_copy(zeros_hbm, degsh.at[pl.ds(sid * _STRIPE, _STRIPE)])
    plsc.subcore_barrier()

    def body(c, carry):
        pltpu.sync_copy(onesbuf, degsh.at[dstbuf.at[c]], add=True)
        return carry

    lax.fori_loop(0, _NCH, body, 0)
    plsc.subcore_barrier()
    pltpu.sync_copy(degsh.at[pl.ds(sid * _STRIPE, _STRIPE)],
                    out_hbm.at[cid, pl.ds(sid * _STRIPE, _STRIPE)])


@functools.partial(
    pl.kernel,
    out_type=jax.ShapeDtypeStruct((_NC, _NPAD, _D), _f32),
    mesh=_mesh,
    scratch_types=[
        pltpu.VMEM((_NCHP, _CHUNK), jnp.int32),
        pltpu.VMEM((_NCHP, _CHUNK), jnp.int32),
        pltpu.VMEM((_CHUNK, _D), _f32),
        pltpu.VMEM((_CHUNK, _D), _f32),
        pltpu.VMEM_SHARED((_NPAD, _D), _f32),
        pltpu.SemaphoreType.DMA,
        pltpu.SemaphoreType.DMA,
    ],
)
def _conv_kernel(table_hbm, src_hbm, dst_hbm, out_hbm,
                 srcbuf, dstbuf, gbuf0, gbuf1, accsh, sem0, sem1):
    cid = lax.axis_index("c")
    sid = lax.axis_index("s")
    w = cid * _NS + sid

    def zrow(r, carry):
        for j in range(_D // 16):
            gbuf0[r, pl.ds(j * 16, 16)] = jnp.zeros((16,), _f32)
        return carry

    lax.fori_loop(0, _CHUNK, zrow, 0)
    for k in range(_STRIPE // _CHUNK):
        pltpu.sync_copy(gbuf0,
                        accsh.at[pl.ds(sid * _STRIPE + k * _CHUNK, _CHUNK)])
    plsc.subcore_barrier()

    for p in range(_NCH // _NCHP):
        pltpu.sync_copy(src_hbm.at[w, pl.ds(p * _NCHP, _NCHP)], srcbuf)
        pltpu.sync_copy(dst_hbm.at[w, pl.ds(p * _NCHP, _NCHP)], dstbuf)
        pltpu.async_copy(table_hbm.at[srcbuf.at[0]], gbuf0, sem0)

        def body(i, carry):
            c0 = 2 * i
            c1 = c0 + 1
            pltpu.async_copy(table_hbm.at[srcbuf.at[c1]], gbuf1, sem1)
            pltpu.make_async_copy(table_hbm.at[srcbuf.at[c0]], gbuf0,
                                  sem0).wait()
            pltpu.sync_copy(gbuf0, accsh.at[dstbuf.at[c0]], add=True)

            @pl.when(i < _NCHP // 2 - 1)
            def _():
                pltpu.async_copy(table_hbm.at[srcbuf.at[c0 + 2]], gbuf0, sem0)

            pltpu.make_async_copy(table_hbm.at[srcbuf.at[c1]], gbuf1,
                                  sem1).wait()
            pltpu.sync_copy(gbuf1, accsh.at[dstbuf.at[c1]], add=True)
            return carry

        lax.fori_loop(0, _NCHP // 2, body, 0)
    plsc.subcore_barrier()
    pltpu.sync_copy(accsh.at[pl.ds(sid * _STRIPE, _STRIPE)],
                    out_hbm.at[cid, pl.ds(sid * _STRIPE, _STRIPE)])



def _tck_a_body(x_ref, degp_ref, batch_ref, y_ref, w1a_ref, w1b_ref,
                g1_ref, dinv_ref):
    i = pl.program_id(0)
    dp = degp_ref[0]
    deg = dp[:, 0:1] + dp[:, 1:2] + 1.0
    dinv = lax.rsqrt(deg)
    b = batch_ref[0]
    oh = (b == lax.broadcasted_iota(jnp.int32, (_BR, _G), 1)).astype(_f32)
    yv = y_ref[...]
    ohy = (yv == lax.broadcasted_iota(jnp.int32, (_G, _COND), 1)).astype(_f32)
    tbl = jnp.dot(ohy, w1b_ref[...], preferred_element_type=_f32)
    cond = jnp.dot(oh, tbl, preferred_element_type=_f32)
    h = jnp.dot(x_ref[...], w1a_ref[...], preferred_element_type=_f32) + cond
    rows = lax.broadcasted_iota(jnp.int32, (_BR, 1), 0) + i * _BR
    g1_ref[...] = jnp.where(rows < _N, dinv * h, 0.0)
    dinv_ref[...] = dinv


def _tck_a(x, degp3, batch_c, y_c, w1a, w1b):
    return pl.pallas_call(
        _tck_a_body,
        grid=(_GRID,),
        in_specs=[
            pl.BlockSpec((_BR, _D), lambda i: (i, 0)),
            pl.BlockSpec((1, _BR, _NC), lambda i: (i, 0, 0)),
            pl.BlockSpec((1, _BR, 1), lambda i: (i, 0, 0)),
            pl.BlockSpec((_G, 1), lambda i: (0, 0)),
            pl.BlockSpec((_D, _HID), lambda i: (0, 0)),
            pl.BlockSpec((_COND, _HID), lambda i: (0, 0)),
        ],
        out_specs=[
            pl.BlockSpec((_BR, _HID), lambda i: (i, 0)),
            pl.BlockSpec((_BR, 1), lambda i: (i, 0)),
        ],
        out_shape=[
            jax.ShapeDtypeStruct((_NPAD, _HID), _f32),
            jax.ShapeDtypeStruct((_NPAD, 1), _f32),
        ],
    )(x, degp3, batch_c, y_c, w1a, w1b)


def _tck_b_body(acc_ref, g1_ref, dinv_ref, b1_ref, w2_ref, g2_ref):
    a = acc_ref[0] + acc_ref[1] + g1_ref[...]
    dinv = dinv_ref[...]
    h1 = jnp.maximum(dinv * a + b1_ref[...], 0.0)
    g2_ref[...] = dinv * jnp.dot(h1, w2_ref[...], preferred_element_type=_f32)


def _tck_b(acc1, g1, dinv, b1r, w2):
    return pl.pallas_call(
        _tck_b_body,
        grid=(_GRID,),
        in_specs=[
            pl.BlockSpec((_NC, _BR, _HID), lambda i: (0, i, 0)),
            pl.BlockSpec((_BR, _HID), lambda i: (i, 0)),
            pl.BlockSpec((_BR, 1), lambda i: (i, 0)),
            pl.BlockSpec((1, _HID), lambda i: (0, 0)),
            pl.BlockSpec((_HID, _HID), lambda i: (0, 0)),
        ],
        out_specs=pl.BlockSpec((_BR, _HID), lambda i: (i, 0)),
        out_shape=jax.ShapeDtypeStruct((_NPAD, _HID), _f32),
    )(acc1, g1, dinv, b1r, w2)


def _tck_c_body(acc_ref, g2_ref, dinv_ref, b2_ref, batch_ref, bng_ref,
                bnb_ref, fcw_ref, fcb_ref, out_ref,
                h2s_ref, sum_ref, ssq_ref, pooled_ref, cnt_ref):
    i = pl.program_id(0)

    @pl.when(i < _GRID)
    def _():
        a = acc_ref[0] + acc_ref[1] + g2_ref[...]
        h2 = jnp.maximum(dinv_ref[...] * a + b2_ref[...], 0.0)
        h2s_ref[i] = h2
        rows = lax.broadcasted_iota(jnp.int32, (_BR, 1), 0) + i * _BR
        h2m = jnp.where(rows < _N, h2, 0.0)

        @pl.when(i == 0)
        def _():
            sum_ref[...] = jnp.zeros((1, _HID), _f32)
            ssq_ref[...] = jnp.zeros((1, _HID), _f32)

        sum_ref[...] += jnp.sum(h2m, axis=0, keepdims=True)
        ssq_ref[...] += jnp.sum(h2m * h2m, axis=0, keepdims=True)

    @pl.when(i >= _GRID)
    def _():
        j = i - _GRID
        mean = sum_ref[...] * (1.0 / _N)
        var = ssq_ref[...] * (1.0 / _N) - mean * mean
        inv = lax.rsqrt(var + _EPS)
        hn = (h2s_ref[j] - mean) * inv * bng_ref[...] + bnb_ref[...]
        r = jnp.maximum(hn, 0.0)
        rows = lax.broadcasted_iota(jnp.int32, (_BR, 1), 0) + j * _BR
        r = jnp.where(rows < _N, r, 0.0)
        b = batch_ref[0]
        oh = (b == lax.broadcasted_iota(jnp.int32, (_BR, _G), 1)).astype(_f32)

        @pl.when(i == _GRID)
        def _():
            pooled_ref[...] = jnp.zeros((_G, _HID), _f32)
            cnt_ref[...] = jnp.zeros((_G, 1), _f32)

        dn = (((0,), (0,)), ((), ()))
        pooled_ref[...] += lax.dot_general(oh, r, dn,
                                           preferred_element_type=_f32)
        cnt_ref[...] += lax.dot_general(oh, jnp.ones((_BR, 1), _f32), dn,
                                        preferred_element_type=_f32)

        @pl.when(i == 2 * _GRID - 1)
        def _():
            pm = pooled_ref[...] / jnp.maximum(cnt_ref[...], 1.0)
            z = (jnp.dot(pm, fcw_ref[...], preferred_element_type=_f32)
                 + fcb_ref[...])
            out_ref[...] = jax.nn.sigmoid(z)


def _tck_c(acc2, g2, dinv, b2r, batch_c, bng, bnb, fcw, fcbr):
    lo = lambda i: jnp.minimum(i, _GRID - 1)
    hi = lambda i: jnp.maximum(i - _GRID, 0)
    return pl.pallas_call(
        _tck_c_body,
        grid=(2 * _GRID,),
        in_specs=[
            pl.BlockSpec((_NC, _BR, _HID), lambda i: (0, lo(i), 0)),
            pl.BlockSpec((_BR, _HID), lambda i: (lo(i), 0)),
            pl.BlockSpec((_BR, 1), lambda i: (lo(i), 0)),
            pl.BlockSpec((1, _HID), lambda i: (0, 0)),
            pl.BlockSpec((1, _BR, 1), lambda i: (hi(i), 0, 0)),
            pl.BlockSpec((1, _HID), lambda i: (0, 0)),
            pl.BlockSpec((1, _HID), lambda i: (0, 0)),
            pl.BlockSpec((_HID, 1), lambda i: (0, 0)),
            pl.BlockSpec((1, 1), lambda i: (0, 0)),
        ],
        out_specs=pl.BlockSpec((_G, 1), lambda i: (0, 0)),
        out_shape=jax.ShapeDtypeStruct((_G, 1), _f32),
        scratch_shapes=[
            pltpu.VMEM((_GRID, _BR, _HID), _f32),
            pltpu.VMEM((1, _HID), _f32),
            pltpu.VMEM((1, _HID), _f32),
            pltpu.VMEM((_G, _HID), _f32),
            pltpu.VMEM((_G, 1), _f32),
        ],
    )(acc2, g2, dinv, b2r, batch_c, bng, bnb, fcw, fcbr)



def kernel(x, edge_index, batch, y, W1, b1, W2, b2, bn_g, bn_b, fcW, fcb):
    batch_c = jnp.pad(batch, (0, _NPAD - _N),
                      constant_values=_G).reshape(_GRID, _BR, 1)
    pad_idx = jnp.arange(_EPAD - _E, dtype=jnp.int32)
    src3 = jnp.concatenate([edge_index[0], pad_idx % _N]).reshape(
        _NW, _NCH, _CHUNK)
    dst3 = jnp.concatenate([edge_index[1], _N + pad_idx % (_NPAD - _N)
                            ]).reshape(_NW, _NCH, _CHUNK)
    zeros_deg = jnp.zeros((_STRIPE,), _f32)
    ones_chunk = jnp.ones((_CHUNK,), _f32)
    y_c = y.reshape(_G, 1)
    w1a = W1[:_D]
    w1b = W1[_D:]

    degp = _deg_kernel(dst3, zeros_deg, ones_chunk)
    degp3 = degp.reshape(_NC, _GRID, _BR).transpose(1, 2, 0)
    g1, dinv = _tck_a(x, degp3, batch_c, y_c, w1a, w1b)
    acc1 = _conv_kernel(g1, src3, dst3)
    g2 = _tck_b(acc1, g1, dinv, b1.reshape(1, _HID), W2)
    acc2 = _conv_kernel(g2, src3, dst3)
    return _tck_c(acc2, g2, dinv, b2.reshape(1, _HID), batch_c,
                  bn_g.reshape(1, _HID), bn_b.reshape(1, _HID), fcW,
                  fcb.reshape(1, 1))

# --- scband reference (transcript-rebuilt; emitter-appended) ---
"""Pipeline reference for scband-graph-discriminator-2413771620736 (READ-ONLY COPY).

The authoritative reference and input builder live on the scoring server;
editing this copy changes nothing except your own understanding.
"""

import jax, jax.numpy as jnp
import numpy as np

N = 10000
E = 320000
D = 128
COND = 10
G = 64
HID = 128
EPS = 1e-5


def gcn_conv(x, edge_index, W, b):
    # PyG GCNConv: add self-loops, symmetric normalization, linear transform, scatter-add aggregation
    num_nodes = x.shape[0]
    loop = jnp.arange(num_nodes, dtype=edge_index.dtype)
    src = jnp.concatenate([edge_index[0], loop])
    dst = jnp.concatenate([edge_index[1], loop])
    deg = jnp.zeros((num_nodes,), dtype=x.dtype).at[dst].add(1.0)
    dinv = jnp.where(deg > 0, 1.0 / jnp.sqrt(deg), 0.0)
    norm = dinv[src] * dinv[dst]
    h = x @ W
    msg = h[src] * norm[:, None]
    out = jnp.zeros((num_nodes, W.shape[1]), dtype=x.dtype).at[dst].add(msg)
    return out + b


def setup_inputs(seed: int = 0) -> dict:
    key = jax.random.key(seed)
    ks = jax.random.split(key, 12)
    x = jax.random.normal(ks[0], (N, D), dtype=jnp.float32)
    edge_index = jax.random.randint(ks[1], (2, E), 0, N, dtype=jnp.int32)
    batch = jnp.sort(jax.random.randint(ks[2], (N,), 0, G, dtype=jnp.int32))
    y = jax.random.randint(ks[3], (G,), 0, COND, dtype=jnp.int32)
    W1 = jax.random.normal(ks[4], (D + COND, HID), dtype=jnp.float32) * 0.05
    b1 = jnp.zeros((HID,), dtype=jnp.float32)
    W2 = jax.random.normal(ks[5], (HID, HID), dtype=jnp.float32) * 0.05
    b2 = jnp.zeros((HID,), dtype=jnp.float32)
    bn_g = jnp.ones((HID,), dtype=jnp.float32)
    bn_b = jnp.zeros((HID,), dtype=jnp.float32)
    fcW = jax.random.normal(ks[6], (HID, 1), dtype=jnp.float32) * 0.05
    fcb = jnp.zeros((1,), dtype=jnp.float32)
    return {"x": x, "edge_index": edge_index, "batch": batch, "y": y,
            "W1": W1, "b1": b1, "W2": W2, "b2": b2,
            "bn_g": bn_g, "bn_b": bn_b, "fcW": fcW, "fcb": fcb}


def reference(x, edge_index, batch, y, W1, b1, W2, b2, bn_g, bn_b, fcW, fcb):
    node_counts = jnp.bincount(batch, length=G)
    expanded_labels = jnp.repeat(y, node_counts, total_repeat_length=N)
    condition = jax.nn.one_hot(expanded_labels, COND, dtype=x.dtype)
    h = jnp.concatenate([x, condition], axis=1)
    # conv1 + relu (note: bn1 is defined in __init__ but never used in forward)
    h = jax.nn.relu(gcn_conv(h, edge_index, W1, b1))
    # network: GCNConv (with relu applied in the loop), then BatchNorm1d, then ReLU
    h = jax.nn.relu(gcn_conv(h, edge_index, W2, b2))
    mean = jnp.mean(h, axis=0)
    var = jnp.var(h, axis=0)
    h = (h - mean) / jnp.sqrt(var + EPS) * bn_g + bn_b
    h = jax.nn.relu(h)
    # global mean pool
    sums = jax.ops.segment_sum(h, batch, num_segments=G)
    cnt = jnp.maximum(node_counts, 1).astype(h.dtype)
    pooled = sums / cnt[:, None]
    return jax.nn.sigmoid(pooled @ fcW + fcb)

if __name__ == "__main__":
    import jax
    _d = setup_inputs()
    print(jax.jit(kernel)(*tuple(_d.values())))

</pallas_src>

<mosaic_0001>
#map = affine_map<(d0, d1) -> (0, 0, 0)>
#map1 = affine_map<(d0, d1) -> (0)>
#map2 = affine_map<(d0, d1) -> (0, 0)>
module attributes {stable_mosaic.version = 14 : i64} {
  func.func @_deg_kernel(%arg0: i32, %arg1: i32, %arg2: memref<32x80x128xi32, #tpu.memory_space<hbm>>, %arg3: memref<640xf32, #tpu.memory_space<hbm>>, %arg4: memref<128xf32, #tpu.memory_space<hbm>>, %arg5: memref<2x10240xf32, #tpu.memory_space<hbm>>, %arg6: memref<80x128xi32, #tpu.memory_space<vmem>>, %arg7: memref<128xf32, #tpu.memory_space<vmem>>, %arg8: memref<10240xf32, #tpu.memory_space<vmem_shared>>) attributes {dimension_semantics = [#tpu.dimension_semantics<core_parallel>, #tpu.dimension_semantics<subcore_parallel>], iteration_bounds = array<i64: 2, 16>, scalar_prefetch = 0 : i64, scratch_operands = 3 : i64, tpu.core_type = #tpu.core_type<sc_vector_subcore>, window_params = [{transform_indices = #map}, {transform_indices = #map1}, {transform_indices = #map1}, {transform_indices = #map2}]} {
    %mul3A = arith.constant 16 : i32
    %mul3A_0 = arith.muli %arg0, %mul3A : i32
    %add3A = arith.addi %mul3A_0, %arg1 : i32
    "tpu.region"() ({
      %run_scoped3A = tpu.sem_alloc : memref<!tpu.dma_semaphore, #tpu.memory_space<semaphore_mem>>
      %dma_start3A = arith.constant 0 : i32
      %dma_start3A_13 = arith.constant 0 : i32
      %dma_start3A_14 = tpu.memref_slice %arg2[%add3A, %dma_start3A, %dma_start3A_13] : memref<32x80x128xi32, #tpu.memory_space<hbm>> -> memref<1x80x128xi32, #tpu.memory_space<hbm>>
      %dma_start3A_15 = tpu.memref_squeeze %dma_start3A_14 : memref<1x80x128xi32, #tpu.memory_space<hbm>> -> memref<80x128xi32, #tpu.memory_space<hbm>>
      %dma_start3A_16 = arith.constant 0 : i32
      %dma_start3A_17 = arith.constant 0 : i32
      %dma_start3A_18 = tpu.memref_slice %arg2[%add3A, %dma_start3A_16, %dma_start3A_17] : memref<32x80x128xi32, #tpu.memory_space<hbm>> -> memref<1x80x128xi32, #tpu.memory_space<hbm>>
      %dma_start3A_19 = tpu.memref_squeeze %dma_start3A_18 : memref<1x80x128xi32, #tpu.memory_space<hbm>> -> memref<80x128xi32, #tpu.memory_space<hbm>>
      tpu.enqueue_dma source(%dma_start3A_19 : memref<80x128xi32, #tpu.memory_space<hbm>>) target(%arg6 : memref<80x128xi32, #tpu.memory_space<vmem>>) target_semaphore(%run_scoped3A : memref<!tpu.dma_semaphore, #tpu.memory_space<semaphore_mem>>)
      %dma_wait3A = arith.constant 0 : i32
      %dma_wait3A_20 = arith.constant 0 : i32
      %dma_wait3A_21 = tpu.memref_slice %arg2[%add3A, %dma_wait3A, %dma_wait3A_20] : memref<32x80x128xi32, #tpu.memory_space<hbm>> -> memref<1x80x128xi32, #tpu.memory_space<hbm>>
      %dma_wait3A_22 = tpu.memref_squeeze %dma_wait3A_21 : memref<1x80x128xi32, #tpu.memory_space<hbm>> -> memref<80x128xi32, #tpu.memory_space<hbm>>
      %dma_wait3A_23 = arith.constant 0 : i32
      %dma_wait3A_24 = arith.constant 0 : i32
      %dma_wait3A_25 = tpu.memref_slice %arg2[%add3A, %dma_wait3A_23, %dma_wait3A_24] : memref<32x80x128xi32, #tpu.memory_space<hbm>> -> memref<1x80x128xi32, #tpu.memory_space<hbm>>
      %dma_wait3A_26 = tpu.memref_squeeze %dma_wait3A_25 : memref<1x80x128xi32, #tpu.memory_space<hbm>> -> memref<80x128xi32, #tpu.memory_space<hbm>>
      tpu.wait_dma2 semaphore(%run_scoped3A : memref<!tpu.dma_semaphore, #tpu.memory_space<semaphore_mem>>) src(%dma_wait3A_26 : memref<80x128xi32, #tpu.memory_space<hbm>>) dst(%arg6 : memref<80x128xi32, #tpu.memory_space<vmem>>)
      tpu.yield
    }) : () -> ()
    "tpu.region"() ({
      %run_scoped3A = tpu.sem_alloc : memref<!tpu.dma_semaphore, #tpu.memory_space<semaphore_mem>>
      tpu.enqueue_dma source(%arg4 : memref<128xf32, #tpu.memory_space<hbm>>) target(%arg7 : memref<128xf32, #tpu.memory_space<vmem>>) target_semaphore(%run_scoped3A : memref<!tpu.dma_semaphore, #tpu.memory_space<semaphore_mem>>)
      tpu.wait_dma2 semaphore(%run_scoped3A : memref<!tpu.dma_semaphore, #tpu.memory_space<semaphore_mem>>) src(%arg4 : memref<128xf32, #tpu.memory_space<hbm>>) dst(%arg7 : memref<128xf32, #tpu.memory_space<vmem>>)
      tpu.yield
    }) : () -> ()
    %mul3A_1 = arith.constant 640 : i32
    %mul3A_2 = arith.muli %arg1, %mul3A_1 : i32
    "tpu.region"() ({
      %run_scoped3A = tpu.sem_alloc : memref<!tpu.dma_semaphore, #tpu.memory_space<semaphore_mem>>
      %dma_start3A = tpu.memref_slice %arg8[%mul3A_2] : memref<10240xf32, #tpu.memory_space<vmem_shared>> -> memref<640xf32, #tpu.memory_space<vmem_shared>>
      tpu.enqueue_dma source(%arg3 : memref<640xf32, #tpu.memory_space<hbm>>) target(%dma_start3A : memref<640xf32, #tpu.memory_space<vmem_shared>>) target_semaphore(%run_scoped3A : memref<!tpu.dma_semaphore, #tpu.memory_space<semaphore_mem>>)
      %dma_wait3A = tpu.memref_slice %arg8[%mul3A_2] : memref<10240xf32, #tpu.memory_space<vmem_shared>> -> memref<640xf32, #tpu.memory_space<vmem_shared>>
      tpu.wait_dma2 semaphore(%run_scoped3A : memref<!tpu.dma_semaphore, #tpu.memory_space<semaphore_mem>>) src(%arg3 : memref<640xf32, #tpu.memory_space<hbm>>) dst(%dma_wait3A : memref<640xf32, #tpu.memory_space<vmem_shared>>)
      tpu.yield
    }) : () -> ()
    %barrier3A = arith.constant 0 : index
    tpu.barrier barrier_id(%barrier3A)
    %scan3A = arith.constant 0 : i32
    %scan3A_3 = arith.constant 0 : i32
    %scan3A_4 = arith.constant 80 : i32
    %scan3A_5 = arith.addi %scan3A_3, %scan3A_4 : i32
    %scan3A_6 = arith.constant 1 : i32
    scf.for %scan3A_13 = %scan3A_3 to %scan3A_5 step %scan3A_6  : i32 {
      "tpu.region"() ({
        %run_scoped3A = tpu.sem_alloc : memref<!tpu.dma_semaphore, #tpu.memory_space<semaphore_mem>>
        %dma_start3A = arith.constant 0 : i32
        %dma_start3A_14 = tpu.memref_slice %arg6[%scan3A_13, %dma_start3A] : memref<80x128xi32, #tpu.memory_space<vmem>> -> memref<1x128xi32, #tpu.memory_space<vmem>>
        %dma_start3A_15 = tpu.memref_squeeze %dma_start3A_14 : memref<1x128xi32, #tpu.memory_space<vmem>> -> memref<128xi32, #tpu.memory_space<vmem>>
        %dma_start3A_16 = arith.constant 0 : i32
        %dma_start3A_17 = tpu.memref_slice %arg8[%dma_start3A_16] : memref<10240xf32, #tpu.memory_space<vmem_shared>> -> memref<10240xf32, #tpu.memory_space<vmem_shared>>
        tpu.enqueue_indirect_dma source(%arg7 : memref<128xf32, #tpu.memory_space<vmem>>) target(%dma_start3A_17 : memref<10240xf32, #tpu.memory_space<vmem_shared>>) offsets(%dma_start3A_15 : memref<128xi32, #tpu.memory_space<vmem>>) semaphore(%run_scoped3A : memref<!tpu.dma_semaphore, #tpu.memory_space<semaphore_mem>>) {add = true}
        %dma_wait3A = arith.constant 0 : i32
        %dma_wait3A_18 = tpu.memref_slice %arg6[%scan3A_13, %dma_wait3A] : memref<80x128xi32, #tpu.memory_space<vmem>> -> memref<1x128xi32, #tpu.memory_space<vmem>>
        %dma_wait3A_19 = tpu.memref_squeeze %dma_wait3A_18 : memref<1x128xi32, #tpu.memory_space<vmem>> -> memref<128xi32, #tpu.memory_space<vmem>>
        %dma_wait3A_20 = arith.constant 0 : i32
        %dma_wait3A_21 = tpu.memref_slice %arg8[%dma_wait3A_20] : memref<10240xf32, #tpu.memory_space<vmem_shared>> -> memref<10240xf32, #tpu.memory_space<vmem_shared>>
        tpu.wait_indirect_dma semaphore(%run_scoped3A : memref<!tpu.dma_semaphore, #tpu.memory_space<semaphore_mem>>) src(%arg7 : memref<128xf32, #tpu.memory_space<vmem>>) dst(%dma_wait3A_21 : memref<10240xf32, #tpu.memory_space<vmem_shared>>)
        tpu.yield
      }) : () -> ()
    }
    %scan3A_7 = arith.constant 80 : i32
    %barrier3A_8 = arith.constant 0 : index
    tpu.barrier barrier_id(%barrier3A_8)
    %mul3A_9 = arith.constant 640 : i32
    %mul3A_10 = arith.muli %arg1, %mul3A_9 : i32
    %mul3A_11 = arith.constant 640 : i32
    %mul3A_12 = arith.muli %arg1, %mul3A_11 : i32
    "tpu.region"() ({
      %run_scoped3A = tpu.sem_alloc : memref<!tpu.dma_semaphore, #tpu.memory_space<semaphore_mem>>
      %dma_start3A = tpu.memref_slice %arg5[%arg0, %mul3A_12] : memref<2x10240xf32, #tpu.memory_space<hbm>> -> memref<1x640xf32, #tpu.memory_space<hbm>>
      %dma_start3A_13 = tpu.memref_squeeze %dma_start3A : memref<1x640xf32, #tpu.memory_space<hbm>> -> memref<640xf32, #tpu.memory_space<hbm>>
      %dma_start3A_14 = tpu.memref_slice %arg8[%mul3A_10] : memref<10240xf32, #tpu.memory_space<vmem_shared>> -> memref<640xf32, #tpu.memory_space<vmem_shared>>
      tpu.enqueue_dma source(%dma_start3A_14 : memref<640xf32, #tpu.memory_space<vmem_shared>>) target(%dma_start3A_13 : memref<640xf32, #tpu.memory_space<hbm>>) target_semaphore(%run_scoped3A : memref<!tpu.dma_semaphore, #tpu.memory_space<semaphore_mem>>)
      %dma_wait3A = tpu.memref_slice %arg5[%arg0, %mul3A_12] : memref<2x10240xf32, #tpu.memory_space<hbm>> -> memref<1x640xf32, #tpu.memory_space<hbm>>
      %dma_wait3A_15 = tpu.memref_squeeze %dma_wait3A : memref<1x640xf32, #tpu.memory_space<hbm>> -> memref<640xf32, #tpu.memory_space<hbm>>
      %dma_wait3A_16 = tpu.memref_slice %arg8[%mul3A_10] : memref<10240xf32, #tpu.memory_space<vmem_shared>> -> memref<640xf32, #tpu.memory_space<vmem_shared>>
      tpu.wait_dma2 semaphore(%run_scoped3A : memref<!tpu.dma_semaphore, #tpu.memory_space<semaphore_mem>>) src(%dma_wait3A_16 : memref<640xf32, #tpu.memory_space<vmem_shared>>) dst(%dma_wait3A_15 : memref<640xf32, #tpu.memory_space<hbm>>)
      tpu.yield
    }) : () -> ()
    return
  }
}

#map = affine_map<(d0, d1) -> (0, 0)>
#map1 = affine_map<(d0, d1) -> (0, 0, 0)>
module attributes {stable_mosaic.version = 14 : i64} {
  func.func @_conv_kernel(%arg0: i32, %arg1: i32, %arg2: memref<10240x128xf32, #tpu.memory_space<hbm>>, %arg3: memref<32x80x128xi32, #tpu.memory_space<hbm>>, %arg4: memref<32x80x128xi32, #tpu.memory_space<hbm>>, %arg5: memref<2x10240x128xf32, #tpu.memory_space<hbm>>, %arg6: memref<40x128xi32, #tpu.memory_space<vmem>>, %arg7: memref<40x128xi32, #tpu.memory_space<vmem>>, %arg8: memref<128x128xf32, #tpu.memory_space<vmem>>, %arg9: memref<128x128xf32, #tpu.memory_space<vmem>>, %arg10: memref<10240x128xf32, #tpu.memory_space<vmem_shared>>, %arg11: memref<!tpu.dma_semaphore, #tpu.memory_space<semaphore_mem>>, %arg12: memref<!tpu.dma_semaphore, #tpu.memory_space<semaphore_mem>>) attributes {dimension_semantics = [#tpu.dimension_semantics<core_parallel>, #tpu.dimension_semantics<subcore_parallel>], iteration_bounds = array<i64: 2, 16>, scalar_prefetch = 0 : i64, scratch_operands = 7 : i64, tpu.core_type = #tpu.core_type<sc_vector_subcore>, window_params = [{transform_indices = #map}, {transform_indices = #map1}, {transform_indices = #map1}, {transform_indices = #map1}]} {
    %mul3A = arith.constant 16 : i32
    %mul3A_0 = arith.muli %arg0, %mul3A : i32
    %add3A = arith.addi %mul3A_0, %arg1 : i32
    %scan3A = arith.constant 0 : i32
    %scan3A_1 = arith.constant 0 : i32
    %scan3A_2 = arith.constant 128 : i32
    %scan3A_3 = arith.addi %scan3A_1, %scan3A_2 : i32
    %scan3A_4 = arith.constant 1 : i32
    scf.for %scan3A_56 = %scan3A_1 to %scan3A_3 step %scan3A_4  : i32 {
      %broadcast_in_dim3A = arith.constant 0.000000e+00 : f32
      %broadcast_in_dim3A_57 = vector.broadcast %broadcast_in_dim3A : f32 to vector<16xf32>
      %swap3A = arith.index_cast %scan3A_56 : i32 to index
      %swap3A_58 = arith.constant 0 : index
      %swap3A_59 = tpu.vector_load %arg8[%swap3A, %swap3A_58] {strides = array<i32>} : memref<128x128xf32, #tpu.memory_space<vmem>>, vector<1x16xf32>,
      %swap3A_60 = vector.shape_cast %swap3A_59 : vector<1x16xf32> to vector<16xf32>
      %swap3A_61 = vector.shape_cast %broadcast_in_dim3A_57 : vector<16xf32> to vector<1x16xf32>
      tpu.vector_store %arg8[%swap3A, %swap3A_58], %swap3A_61 {strides = array<i32>} : memref<128x128xf32, #tpu.memory_space<vmem>>, vector<1x16xf32>,
      %broadcast_in_dim3A_62 = arith.constant 0.000000e+00 : f32
      %broadcast_in_dim3A_63 = vector.broadcast %broadcast_in_dim3A_62 : f32 to vector<16xf32>
      %swap3A_64 = arith.index_cast %scan3A_56 : i32 to index
      %swap3A_65 = arith.constant 16 : index
      %swap3A_66 = tpu.vector_load %arg8[%swap3A_64, %swap3A_65] {strides = array<i32>} : memref<128x128xf32, #tpu.memory_space<vmem>>, vector<1x16xf32>,
      %swap3A_67 = vector.shape_cast %swap3A_66 : vector<1x16xf32> to vector<16xf32>
      %swap3A_68 = vector.shape_cast %broadcast_in_dim3A_63 : vector<16xf32> to vector<1x16xf32>
      tpu.vector_store %arg8[%swap3A_64, %swap3A_65], %swap3A_68 {strides = array<i32>} : memref<128x128xf32, #tpu.memory_space<vmem>>, vector<1x16xf32>,
      %broadcast_in_dim3A_69 = arith.constant 0.000000e+00 : f32
      %broadcast_in_dim3A_70 = vector.broadcast %broadcast_in_dim3A_69 : f32 to vector<16xf32>
      %swap3A_71 = arith.index_cast %scan3A_56 : i32 to index
      %swap3A_72 = arith.constant 32 : index
      %swap3A_73 = tpu.vector_load %arg8[%swap3A_71, %swap3A_72] {strides = array<i32>} : memref<128x128xf32, #tpu.memory_space<vmem>>, vector<1x16xf32>,
      %swap3A_74 = vector.shape_cast %swap3A_73 : vector<1x16xf32> to vector<16xf32>
      %swap3A_75 = vector.shape_cast %broadcast_in_dim3A_70 : vector<16xf32> to vector<1x16xf32>
      tpu.vector_store %arg8[%swap3A_71, %swap3A_72], %swap3A_75 {strides = array<i32>} : memref<128x128xf32, #tpu.memory_space<vmem>>, vector<1x16xf32>,
      %broadcast_in_dim3A_76 = arith.constant 0.000000e+00 : f32
      %broadcast_in_dim3A_77 = vector.broadcast %broadcast_in_dim3A_76 : f32 to vector<16xf32>
      %swap3A_78 = arith.index_cast %scan3A_56 : i32 to index
      %swap3A_79 = arith.constant 48 : index
      %swap3A_80 = tpu.vector_load %arg8[%swap3A_78, %swap3A_79] {strides = array<i32>} : memref<128x128xf32, #tpu.memory_space<vmem>>, vector<1x16xf32>,
      %swap3A_81 = vector.shape_cast %swap3A_80 : vector<1x16xf32> to vector<16xf32>
      %swap3A_82 = vector.shape_cast %broadcast_in_dim3A_77 : vector<16xf32> to vector<1x16xf32>
      tpu.vector_store %arg8[%swap3A_78, %swap3A_79], %swap3A_82 {strides = array<i32>} : memref<128x128xf32, #tpu.memory_space<vmem>>, vector<1x16xf32>,
      %broadcast_in_dim3A_83 = arith.constant 0.000000e+00 : f32
      %broadcast_in_dim3A_84 = vector.broadcast %broadcast_in_dim3A_83 : f32 to vector<16xf32>
      %swap3A_85 = arith.index_cast %scan3A_56 : i32 to index
      %swap3A_86 = arith.constant 64 : index
      %swap3A_87 = tpu.vector_load %arg8[%swap3A_85, %swap3A_86] {strides = array<i32>} : memref<128x128xf32, #tpu.memory_space<vmem>>, vector<1x16xf32>,
      %swap3A_88 = vector.shape_cast %swap3A_87 : vector<1x16xf32> to vector<16xf32>
      %swap3A_89 = vector.shape_cast %broadcast_in_dim3A_84 : vector<16xf32> to vector<1x16xf32>
      tpu.vector_store %arg8[%swap3A_85, %swap3A_86], %swap3A_89 {strides = array<i32>} : memref<128x128xf32, #tpu.memory_space<vmem>>, vector<1x16xf32>,
      %broadcast_in_dim3A_90 = arith.constant 0.000000e+00 : f32
      %broadcast_in_dim3A_91 = vector.broadcast %broadcast_in_dim3A_90 : f32 to vector<16xf32>
      %swap3A_92 = arith.index_cast %scan3A_56 : i32 to index
      %swap3A_93 = arith.constant 80 : index
      %swap3A_94 = tpu.vector_load %arg8[%swap3A_92, %swap3A_93] {strides = array<i32>} : memref<128x128xf32, #tpu.memory_space<vmem>>, vector<1x16xf32>,
      %swap3A_95 = vector.shape_cast %swap3A_94 : vector<1x16xf32> to vector<16xf32>
      %swap3A_96 = vector.shape_cast %broadcast_in_dim3A_91 : vector<16xf32> to vector<1x16xf32>
      tpu.vector_store %arg8[%swap3A_92, %swap3A_93], %swap3A_96 {strides = array<i32>} : memref<128x128xf32, #tpu.memory_space<vmem>>, vector<1x16xf32>,
      %broadcast_in_dim3A_97 = arith.constant 0.000000e+00 : f32
      %broadcast_in_dim3A_98 = vector.broadcast %broadcast_in_dim3A_97 : f32 to vector<16xf32>
      %swap3A_99 = arith.index_cast %scan3A_56 : i32 to index
      %swap3A_100 = arith.constant 96 : index
      %swap3A_101 = tpu.vector_load %arg8[%swap3A_99, %swap3A_100] {strides = array<i32>} : memref<128x128xf32, #tpu.memory_space<vmem>>, vector<1x16xf32>,
      %swap3A_102 = vector.shape_cast %swap3A_101 : vector<1x16xf32> to vector<16xf32>
      %swap3A_103 = vector.shape_cast %broadcast_in_dim3A_98 : vector<16xf32> to vector<1x16xf32>
      tpu.vector_store %arg8[%swap3A_99, %swap3A_100], %swap3A_103 {strides = array<i32>} : memref<128x128xf32, #tpu.memory_space<vmem>>, vector<1x16xf32>,
      %broadcast_in_dim3A_104 = arith.constant 0.000000e+00 : f32
      %broadcast_in_dim3A_105 = vector.broadcast %broadcast_in_dim3A_104 : f32 to vector<16xf32>
      %swap3A_106 = arith.index_cast %scan3A_56 : i32 to index
      %swap3A_107 = arith.constant 112 : index
      %swap3A_108 = tpu.vector_load %arg8[%swap3A_106, %swap3A_107] {strides = array<i32>} : memref<128x128xf32, #tpu.memory_space<vmem>>, vector<1x16xf32>,
      %swap3A_109 = vector.shape_cast %swap3A_108 : vector<1x16xf32> to vector<16xf32>
      %swap3A_110 = vector.shape_cast %broadcast_in_dim3A_105 : vector<16xf32> to vector<1x16xf32>
      tpu.vector_store %arg8[%swap3A_106, %swap3A_107], %swap3A_110 {strides = array<i32>} : memref<128x128xf32, #tpu.memory_space<vmem>>, vector<1x16xf32>,
    }
    %scan3A_5 = arith.constant 128 : i32
    %mul3A_6 = arith.constant 640 : i32
    %mul3A_7 = arith.muli %arg1, %mul3A_6 : i32
    %add3A_8 = arith.constant 0 : i32
    %add3A_9 = arith.addi %mul3A_7, %add3A_8 : i32
    "tpu.region"() ({
      %run_scoped3A = tpu.sem_alloc : memref<!tpu.dma_semaphore, #tpu.memory_space<semaphore_mem>>
      %dma_start3A_56 = arith.constant 0 : i32
      %dma_start3A_57 = tpu.memref_slice %arg10[%add3A_9, %dma_start3A_56] : memref<10240x128xf32, #tpu.memory_space<vmem_shared>> -> memref<128x128xf32, #tpu.memory_space<vmem_shared>>
      %dma_start3A_58 = arith.constant 0 : i32
      %dma_start3A_59 = tpu.memref_slice %arg10[%add3A_9, %dma_start3A_58] : memref<10240x128xf32, #tpu.memory_space<vmem_shared>> -> memref<128x128xf32, #tpu.memory_space<vmem_shared>>
      tpu.enqueue_dma source(%arg8 : memref<128x128xf32, #tpu.memory_space<vmem>>) target(%dma_start3A_59 : memref<128x128xf32, #tpu.memory_space<vmem_shared>>) target_semaphore(%run_scoped3A : memref<!tpu.dma_semaphore, #tpu.memory_space<semaphore_mem>>)
      %dma_wait3A = arith.constant 0 : i32
      %dma_wait3A_60 = tpu.memref_slice %arg10[%add3A_9, %dma_wait3A] : memref<10240x128xf32, #tpu.memory_space<vmem_shared>> -> memref<128x128xf32, #tpu.memory_space<vmem_shared>>
      %dma_wait3A_61 = arith.constant 0 : i32
      %dma_wait3A_62 = tpu.memref_slice %arg10[%add3A_9, %dma_wait3A_61] : memref<10240x128xf32, #tpu.memory_space<vmem_shared>> -> memref<128x128xf32, #tpu.memory_space<vmem_shared>>
      tpu.wait_dma2 semaphore(%run_scoped3A : memref<!tpu.dma_semaphore, #tpu.memory_space<semaphore_mem>>) src(%arg8 : memref<128x128xf32, #tpu.memory_space<vmem>>) dst(%dma_wait3A_62 : memref<128x128xf32, #tpu.memory_space<vmem_shared>>)
      tpu.yield
    }) : () -> ()
    %mul3A_10 = arith.constant 640 : i32
    %mul3A_11 = arith.muli %arg1, %mul3A_10 : i32
    %add3A_12 = arith.constant 128 : i32
    %add3A_13 = arith.addi %mul3A_11, %add3A_12 : i32
    "tpu.region"() ({
      %run_scoped3A = tpu.sem_alloc : memref<!tpu.dma_semaphore, #tpu.memory_space<semaphore_mem>>
      %dma_start3A_56 = arith.constant 0 : i32
      %dma_start3A_57 = tpu.memref_slice %arg10[%add3A_13, %dma_start3A_56] : memref<10240x128xf32, #tpu.memory_space<vmem_shared>> -> memref<128x128xf32, #tpu.memory_space<vmem_shared>>
      %dma_start3A_58 = arith.constant 0 : i32
      %dma_start3A_59 = tpu.memref_slice %arg10[%add3A_13, %dma_start3A_58] : memref<10240x128xf32, #tpu.memory_space<vmem_shared>> -> memref<128x128xf32, #tpu.memory_space<vmem_shared>>
      tpu.enqueue_dma source(%arg8 : memref<128x128xf32, #tpu.memory_space<vmem>>) target(%dma_start3A_59 : memref<128x128xf32, #tpu.memory_space<vmem_shared>>) target_semaphore(%run_scoped3A : memref<!tpu.dma_semaphore, #tpu.memory_space<semaphore_mem>>)
      %dma_wait3A = arith.constant 0 : i32
      %dma_wait3A_60 = tpu.memref_slice %arg10[%add3A_13, %dma_wait3A] : memref<10240x128xf32, #tpu.memory_space<vmem_shared>> -> memref<128x128xf32, #tpu.memory_space<vmem_shared>>
      %dma_wait3A_61 = arith.constant 0 : i32
      %dma_wait3A_62 = tpu.memref_slice %arg10[%add3A_13, %dma_wait3A_61] : memref<10240x128xf32, #tpu.memory_space<vmem_shared>> -> memref<128x128xf32, #tpu.memory_space<vmem_shared>>
      tpu.wait_dma2 semaphore(%run_scoped3A : memref<!tpu.dma_semaphore, #tpu.memory_space<semaphore_mem>>) src(%arg8 : memref<128x128xf32, #tpu.memory_space<vmem>>) dst(%dma_wait3A_62 : memref<128x128xf32, #tpu.memory_space<vmem_shared>>)
      tpu.yield
    }) : () -> ()
    %mul3A_14 = arith.constant 640 : i32
    %mul3A_15 = arith.muli %arg1, %mul3A_14 : i32
    %add3A_16 = arith.constant 256 : i32
    %add3A_17 = arith.addi %mul3A_15, %add3A_16 : i32
    "tpu.region"() ({
      %run_scoped3A = tpu.sem_alloc : memref<!tpu.dma_semaphore, #tpu.memory_space<semaphore_mem>>
      %dma_start3A_56 = arith.constant 0 : i32
      %dma_start3A_57 = tpu.memref_slice %arg10[%add3A_17, %dma_start3A_56] : memref<10240x128xf32, #tpu.memory_space<vmem_shared>> -> memref<128x128xf32, #tpu.memory_space<vmem_shared>>
      %dma_start3A_58 = arith.constant 0 : i32
      %dma_start3A_59 = tpu.memref_slice %arg10[%add3A_17, %dma_start3A_58] : memref<10240x128xf32, #tpu.memory_space<vmem_shared>> -> memref<128x128xf32, #tpu.memory_space<vmem_shared>>
      tpu.enqueue_dma source(%arg8 : memref<128x128xf32, #tpu.memory_space<vmem>>) target(%dma_start3A_59 : memref<128x128xf32, #tpu.memory_space<vmem_shared>>) target_semaphore(%run_scoped3A : memref<!tpu.dma_semaphore, #tpu.memory_space<semaphore_mem>>)
      %dma_wait3A = arith.constant 0 : i32
      %dma_wait3A_60 = tpu.memref_slice %arg10[%add3A_17, %dma_wait3A] : memref<10240x128xf32, #tpu.memory_space<vmem_shared>> -> memref<128x128xf32, #tpu.memory_space<vmem_shared>>
      %dma_wait3A_61 = arith.constant 0 : i32
      %dma_wait3A_62 = tpu.memref_slice %arg10[%add3A_17, %dma_wait3A_61] : memref<10240x128xf32, #tpu.memory_space<vmem_shared>> -> memref<128x128xf32, #tpu.memory_space<vmem_shared>>
      tpu.wait_dma2 semaphore(%run_scoped3A : memref<!tpu.dma_semaphore, #tpu.memory_space<semaphore_mem>>) src(%arg8 : memref<128x128xf32, #tpu.memory_space<vmem>>) dst(%dma_wait3A_62 : memref<128x128xf32, #tpu.memory_space<vmem_shared>>)
      tpu.yield
    }) : () -> ()
    %mul3A_18 = arith.constant 640 : i32
    %mul3A_19 = arith.muli %arg1, %mul3A_18 : i32
    %add3A_20 = arith.constant 384 : i32
    %add3A_21 = arith.addi %mul3A_19, %add3A_20 : i32
    "tpu.region"() ({
      %run_scoped3A = tpu.sem_alloc : memref<!tpu.dma_semaphore, #tpu.memory_space<semaphore_mem>>
      %dma_start3A_56 = arith.constant 0 : i32
      %dma_start3A_57 = tpu.memref_slice %arg10[%add3A_21, %dma_start3A_56] : memref<10240x128xf32, #tpu.memory_space<vmem_shared>> -> memref<128x128xf32, #tpu.memory_space<vmem_shared>>
      %dma_start3A_58 = arith.constant 0 : i32
      %dma_start3A_59 = tpu.memref_slice %arg10[%add3A_21, %dma_start3A_58] : memref<10240x128xf32, #tpu.memory_space<vmem_shared>> -> memref<128x128xf32, #tpu.memory_space<vmem_shared>>
      tpu.enqueue_dma source(%arg8 : memref<128x128xf32, #tpu.memory_space<vmem>>) target(%dma_start3A_59 : memref<128x128xf32, #tpu.memory_space<vmem_shared>>) target_semaphore(%run_scoped3A : memref<!tpu.dma_semaphore, #tpu.memory_space<semaphore_mem>>)
      %dma_wait3A = arith.constant 0 : i32
      %dma_wait3A_60 = tpu.memref_slice %arg10[%add3A_21, %dma_wait3A] : memref<10240x128xf32, #tpu.memory_space<vmem_shared>> -> memref<128x128xf32, #tpu.memory_space<vmem_shared>>
      %dma_wait3A_61 = arith.constant 0 : i32
      %dma_wait3A_62 = tpu.memref_slice %arg10[%add3A_21, %dma_wait3A_61] : memref<10240x128xf32, #tpu.memory_space<vmem_shared>> -> memref<128x128xf32, #tpu.memory_space<vmem_shared>>
      tpu.wait_dma2 semaphore(%run_scoped3A : memref<!tpu.dma_semaphore, #tpu.memory_space<semaphore_mem>>) src(%arg8 : memref<128x128xf32, #tpu.memory_space<vmem>>) dst(%dma_wait3A_62 : memref<128x128xf32, #tpu.memory_space<vmem_shared>>)
      tpu.yield
    }) : () -> ()
    %mul3A_22 = arith.constant 640 : i32
    %mul3A_23 = arith.muli %arg1, %mul3A_22 : i32
    %add3A_24 = arith.constant 512 : i32
    %add3A_25 = arith.addi %mul3A_23, %add3A_24 : i32
    "tpu.region"() ({
      %run_scoped3A = tpu.sem_alloc : memref<!tpu.dma_semaphore, #tpu.memory_space<semaphore_mem>>
      %dma_start3A_56 = arith.constant 0 : i32
      %dma_start3A_57 = tpu.memref_slice %arg10[%add3A_25, %dma_start3A_56] : memref<10240x128xf32, #tpu.memory_space<vmem_shared>> -> memref<128x128xf32, #tpu.memory_space<vmem_shared>>
      %dma_start3A_58 = arith.constant 0 : i32
      %dma_start3A_59 = tpu.memref_slice %arg10[%add3A_25, %dma_start3A_58] : memref<10240x128xf32, #tpu.memory_space<vmem_shared>> -> memref<128x128xf32, #tpu.memory_space<vmem_shared>>
      tpu.enqueue_dma source(%arg8 : memref<128x128xf32, #tpu.memory_space<vmem>>) target(%dma_start3A_59 : memref<128x128xf32, #tpu.memory_space<vmem_shared>>) target_semaphore(%run_scoped3A : memref<!tpu.dma_semaphore, #tpu.memory_space<semaphore_mem>>)
      %dma_wait3A = arith.constant 0 : i32
      %dma_wait3A_60 = tpu.memref_slice %arg10[%add3A_25, %dma_wait3A] : memref<10240x128xf32, #tpu.memory_space<vmem_shared>> -> memref<128x128xf32, #tpu.memory_space<vmem_shared>>
      %dma_wait3A_61 = arith.constant 0 : i32
      %dma_wait3A_62 = tpu.memref_slice %arg10[%add3A_25, %dma_wait3A_61] : memref<10240x128xf32, #tpu.memory_space<vmem_shared>> -> memref<128x128xf32, #tpu.memory_space<vmem_shared>>
      tpu.wait_dma2 semaphore(%run_scoped3A : memref<!tpu.dma_semaphore, #tpu.memory_space<semaphore_mem>>) src(%arg8 : memref<128x128xf32, #tpu.memory_space<vmem>>) dst(%dma_wait3A_62 : memref<128x128xf32, #tpu.memory_space<vmem_shared>>)
      tpu.yield
    }) : () -> ()
    %barrier3A = arith.constant 0 : index
    tpu.barrier barrier_id(%barrier3A)
    "tpu.region"() ({
      %run_scoped3A = tpu.sem_alloc : memref<!tpu.dma_semaphore, #tpu.memory_space<semaphore_mem>>
      %dma_start3A_56 = arith.constant 0 : i32
      %dma_start3A_57 = arith.constant 0 : i32
      %dma_start3A_58 = tpu.memref_slice %arg3[%add3A, %dma_start3A_56, %dma_start3A_57] : memref<32x80x128xi32, #tpu.memory_space<hbm>> -> memref<1x40x128xi32, #tpu.memory_space<hbm>>
      %dma_start3A_59 = tpu.memref_squeeze %dma_start3A_58 : memref<1x40x128xi32, #tpu.memory_space<hbm>> -> memref<40x128xi32, #tpu.memory_space<hbm>>
      %dma_start3A_60 = arith.constant 0 : i32
      %dma_start3A_61 = arith.constant 0 : i32
      %dma_start3A_62 = tpu.memref_slice %arg3[%add3A, %dma_start3A_60, %dma_start3A_61] : memref<32x80x128xi32, #tpu.memory_space<hbm>> -> memref<1x40x128xi32, #tpu.memory_space<hbm>>
      %dma_start3A_63 = tpu.memref_squeeze %dma_start3A_62 : memref<1x40x128xi32, #tpu.memory_space<hbm>> -> memref<40x128xi32, #tpu.memory_space<hbm>>
      tpu.enqueue_dma source(%dma_start3A_63 : memref<40x128xi32, #tpu.memory_space<hbm>>) target(%arg6 : memref<40x128xi32, #tpu.memory_space<vmem>>) target_semaphore(%run_scoped3A : memref<!tpu.dma_semaphore, #tpu.memory_space<semaphore_mem>>)
      %dma_wait3A = arith.constant 0 : i32
      %dma_wait3A_64 = arith.constant 0 : i32
      %dma_wait3A_65 = tpu.memref_slice %arg3[%add3A, %dma_wait3A, %dma_wait3A_64] : memref<32x80x128xi32, #tpu.memory_space<hbm>> -> memref<1x40x128xi32, #tpu.memory_space<hbm>>
      %dma_wait3A_66 = tpu.memref_squeeze %dma_wait3A_65 : memref<1x40x128xi32, #tpu.memory_space<hbm>> -> memref<40x128xi32, #tpu.memory_space<hbm>>
      %dma_wait3A_67 = arith.constant 0 : i32
      %dma_wait3A_68 = arith.constant 0 : i32
      %dma_wait3A_69 = tpu.memref_slice %arg3[%add3A, %dma_wait3A_67, %dma_wait3A_68] : memref<32x80x128xi32, #tpu.memory_space<hbm>> -> memref<1x40x128xi32, #tpu.memory_space<hbm>>
      %dma_wait3A_70 = tpu.memref_squeeze %dma_wait3A_69 : memref<1x40x128xi32, #tpu.memory_space<hbm>> -> memref<40x128xi32, #tpu.memory_space<hbm>>
      tpu.wait_dma2 semaphore(%run_scoped3A : memref<!tpu.dma_semaphore, #tpu.memory_space<semaphore_mem>>) src(%dma_wait3A_70 : memref<40x128xi32, #tpu.memory_space<hbm>>) dst(%arg6 : memref<40x128xi32, #tpu.memory_space<vmem>>)
      tpu.yield
    }) : () -> ()
    "tpu.region"() ({
      %run_scoped3A = tpu.sem_alloc : memref<!tpu.dma_semaphore, #tpu.memory_space<semaphore_mem>>
      %dma_start3A_56 = arith.constant 0 : i32
      %dma_start3A_57 = arith.constant 0 : i32
      %dma_start3A_58 = tpu.memref_slice %arg4[%add3A, %dma_start3A_56, %dma_start3A_57] : memref<32x80x128xi32, #tpu.memory_space<hbm>> -> memref<1x40x128xi32, #tpu.memory_space<hbm>>
      %dma_start3A_59 = tpu.memref_squeeze %dma_start3A_58 : memref<1x40x128xi32, #tpu.memory_space<hbm>> -> memref<40x128xi32, #tpu.memory_space<hbm>>
      %dma_start3A_60 = arith.constant 0 : i32
      %dma_start3A_61 = arith.constant 0 : i32
      %dma_start3A_62 = tpu.memref_slice %arg4[%add3A, %dma_start3A_60, %dma_start3A_61] : memref<32x80x128xi32, #tpu.memory_space<hbm>> -> memref<1x40x128xi32, #tpu.memory_space<hbm>>
      %dma_start3A_63 = tpu.memref_squeeze %dma_start3A_62 : memref<1x40x128xi32, #tpu.memory_space<hbm>> -> memref<40x128xi32, #tpu.memory_space<hbm>>
      tpu.enqueue_dma source(%dma_start3A_63 : memref<40x128xi32, #tpu.memory_space<hbm>>) target(%arg7 : memref<40x128xi32, #tpu.memory_space<vmem>>) target_semaphore(%run_scoped3A : memref<!tpu.dma_semaphore, #tpu.memory_space<semaphore_mem>>)
      %dma_wait3A = arith.constant 0 : i32
      %dma_wait3A_64 = arith.constant 0 : i32
      %dma_wait3A_65 = tpu.memref_slice %arg4[%add3A, %dma_wait3A, %dma_wait3A_64] : memref<32x80x128xi32, #tpu.memory_space<hbm>> -> memref<1x40x128xi32, #tpu.memory_space<hbm>>
      %dma_wait3A_66 = tpu.memref_squeeze %dma_wait3A_65 : memref<1x40x128xi32, #tpu.memory_space<hbm>> -> memref<40x128xi32, #tpu.memory_space<hbm>>
      %dma_wait3A_67 = arith.constant 0 : i32
      %dma_wait3A_68 = arith.constant 0 : i32
      %dma_wait3A_69 = tpu.memref_slice %arg4[%add3A, %dma_wait3A_67, %dma_wait3A_68] : memref<32x80x128xi32, #tpu.memory_space<hbm>> -> memref<1x40x128xi32, #tpu.memory_space<hbm>>
      %dma_wait3A_70 = tpu.memref_squeeze %dma_wait3A_69 : memref<1x40x128xi32, #tpu.memory_space<hbm>> -> memref<40x128xi32, #tpu.memory_space<hbm>>
      tpu.wait_dma2 semaphore(%run_scoped3A : memref<!tpu.dma_semaphore, #tpu.memory_space<semaphore_mem>>) src(%dma_wait3A_70 : memref<40x128xi32, #tpu.memory_space<hbm>>) dst(%arg7 : memref<40x128xi32, #tpu.memory_space<vmem>>)
      tpu.yield
    }) : () -> ()
    %dma_start3A = arith.constant 0 : i32
    %dma_start3A_26 = arith.constant 0 : i32
    %dma_start3A_27 = tpu.memref_slice %arg6[%dma_start3A, %dma_start3A_26] : memref<40x128xi32, #tpu.memory_space<vmem>> -> memref<1x128xi32, #tpu.memory_space<vmem>>
    %dma_start3A_28 = tpu.memref_squeeze %dma_start3A_27 : memref<1x128xi32, #tpu.memory_space<vmem>> -> memref<128xi32, #tpu.memory_space<vmem>>
    %dma_start3A_29 = arith.constant 0 : i32
    %dma_start3A_30 = arith.constant 0 : i32
    %dma_start3A_31 = tpu.memref_slice %arg2[%dma_start3A_29, %dma_start3A_30] : memref<10240x128xf32, #tpu.memory_space<hbm>> -> memref<10240x128xf32, #tpu.memory_space<hbm>>
    tpu.enqueue_indirect_dma source(%dma_start3A_31 : memref<10240x128xf32, #tpu.memory_space<hbm>>) target(%arg8 : memref<128x128xf32, #tpu.memory_space<vmem>>) offsets(%dma_start3A_28 : memref<128xi32, #tpu.memory_space<vmem>>) semaphore(%arg11 : memref<!tpu.dma_semaphore, #tpu.memory_space<semaphore_mem>>)
    %scan3A_32 = arith.constant 0 : i32
    %scan3A_33 = arith.constant 0 : i32
    %scan3A_34 = arith.constant 20 : i32
    %scan3A_35 = arith.addi %scan3A_33, %scan3A_34 : i32
    %scan3A_36 = arith.constant 1 : i32
    scf.for %scan3A_56 = %scan3A_33 to %scan3A_35 step %scan3A_36  : i32 {
      %mul3A_57 = arith.constant 2 : i32
      %mul3A_58 = arith.muli %mul3A_57, %scan3A_56 : i32
      %add3A_59 = arith.constant 1 : i32
      %add3A_60 = arith.addi %mul3A_58, %add3A_59 : i32
      %dma_start3A_61 = arith.constant 0 : i32
      %dma_start3A_62 = tpu.memref_slice %arg6[%add3A_60, %dma_start3A_61] : memref<40x128xi32, #tpu.memory_space<vmem>> -> memref<1x128xi32, #tpu.memory_space<vmem>>
      %dma_start3A_63 = tpu.memref_squeeze %dma_start3A_62 : memref<1x128xi32, #tpu.memory_space<vmem>> -> memref<128xi32, #tpu.memory_space<vmem>>
      %dma_start3A_64 = arith.constant 0 : i32
      %dma_start3A_65 = arith.constant 0 : i32
      %dma_start3A_66 = tpu.memref_slice %arg2[%dma_start3A_64, %dma_start3A_65] : memref<10240x128xf32, #tpu.memory_space<hbm>> -> memref<10240x128xf32, #tpu.memory_space<hbm>>
      tpu.enqueue_indirect_dma source(%dma_start3A_66 : memref<10240x128xf32, #tpu.memory_space<hbm>>) target(%arg9 : memref<128x128xf32, #tpu.memory_space<vmem>>) offsets(%dma_start3A_63 : memref<128xi32, #tpu.memory_space<vmem>>) semaphore(%arg12 : memref<!tpu.dma_semaphore, #tpu.memory_space<semaphore_mem>>)
      %dma_wait3A = arith.constant 0 : i32
      %dma_wait3A_67 = tpu.memref_slice %arg6[%mul3A_58, %dma_wait3A] : memref<40x128xi32, #tpu.memory_space<vmem>> -> memref<1x128xi32, #tpu.memory_space<vmem>>
      %dma_wait3A_68 = tpu.memref_squeeze %dma_wait3A_67 : memref<1x128xi32, #tpu.memory_space<vmem>> -> memref<128xi32, #tpu.memory_space<vmem>>
      %dma_wait3A_69 = arith.constant 0 : i32
      %dma_wait3A_70 = arith.constant 0 : i32
      %dma_wait3A_71 = tpu.memref_slice %arg2[%dma_wait3A_69, %dma_wait3A_70] : memref<10240x128xf32, #tpu.memory_space<hbm>> -> memref<10240x128xf32, #tpu.memory_space<hbm>>
      tpu.wait_indirect_dma semaphore(%arg11 : memref<!tpu.dma_semaphore, #tpu.memory_space<semaphore_mem>>) src(%dma_wait3A_71 : memref<10240x128xf32, #tpu.memory_space<hbm>>) dst(%arg8 : memref<128x128xf32, #tpu.memory_space<vmem>>)
      "tpu.region"() ({
        %run_scoped3A = tpu.sem_alloc : memref<!tpu.dma_semaphore, #tpu.memory_space<semaphore_mem>>
        %dma_start3A_80 = arith.constant 0 : i32
        %dma_start3A_81 = tpu.memref_slice %arg7[%mul3A_58, %dma_start3A_80] : memref<40x128xi32, #tpu.memory_space<vmem>> -> memref<1x128xi32, #tpu.memory_space<vmem>>
        %dma_start3A_82 = tpu.memref_squeeze %dma_start3A_81 : memref<1x128xi32, #tpu.memory_space<vmem>> -> memref<128xi32, #tpu.memory_space<vmem>>
        %dma_start3A_83 = arith.constant 0 : i32
        %dma_start3A_84 = arith.constant 0 : i32
        %dma_start3A_85 = tpu.memref_slice %arg10[%dma_start3A_83, %dma_start3A_84] : memref<10240x128xf32, #tpu.memory_space<vmem_shared>> -> memref<10240x128xf32, #tpu.memory_space<vmem_shared>>
        tpu.enqueue_indirect_dma source(%arg8 : memref<128x128xf32, #tpu.memory_space<vmem>>) target(%dma_start3A_85 : memref<10240x128xf32, #tpu.memory_space<vmem_shared>>) offsets(%dma_start3A_82 : memref<128xi32, #tpu.memory_space<vmem>>) semaphore(%run_scoped3A : memref<!tpu.dma_semaphore, #tpu.memory_space<semaphore_mem>>) {add = true}
        %dma_wait3A_86 = arith.constant 0 : i32
        %dma_wait3A_87 = tpu.memref_slice %arg7[%mul3A_58, %dma_wait3A_86] : memref<40x128xi32, #tpu.memory_space<vmem>> -> memref<1x128xi32, #tpu.memory_space<vmem>>
        %dma_wait3A_88 = tpu.memref_squeeze %dma_wait3A_87 : memref<1x128xi32, #tpu.memory_space<vmem>> -> memref<128xi32, #tpu.memory_space<vmem>>
        %dma_wait3A_89 = arith.constant 0 : i32
        %dma_wait3A_90 = arith.constant 0 : i32
        %dma_wait3A_91 = tpu.memref_slice %arg10[%dma_wait3A_89, %dma_wait3A_90] : memref<10240x128xf32, #tpu.memory_space<vmem_shared>> -> memref<10240x128xf32, #tpu.memory_space<vmem_shared>>
        tpu.wait_indirect_dma semaphore(%run_scoped3A : memref<!tpu.dma_semaphore, #tpu.memory_space<semaphore_mem>>) src(%arg8 : memref<128x128xf32, #tpu.memory_space<vmem>>) dst(%dma_wait3A_91 : memref<10240x128xf32, #tpu.memory_space<vmem_shared>>)
        tpu.yield
      }) : () -> ()
      %lt3A = arith.constant 19 : i32
      %lt3A_72 = arith.cmpi slt, %scan3A_56, %lt3A : i32
      %convert_element_type3A = arith.extui %lt3A_72 : i1 to i32
      %cond3A = arith.constant 0 : i32
      %cond3A_73 = arith.cmpi ne, %convert_element_type3A, %cond3A : i32
      scf.if %cond3A_73 {
        %add3A_80 = arith.constant 2 : i32
        %add3A_81 = arith.addi %mul3A_58, %add3A_80 : i32
        %dma_start3A_82 = arith.constant 0 : i32
        %dma_start3A_83 = tpu.memref_slice %arg6[%add3A_81, %dma_start3A_82] : memref<40x128xi32, #tpu.memory_space<vmem>> -> memref<1x128xi32, #tpu.memory_space<vmem>>
        %dma_start3A_84 = tpu.memref_squeeze %dma_start3A_83 : memref<1x128xi32, #tpu.memory_space<vmem>> -> memref<128xi32, #tpu.memory_space<vmem>>
        %dma_start3A_85 = arith.constant 0 : i32
        %dma_start3A_86 = arith.constant 0 : i32
        %dma_start3A_87 = tpu.memref_slice %arg2[%dma_start3A_85, %dma_start3A_86] : memref<10240x128xf32, #tpu.memory_space<hbm>> -> memref<10240x128xf32, #tpu.memory_space<hbm>>
        tpu.enqueue_indirect_dma source(%dma_start3A_87 : memref<10240x128xf32, #tpu.memory_space<hbm>>) target(%arg8 : memref<128x128xf32, #tpu.memory_space<vmem>>) offsets(%dma_start3A_84 : memref<128xi32, #tpu.memory_space<vmem>>) semaphore(%arg11 : memref<!tpu.dma_semaphore, #tpu.memory_space<semaphore_mem>>)
      } else {
      }
      %dma_wait3A_74 = arith.constant 0 : i32
      %dma_wait3A_75 = tpu.memref_slice %arg6[%add3A_60, %dma_wait3A_74] : memref<40x128xi32, #tpu.memory_space<vmem>> -> memref<1x128xi32, #tpu.memory_space<vmem>>
      %dma_wait3A_76 = tpu.memref_squeeze %dma_wait3A_75 : memref<1x128xi32, #tpu.memory_space<vmem>> -> memref<128xi32, #tpu.memory_space<vmem>>
      %dma_wait3A_77 = arith.constant 0 : i32
      %dma_wait3A_78 = arith.constant 0 : i32
      %dma_wait3A_79 = tpu.memref_slice %arg2[%dma_wait3A_77, %dma_wait3A_78] : memref<10240x128xf32, #tpu.memory_space<hbm>> -> memref<10240x128xf32, #tpu.memory_space<hbm>>
      tpu.wait_indirect_dma semaphore(%arg12 : memref<!tpu.dma_semaphore, #tpu.memory_space<semaphore_mem>>) src(%dma_wait3A_79 : memref<10240x128xf32, #tpu.memory_space<hbm>>) dst(%arg9 : memref<128x128xf32, #tpu.memory_space<vmem>>)
      "tpu.region"() ({
        %run_scoped3A = tpu.sem_alloc : memref<!tpu.dma_semaphore, #tpu.memory_space<semaphore_mem>>
        %dma_start3A_80 = arith.constant 0 : i32
        %dma_start3A_81 = tpu.memref_slice %arg7[%add3A_60, %dma_start3A_80] : memref<40x128xi32, #tpu.memory_space<vmem>> -> memref<1x128xi32, #tpu.memory_space<vmem>>
        %dma_start3A_82 = tpu.memref_squeeze %dma_start3A_81 : memref<1x128xi32, #tpu.memory_space<vmem>> -> memref<128xi32, #tpu.memory_space<vmem>>
        %dma_start3A_83 = arith.constant 0 : i32
        %dma_start3A_84 = arith.constant 0 : i32
        %dma_start3A_85 = tpu.memref_slice %arg10[%dma_start3A_83, %dma_start3A_84] : memref<10240x128xf32, #tpu.memory_space<vmem_shared>> -> memref<10240x128xf32, #tpu.memory_space<vmem_shared>>
        tpu.enqueue_indirect_dma source(%arg9 : memref<128x128xf32, #tpu.memory_space<vmem>>) target(%dma_start3A_85 : memref<10240x128xf32, #tpu.memory_space<vmem_shared>>) offsets(%dma_start3A_82 : memref<128xi32, #tpu.memory_space<vmem>>) semaphore(%run_scoped3A : memref<!tpu.dma_semaphore, #tpu.memory_space<semaphore_mem>>) {add = true}
        %dma_wait3A_86 = arith.constant 0 : i32
        %dma_wait3A_87 = tpu.memref_slice %arg7[%add3A_60, %dma_wait3A_86] : memref<40x128xi32, #tpu.memory_space<vmem>> -> memref<1x128xi32, #tpu.memory_space<vmem>>
        %dma_wait3A_88 = tpu.memref_squeeze %dma_wait3A_87 : memref<1x128xi32, #tpu.memory_space<vmem>> -> memref<128xi32, #tpu.memory_space<vmem>>
        %dma_wait3A_89 = arith.constant 0 : i32
        %dma_wait3A_90 = arith.constant 0 : i32
        %dma_wait3A_91 = tpu.memref_slice %arg10[%dma_wait3A_89, %dma_wait3A_90] : memref<10240x128xf32, #tpu.memory_space<vmem_shared>> -> memref<10240x128xf32, #tpu.memory_space<vmem_shared>>
        tpu.wait_indirect_dma semaphore(%run_scoped3A : memref<!tpu.dma_semaphore, #tpu.memory_space<semaphore_mem>>) src(%arg9 : memref<128x128xf32, #tpu.memory_space<vmem>>) dst(%dma_wait3A_91 : memref<10240x128xf32, #tpu.memory_space<vmem_shared>>)
        tpu.yield
      }) : () -> ()
    }
    %scan3A_37 = arith.constant 20 : i32
    "tpu.region"() ({
      %run_scoped3A = tpu.sem_alloc : memref<!tpu.dma_semaphore, #tpu.memory_space<semaphore_mem>>
      %dma_start3A_56 = arith.constant 40 : i32
      %dma_start3A_57 = arith.constant 0 : i32
      %dma_start3A_58 = tpu.memref_slice %arg3[%add3A, %dma_start3A_56, %dma_start3A_57] : memref<32x80x128xi32, #tpu.memory_space<hbm>> -> memref<1x40x128xi32, #tpu.memory_space<hbm>>
      %dma_start3A_59 = tpu.memref_squeeze %dma_start3A_58 : memref<1x40x128xi32, #tpu.memory_space<hbm>> -> memref<40x128xi32, #tpu.memory_space<hbm>>
      %dma_start3A_60 = arith.constant 40 : i32
      %dma_start3A_61 = arith.constant 0 : i32
      %dma_start3A_62 = tpu.memref_slice %arg3[%add3A, %dma_start3A_60, %dma_start3A_61] : memref<32x80x128xi32, #tpu.memory_space<hbm>> -> memref<1x40x128xi32, #tpu.memory_space<hbm>>
      %dma_start3A_63 = tpu.memref_squeeze %dma_start3A_62 : memref<1x40x128xi32, #tpu.memory_space<hbm>> -> memref<40x128xi32, #tpu.memory_space<hbm>>
      tpu.enqueue_dma source(%dma_start3A_63 : memref<40x128xi32, #tpu.memory_space<hbm>>) target(%arg6 : memref<40x128xi32, #tpu.memory_space<vmem>>) target_semaphore(%run_scoped3A : memref<!tpu.dma_semaphore, #tpu.memory_space<semaphore_mem>>)
      %dma_wait3A = arith.constant 40 : i32
      %dma_wait3A_64 = arith.constant 0 : i32
      %dma_wait3A_65 = tpu.memref_slice %arg3[%add3A, %dma_wait3A, %dma_wait3A_64] : memref<32x80x128xi32, #tpu.memory_space<hbm>> -> memref<1x40x128xi32, #tpu.memory_space<hbm>>
      %dma_wait3A_66 = tpu.memref_squeeze %dma_wait3A_65 : memref<1x40x128xi32, #tpu.memory_space<hbm>> -> memref<40x128xi32, #tpu.memory_space<hbm>>
      %dma_wait3A_67 = arith.constant 40 : i32
      %dma_wait3A_68 = arith.constant 0 : i32
      %dma_wait3A_69 = tpu.memref_slice %arg3[%add3A, %dma_wait3A_67, %dma_wait3A_68] : memref<32x80x128xi32, #tpu.memory_space<hbm>> -> memref<1x40x128xi32, #tpu.memory_space<hbm>>
      %dma_wait3A_70 = tpu.memref_squeeze %dma_wait3A_69 : memref<1x40x128xi32, #tpu.memory_space<hbm>> -> memref<40x128xi32, #tpu.memory_space<hbm>>
      tpu.wait_dma2 semaphore(%run_scoped3A : memref<!tpu.dma_semaphore, #tpu.memory_space<semaphore_mem>>) src(%dma_wait3A_70 : memref<40x128xi32, #tpu.memory_space<hbm>>) dst(%arg6 : memref<40x128xi32, #tpu.memory_space<vmem>>)
      tpu.yield
    }) : () -> ()
    "tpu.region"() ({
      %run_scoped3A = tpu.sem_alloc : memref<!tpu.dma_semaphore, #tpu.memory_space<semaphore_mem>>
      %dma_start3A_56 = arith.constant 40 : i32
      %dma_start3A_57 = arith.constant 0 : i32
      %dma_start3A_58 = tpu.memref_slice %arg4[%add3A, %dma_start3A_56, %dma_start3A_57] : memref<32x80x128xi32, #tpu.memory_space<hbm>> -> memref<1x40x128xi32, #tpu.memory_space<hbm>>
      %dma_start3A_59 = tpu.memref_squeeze %dma_start3A_58 : memref<1x40x128xi32, #tpu.memory_space<hbm>> -> memref<40x128xi32, #tpu.memory_space<hbm>>
      %dma_start3A_60 = arith.constant 40 : i32
      %dma_start3A_61 = arith.constant 0 : i32
      %dma_start3A_62 = tpu.memref_slice %arg4[%add3A, %dma_start3A_60, %dma_start3A_61] : memref<32x80x128xi32, #tpu.memory_space<hbm>> -> memref<1x40x128xi32, #tpu.memory_space<hbm>>
      %dma_start3A_63 = tpu.memref_squeeze %dma_start3A_62 : memref<1x40x128xi32, #tpu.memory_space<hbm>> -> memref<40x128xi32, #tpu.memory_space<hbm>>
      tpu.enqueue_dma source(%dma_start3A_63 : memref<40x128xi32, #tpu.memory_space<hbm>>) target(%arg7 : memref<40x128xi32, #tpu.memory_space<vmem>>) target_semaphore(%run_scoped3A : memref<!tpu.dma_semaphore, #tpu.memory_space<semaphore_mem>>)
      %dma_wait3A = arith.constant 40 : i32
      %dma_wait3A_64 = arith.constant 0 : i32
      %dma_wait3A_65 = tpu.memref_slice %arg4[%add3A, %dma_wait3A, %dma_wait3A_64] : memref<32x80x128xi32, #tpu.memory_space<hbm>> -> memref<1x40x128xi32, #tpu.memory_space<hbm>>
      %dma_wait3A_66 = tpu.memref_squeeze %dma_wait3A_65 : memref<1x40x128xi32, #tpu.memory_space<hbm>> -> memref<40x128xi32, #tpu.memory_space<hbm>>
      %dma_wait3A_67 = arith.constant 40 : i32
      %dma_wait3A_68 = arith.constant 0 : i32
      %dma_wait3A_69 = tpu.memref_slice %arg4[%add3A, %dma_wait3A_67, %dma_wait3A_68] : memref<32x80x128xi32, #tpu.memory_space<hbm>> -> memref<1x40x128xi32, #tpu.memory_space<hbm>>
      %dma_wait3A_70 = tpu.memref_squeeze %dma_wait3A_69 : memref<1x40x128xi32, #tpu.memory_space<hbm>> -> memref<40x128xi32, #tpu.memory_space<hbm>>
      tpu.wait_dma2 semaphore(%run_scoped3A : memref<!tpu.dma_semaphore, #tpu.memory_space<semaphore_mem>>) src(%dma_wait3A_70 : memref<40x128xi32, #tpu.memory_space<hbm>>) dst(%arg7 : memref<40x128xi32, #tpu.memory_space<vmem>>)
      tpu.yield
    }) : () -> ()
    %dma_start3A_38 = arith.constant 0 : i32
    %dma_start3A_39 = arith.constant 0 : i32
    %dma_start3A_40 = tpu.memref_slice %arg6[%dma_start3A_38, %dma_start3A_39] : memref<40x128xi32, #tpu.memory_space<vmem>> -> memref<1x128xi32, #tpu.memory_space<vmem>>
    %dma_start3A_41 = tpu.memref_squeeze %dma_start3A_40 : memref<1x128xi32, #tpu.memory_space<vmem>> -> memref<128xi32, #tpu.memory_space<vmem>>
    %dma_start3A_42 = arith.constant 0 : i32
    %dma_start3A_43 = arith.constant 0 : i32
    %dma_start3A_44 = tpu.memref_slice %arg2[%dma_start3A_42, %dma_start3A_43] : memref<10240x128xf32, #tpu.memory_space<hbm>> -> memref<10240x128xf32, #tpu.memory_space<hbm>>
    tpu.enqueue_indirect_dma source(%dma_start3A_44 : memref<10240x128xf32, #tpu.memory_space<hbm>>) target(%arg8 : memref<128x128xf32, #tpu.memory_space<vmem>>) offsets(%dma_start3A_41 : memref<128xi32, #tpu.memory_space<vmem>>) semaphore(%arg11 : memref<!tpu.dma_semaphore, #tpu.memory_space<semaphore_mem>>)
    %scan3A_45 = arith.constant 0 : i32
    %scan3A_46 = arith.constant 0 : i32
    %scan3A_47 = arith.constant 20 : i32
    %scan3A_48 = arith.addi %scan3A_46, %scan3A_47 : i32
    %scan3A_49 = arith.constant 1 : i32
    scf.for %scan3A_56 = %scan3A_46 to %scan3A_48 step %scan3A_49  : i32 {
      %mul3A_57 = arith.constant 2 : i32
      %mul3A_58 = arith.muli %mul3A_57, %scan3A_56 : i32
      %add3A_59 = arith.constant 1 : i32
      %add3A_60 = arith.addi %mul3A_58, %add3A_59 : i32
      %dma_start3A_61 = arith.constant 0 : i32
      %dma_start3A_62 = tpu.memref_slice %arg6[%add3A_60, %dma_start3A_61] : memref<40x128xi32, #tpu.memory_space<vmem>> -> memref<1x128xi32, #tpu.memory_space<vmem>>
      %dma_start3A_63 = tpu.memref_squeeze %dma_start3A_62 : memref<1x128xi32, #tpu.memory_space<vmem>> -> memref<128xi32, #tpu.memory_space<vmem>>
      %dma_start3A_64 = arith.constant 0 : i32
      %dma_start3A_65 = arith.constant 0 : i32
      %dma_start3A_66 = tpu.memref_slice %arg2[%dma_start3A_64, %dma_start3A_65] : memref<10240x128xf32, #tpu.memory_space<hbm>> -> memref<10240x128xf32, #tpu.memory_space<hbm>>
      tpu.enqueue_indirect_dma source(%dma_start3A_66 : memref<10240x128xf32, #tpu.memory_space<hbm>>) target(%arg9 : memref<128x128xf32, #tpu.memory_space<vmem>>) offsets(%dma_start3A_63 : memref<128xi32, #tpu.memory_space<vmem>>) semaphore(%arg12 : memref<!tpu.dma_semaphore, #tpu.memory_space<semaphore_mem>>)
      %dma_wait3A = arith.constant 0 : i32
      %dma_wait3A_67 = tpu.memref_slice %arg6[%mul3A_58, %dma_wait3A] : memref<40x128xi32, #tpu.memory_space<vmem>> -> memref<1x128xi32, #tpu.memory_space<vmem>>
      %dma_wait3A_68 = tpu.memref_squeeze %dma_wait3A_67 : memref<1x128xi32, #tpu.memory_space<vmem>> -> memref<128xi32, #tpu.memory_space<vmem>>
      %dma_wait3A_69 = arith.constant 0 : i32
      %dma_wait3A_70 = arith.constant 0 : i32
      %dma_wait3A_71 = tpu.memref_slice %arg2[%dma_wait3A_69, %dma_wait3A_70] : memref<10240x128xf32, #tpu.memory_space<hbm>> -> memref<10240x128xf32, #tpu.memory_space<hbm>>
      tpu.wait_indirect_dma semaphore(%arg11 : memref<!tpu.dma_semaphore, #tpu.memory_space<semaphore_mem>>) src(%dma_wait3A_71 : memref<10240x128xf32, #tpu.memory_space<hbm>>) dst(%arg8 : memref<128x128xf32, #tpu.memory_space<vmem>>)
      "tpu.region"() ({
        %run_scoped3A = tpu.sem_alloc : memref<!tpu.dma_semaphore, #tpu.memory_space<semaphore_mem>>
        %dma_start3A_80 = arith.constant 0 : i32
        %dma_start3A_81 = tpu.memref_slice %arg7[%mul3A_58, %dma_start3A_80] : memref<40x128xi32, #tpu.memory_space<vmem>> -> memref<1x128xi32, #tpu.memory_space<vmem>>
        %dma_start3A_82 = tpu.memref_squeeze %dma_start3A_81 : memref<1x128xi32, #tpu.memory_space<vmem>> -> memref<128xi32, #tpu.memory_space<vmem>>
        %dma_start3A_83 = arith.constant 0 : i32
        %dma_start3A_84 = arith.constant 0 : i32
        %dma_start3A_85 = tpu.memref_slice %arg10[%dma_start3A_83, %dma_start3A_84] : memref<10240x128xf32, #tpu.memory_space<vmem_shared>> -> memref<10240x128xf32, #tpu.memory_space<vmem_shared>>
        tpu.enqueue_indirect_dma source(%arg8 : memref<128x128xf32, #tpu.memory_space<vmem>>) target(%dma_start3A_85 : memref<10240x128xf32, #tpu.memory_space<vmem_shared>>) offsets(%dma_start3A_82 : memref<128xi32, #tpu.memory_space<vmem>>) semaphore(%run_scoped3A : memref<!tpu.dma_semaphore, #tpu.memory_space<semaphore_mem>>) {add = true}
        %dma_wait3A_86 = arith.constant 0 : i32
        %dma_wait3A_87 = tpu.memref_slice %arg7[%mul3A_58, %dma_wait3A_86] : memref<40x128xi32, #tpu.memory_space<vmem>> -> memref<1x128xi32, #tpu.memory_space<vmem>>
        %dma_wait3A_88 = tpu.memref_squeeze %dma_wait3A_87 : memref<1x128xi32, #tpu.memory_space<vmem>> -> memref<128xi32, #tpu.memory_space<vmem>>
        %dma_wait3A_89 = arith.constant 0 : i32
        %dma_wait3A_90 = arith.constant 0 : i32
        %dma_wait3A_91 = tpu.memref_slice %arg10[%dma_wait3A_89, %dma_wait3A_90] : memref<10240x128xf32, #tpu.memory_space<vmem_shared>> -> memref<10240x128xf32, #tpu.memory_space<vmem_shared>>
        tpu.wait_indirect_dma semaphore(%run_scoped3A : memref<!tpu.dma_semaphore, #tpu.memory_space<semaphore_mem>>) src(%arg8 : memref<128x128xf32, #tpu.memory_space<vmem>>) dst(%dma_wait3A_91 : memref<10240x128xf32, #tpu.memory_space<vmem_shared>>)
        tpu.yield
      }) : () -> ()
      %lt3A = arith.constant 19 : i32
      %lt3A_72 = arith.cmpi slt, %scan3A_56, %lt3A : i32
      %convert_element_type3A = arith.extui %lt3A_72 : i1 to i32
      %cond3A = arith.constant 0 : i32
      %cond3A_73 = arith.cmpi ne, %convert_element_type3A, %cond3A : i32
      scf.if %cond3A_73 {
        %add3A_80 = arith.constant 2 : i32
        %add3A_81 = arith.addi %mul3A_58, %add3A_80 : i32
        %dma_start3A_82 = arith.constant 0 : i32
        %dma_start3A_83 = tpu.memref_slice %arg6[%add3A_81, %dma_start3A_82] : memref<40x128xi32, #tpu.memory_space<vmem>> -> memref<1x128xi32, #tpu.memory_space<vmem>>
        %dma_start3A_84 = tpu.memref_squeeze %dma_start3A_83 : memref<1x128xi32, #tpu.memory_space<vmem>> -> memref<128xi32, #tpu.memory_space<vmem>>
        %dma_start3A_85 = arith.constant 0 : i32
        %dma_start3A_86 = arith.constant 0 : i32
        %dma_start3A_87 = tpu.memref_slice %arg2[%dma_start3A_85, %dma_start3A_86] : memref<10240x128xf32, #tpu.memory_space<hbm>> -> memref<10240x128xf32, #tpu.memory_space<hbm>>
        tpu.enqueue_indirect_dma source(%dma_start3A_87 : memref<10240x128xf32, #tpu.memory_space<hbm>>) target(%arg8 : memref<128x128xf32, #tpu.memory_space<vmem>>) offsets(%dma_start3A_84 : memref<128xi32, #tpu.memory_space<vmem>>) semaphore(%arg11 : memref<!tpu.dma_semaphore, #tpu.memory_space<semaphore_mem>>)
      } else {
      }
      %dma_wait3A_74 = arith.constant 0 : i32
      %dma_wait3A_75 = tpu.memref_slice %arg6[%add3A_60, %dma_wait3A_74] : memref<40x128xi32, #tpu.memory_space<vmem>> -> memref<1x128xi32, #tpu.memory_space<vmem>>
      %dma_wait3A_76 = tpu.memref_squeeze %dma_wait3A_75 : memref<1x128xi32, #tpu.memory_space<vmem>> -> memref<128xi32, #tpu.memory_space<vmem>>
      %dma_wait3A_77 = arith.constant 0 : i32
      %dma_wait3A_78 = arith.constant 0 : i32
      %dma_wait3A_79 = tpu.memref_slice %arg2[%dma_wait3A_77, %dma_wait3A_78] : memref<10240x128xf32, #tpu.memory_space<hbm>> -> memref<10240x128xf32, #tpu.memory_space<hbm>>
      tpu.wait_indirect_dma semaphore(%arg12 : memref<!tpu.dma_semaphore, #tpu.memory_space<semaphore_mem>>) src(%dma_wait3A_79 : memref<10240x128xf32, #tpu.memory_space<hbm>>) dst(%arg9 : memref<128x128xf32, #tpu.memory_space<vmem>>)
      "tpu.region"() ({
        %run_scoped3A = tpu.sem_alloc : memref<!tpu.dma_semaphore, #tpu.memory_space<semaphore_mem>>
        %dma_start3A_80 = arith.constant 0 : i32
        %dma_start3A_81 = tpu.memref_slice %arg7[%add3A_60, %dma_start3A_80] : memref<40x128xi32, #tpu.memory_space<vmem>> -> memref<1x128xi32, #tpu.memory_space<vmem>>
        %dma_start3A_82 = tpu.memref_squeeze %dma_start3A_81 : memref<1x128xi32, #tpu.memory_space<vmem>> -> memref<128xi32, #tpu.memory_space<vmem>>
        %dma_start3A_83 = arith.constant 0 : i32
        %dma_start3A_84 = arith.constant 0 : i32
        %dma_start3A_85 = tpu.memref_slice %arg10[%dma_start3A_83, %dma_start3A_84] : memref<10240x128xf32, #tpu.memory_space<vmem_shared>> -> memref<10240x128xf32, #tpu.memory_space<vmem_shared>>
        tpu.enqueue_indirect_dma source(%arg9 : memref<128x128xf32, #tpu.memory_space<vmem>>) target(%dma_start3A_85 : memref<10240x128xf32, #tpu.memory_space<vmem_shared>>) offsets(%dma_start3A_82 : memref<128xi32, #tpu.memory_space<vmem>>) semaphore(%run_scoped3A : memref<!tpu.dma_semaphore, #tpu.memory_space<semaphore_mem>>) {add = true}
        %dma_wait3A_86 = arith.constant 0 : i32
        %dma_wait3A_87 = tpu.memref_slice %arg7[%add3A_60, %dma_wait3A_86] : memref<40x128xi32, #tpu.memory_space<vmem>> -> memref<1x128xi32, #tpu.memory_space<vmem>>
        %dma_wait3A_88 = tpu.memref_squeeze %dma_wait3A_87 : memref<1x128xi32, #tpu.memory_space<vmem>> -> memref<128xi32, #tpu.memory_space<vmem>>
        %dma_wait3A_89 = arith.constant 0 : i32
        %dma_wait3A_90 = arith.constant 0 : i32
        %dma_wait3A_91 = tpu.memref_slice %arg10[%dma_wait3A_89, %dma_wait3A_90] : memref<10240x128xf32, #tpu.memory_space<vmem_shared>> -> memref<10240x128xf32, #tpu.memory_space<vmem_shared>>
        tpu.wait_indirect_dma semaphore(%run_scoped3A : memref<!tpu.dma_semaphore, #tpu.memory_space<semaphore_mem>>) src(%arg9 : memref<128x128xf32, #tpu.memory_space<vmem>>) dst(%dma_wait3A_91 : memref<10240x128xf32, #tpu.memory_space<vmem_shared>>)
        tpu.yield
      }) : () -> ()
    }
    %scan3A_50 = arith.constant 20 : i32
    %barrier3A_51 = arith.constant 0 : index
    tpu.barrier barrier_id(%barrier3A_51)
    %mul3A_52 = arith.constant 640 : i32
    %mul3A_53 = arith.muli %arg1, %mul3A_52 : i32
    %mul3A_54 = arith.constant 640 : i32
    %mul3A_55 = arith.muli %arg1, %mul3A_54 : i32
    "tpu.region"() ({
      %run_scoped3A = tpu.sem_alloc : memref<!tpu.dma_semaphore, #tpu.memory_space<semaphore_mem>>
      %dma_start3A_56 = arith.constant 0 : i32
      %dma_start3A_57 = tpu.memref_slice %arg5[%arg0, %mul3A_55, %dma_start3A_56] : memref<2x10240x128xf32, #tpu.memory_space<hbm>> -> memref<1x640x128xf32, #tpu.memory_space<hbm>>
      %dma_start3A_58 = tpu.memref_squeeze %dma_start3A_57 : memref<1x640x128xf32, #tpu.memory_space<hbm>> -> memref<640x128xf32, #tpu.memory_space<hbm>>
      %dma_start3A_59 = arith.constant 0 : i32
      %dma_start3A_60 = tpu.memref_slice %arg10[%mul3A_53, %dma_start3A_59] : memref<10240x128xf32, #tpu.memory_space<vmem_shared>> -> memref<640x128xf32, #tpu.memory_space<vmem_shared>>
      tpu.enqueue_dma source(%dma_start3A_60 : memref<640x128xf32, #tpu.memory_space<vmem_shared>>) target(%dma_start3A_58 : memref<640x128xf32, #tpu.memory_space<hbm>>) target_semaphore(%run_scoped3A : memref<!tpu.dma_semaphore, #tpu.memory_space<semaphore_mem>>)
      %dma_wait3A = arith.constant 0 : i32
      %dma_wait3A_61 = tpu.memref_slice %arg5[%arg0, %mul3A_55, %dma_wait3A] : memref<2x10240x128xf32, #tpu.memory_space<hbm>> -> memref<1x640x128xf32, #tpu.memory_space<hbm>>
      %dma_wait3A_62 = tpu.memref_squeeze %dma_wait3A_61 : memref<1x640x128xf32, #tpu.memory_space<hbm>> -> memref<640x128xf32, #tpu.memory_space<hbm>>
      %dma_wait3A_63 = arith.constant 0 : i32
      %dma_wait3A_64 = tpu.memref_slice %arg10[%mul3A_53, %dma_wait3A_63] : memref<10240x128xf32, #tpu.memory_space<vmem_shared>> -> memref<640x128xf32, #tpu.memory_space<vmem_shared>>
      tpu.wait_dma2 semaphore(%run_scoped3A : memref<!tpu.dma_semaphore, #tpu.memory_space<semaphore_mem>>) src(%dma_wait3A_64 : memref<640x128xf32, #tpu.memory_space<vmem_shared>>) dst(%dma_wait3A_62 : memref<640x128xf32, #tpu.memory_space<hbm>>)
      tpu.yield
    }) : () -> ()
    return
  }
}

#map = affine_map<(d0, d1) -> (0, 0)>
#map1 = affine_map<(d0, d1) -> (0, 0, 0)>
module attributes {stable_mosaic.version = 14 : i64} {
  func.func @_conv_kernel(%arg0: i32, %arg1: i32, %arg2: memref<10240x128xf32, #tpu.memory_space<hbm>>, %arg3: memref<32x80x128xi32, #tpu.memory_space<hbm>>, %arg4: memref<32x80x128xi32, #tpu.memory_space<hbm>>, %arg5: memref<2x10240x128xf32, #tpu.memory_space<hbm>>, %arg6: memref<40x128xi32, #tpu.memory_space<vmem>>, %arg7: memref<40x128xi32, #tpu.memory_space<vmem>>, %arg8: memref<128x128xf32, #tpu.memory_space<vmem>>, %arg9: memref<128x128xf32, #tpu.memory_space<vmem>>, %arg10: memref<10240x128xf32, #tpu.memory_space<vmem_shared>>, %arg11: memref<!tpu.dma_semaphore, #tpu.memory_space<semaphore_mem>>, %arg12: memref<!tpu.dma_semaphore, #tpu.memory_space<semaphore_mem>>) attributes {dimension_semantics = [#tpu.dimension_semantics<core_parallel>, #tpu.dimension_semantics<subcore_parallel>], iteration_bounds = array<i64: 2, 16>, scalar_prefetch = 0 : i64, scratch_operands = 7 : i64, tpu.core_type = #tpu.core_type<sc_vector_subcore>, window_params = [{transform_indices = #map}, {transform_indices = #map1}, {transform_indices = #map1}, {transform_indices = #map1}]} {
    %mul3A = arith.constant 16 : i32
    %mul3A_0 = arith.muli %arg0, %mul3A : i32
    %add3A = arith.addi %mul3A_0, %arg1 : i32
    %scan3A = arith.constant 0 : i32
    %scan3A_1 = arith.constant 0 : i32
    %scan3A_2 = arith.constant 128 : i32
    %scan3A_3 = arith.addi %scan3A_1, %scan3A_2 : i32
    %scan3A_4 = arith.constant 1 : i32
    scf.for %scan3A_56 = %scan3A_1 to %scan3A_3 step %scan3A_4  : i32 {
      %broadcast_in_dim3A = arith.constant 0.000000e+00 : f32
      %broadcast_in_dim3A_57 = vector.broadcast %broadcast_in_dim3A : f32 to vector<16xf32>
      %swap3A = arith.index_cast %scan3A_56 : i32 to index
      %swap3A_58 = arith.constant 0 : index
      %swap3A_59 = tpu.vector_load %arg8[%swap3A, %swap3A_58] {strides = array<i32>} : memref<128x128xf32, #tpu.memory_space<vmem>>, vector<1x16xf32>,
      %swap3A_60 = vector.shape_cast %swap3A_59 : vector<1x16xf32> to vector<16xf32>
      %swap3A_61 = vector.shape_cast %broadcast_in_dim3A_57 : vector<16xf32> to vector<1x16xf32>
      tpu.vector_store %arg8[%swap3A, %swap3A_58], %swap3A_61 {strides = array<i32>} : memref<128x128xf32, #tpu.memory_space<vmem>>, vector<1x16xf32>,
      %broadcast_in_dim3A_62 = arith.constant 0.000000e+00 : f32
      %broadcast_in_dim3A_63 = vector.broadcast %broadcast_in_dim3A_62 : f32 to vector<16xf32>
      %swap3A_64 = arith.index_cast %scan3A_56 : i32 to index
      %swap3A_65 = arith.constant 16 : index
      %swap3A_66 = tpu.vector_load %arg8[%swap3A_64, %swap3A_65] {strides = array<i32>} : memref<128x128xf32, #tpu.memory_space<vmem>>, vector<1x16xf32>,
      %swap3A_67 = vector.shape_cast %swap3A_66 : vector<1x16xf32> to vector<16xf32>
      %swap3A_68 = vector.shape_cast %broadcast_in_dim3A_63 : vector<16xf32> to vector<1x16xf32>
      tpu.vector_store %arg8[%swap3A_64, %swap3A_65], %swap3A_68 {strides = array<i32>} : memref<128x128xf32, #tpu.memory_space<vmem>>, vector<1x16xf32>,
      %broadcast_in_dim3A_69 = arith.constant 0.000000e+00 : f32
      %broadcast_in_dim3A_70 = vector.broadcast %broadcast_in_dim3A_69 : f32 to vector<16xf32>
      %swap3A_71 = arith.index_cast %scan3A_56 : i32 to index
      %swap3A_72 = arith.constant 32 : index
      %swap3A_73 = tpu.vector_load %arg8[%swap3A_71, %swap3A_72] {strides = array<i32>} : memref<128x128xf32, #tpu.memory_space<vmem>>, vector<1x16xf32>,
      %swap3A_74 = vector.shape_cast %swap3A_73 : vector<1x16xf32> to vector<16xf32>
      %swap3A_75 = vector.shape_cast %broadcast_in_dim3A_70 : vector<16xf32> to vector<1x16xf32>
      tpu.vector_store %arg8[%swap3A_71, %swap3A_72], %swap3A_75 {strides = array<i32>} : memref<128x128xf32, #tpu.memory_space<vmem>>, vector<1x16xf32>,
      %broadcast_in_dim3A_76 = arith.constant 0.000000e+00 : f32
      %broadcast_in_dim3A_77 = vector.broadcast %broadcast_in_dim3A_76 : f32 to vector<16xf32>
      %swap3A_78 = arith.index_cast %scan3A_56 : i32 to index
      %swap3A_79 = arith.constant 48 : index
      %swap3A_80 = tpu.vector_load %arg8[%swap3A_78, %swap3A_79] {strides = array<i32>} : memref<128x128xf32, #tpu.memory_space<vmem>>, vector<1x16xf32>,
      %swap3A_81 = vector.shape_cast %swap3A_80 : vector<1x16xf32> to vector<16xf32>
      %swap3A_82 = vector.shape_cast %broadcast_in_dim3A_77 : vector<16xf32> to vector<1x16xf32>
      tpu.vector_store %arg8[%swap3A_78, %swap3A_79], %swap3A_82 {strides = array<i32>} : memref<128x128xf32, #tpu.memory_space<vmem>>, vector<1x16xf32>,
      %broadcast_in_dim3A_83 = arith.constant 0.000000e+00 : f32
      %broadcast_in_dim3A_84 = vector.broadcast %broadcast_in_dim3A_83 : f32 to vector<16xf32>
      %swap3A_85 = arith.index_cast %scan3A_56 : i32 to index
      %swap3A_86 = arith.constant 64 : index
      %swap3A_87 = tpu.vector_load %arg8[%swap3A_85, %swap3A_86] {strides = array<i32>} : memref<128x128xf32, #tpu.memory_space<vmem>>, vector<1x16xf32>,
      %swap3A_88 = vector.shape_cast %swap3A_87 : vector<1x16xf32> to vector<16xf32>
      %swap3A_89 = vector.shape_cast %broadcast_in_dim3A_84 : vector<16xf32> to vector<1x16xf32>
      tpu.vector_store %arg8[%swap3A_85, %swap3A_86], %swap3A_89 {strides = array<i32>} : memref<128x128xf32, #tpu.memory_space<vmem>>, vector<1x16xf32>,
      %broadcast_in_dim3A_90 = arith.constant 0.000000e+00 : f32
      %broadcast_in_dim3A_91 = vector.broadcast %broadcast_in_dim3A_90 : f32 to vector<16xf32>
      %swap3A_92 = arith.index_cast %scan3A_56 : i32 to index
      %swap3A_93 = arith.constant 80 : index
      %swap3A_94 = tpu.vector_load %arg8[%swap3A_92, %swap3A_93] {strides = array<i32>} : memref<128x128xf32, #tpu.memory_space<vmem>>, vector<1x16xf32>,
      %swap3A_95 = vector.shape_cast %swap3A_94 : vector<1x16xf32> to vector<16xf32>
      %swap3A_96 = vector.shape_cast %broadcast_in_dim3A_91 : vector<16xf32> to vector<1x16xf32>
      tpu.vector_store %arg8[%swap3A_92, %swap3A_93], %swap3A_96 {strides = array<i32>} : memref<128x128xf32, #tpu.memory_space<vmem>>, vector<1x16xf32>,
      %broadcast_in_dim3A_97 = arith.constant 0.000000e+00 : f32
      %broadcast_in_dim3A_98 = vector.broadcast %broadcast_in_dim3A_97 : f32 to vector<16xf32>
      %swap3A_99 = arith.index_cast %scan3A_56 : i32 to index
      %swap3A_100 = arith.constant 96 : index
      %swap3A_101 = tpu.vector_load %arg8[%swap3A_99, %swap3A_100] {strides = array<i32>} : memref<128x128xf32, #tpu.memory_space<vmem>>, vector<1x16xf32>,
      %swap3A_102 = vector.shape_cast %swap3A_101 : vector<1x16xf32> to vector<16xf32>
      %swap3A_103 = vector.shape_cast %broadcast_in_dim3A_98 : vector<16xf32> to vector<1x16xf32>
      tpu.vector_store %arg8[%swap3A_99, %swap3A_100], %swap3A_103 {strides = array<i32>} : memref<128x128xf32, #tpu.memory_space<vmem>>, vector<1x16xf32>,
      %broadcast_in_dim3A_104 = arith.constant 0.000000e+00 : f32
      %broadcast_in_dim3A_105 = vector.broadcast %broadcast_in_dim3A_104 : f32 to vector<16xf32>
      %swap3A_106 = arith.index_cast %scan3A_56 : i32 to index
      %swap3A_107 = arith.constant 112 : index
      %swap3A_108 = tpu.vector_load %arg8[%swap3A_106, %swap3A_107] {strides = array<i32>} : memref<128x128xf32, #tpu.memory_space<vmem>>, vector<1x16xf32>,
      %swap3A_109 = vector.shape_cast %swap3A_108 : vector<1x16xf32> to vector<16xf32>
      %swap3A_110 = vector.shape_cast %broadcast_in_dim3A_105 : vector<16xf32> to vector<1x16xf32>
      tpu.vector_store %arg8[%swap3A_106, %swap3A_107], %swap3A_110 {strides = array<i32>} : memref<128x128xf32, #tpu.memory_space<vmem>>, vector<1x16xf32>,
    }
    %scan3A_5 = arith.constant 128 : i32
    %mul3A_6 = arith.constant 640 : i32
    %mul3A_7 = arith.muli %arg1, %mul3A_6 : i32
    %add3A_8 = arith.constant 0 : i32
    %add3A_9 = arith.addi %mul3A_7, %add3A_8 : i32
    "tpu.region"() ({
      %run_scoped3A = tpu.sem_alloc : memref<!tpu.dma_semaphore, #tpu.memory_space<semaphore_mem>>
      %dma_start3A_56 = arith.constant 0 : i32
      %dma_start3A_57 = tpu.memref_slice %arg10[%add3A_9, %dma_start3A_56] : memref<10240x128xf32, #tpu.memory_space<vmem_shared>> -> memref<128x128xf32, #tpu.memory_space<vmem_shared>>
      %dma_start3A_58 = arith.constant 0 : i32
      %dma_start3A_59 = tpu.memref_slice %arg10[%add3A_9, %dma_start3A_58] : memref<10240x128xf32, #tpu.memory_space<vmem_shared>> -> memref<128x128xf32, #tpu.memory_space<vmem_shared>>
      tpu.enqueue_dma source(%arg8 : memref<128x128xf32, #tpu.memory_space<vmem>>) target(%dma_start3A_59 : memref<128x128xf32, #tpu.memory_space<vmem_shared>>) target_semaphore(%run_scoped3A : memref<!tpu.dma_semaphore, #tpu.memory_space<semaphore_mem>>)
      %dma_wait3A = arith.constant 0 : i32
      %dma_wait3A_60 = tpu.memref_slice %arg10[%add3A_9, %dma_wait3A] : memref<10240x128xf32, #tpu.memory_space<vmem_shared>> -> memref<128x128xf32, #tpu.memory_space<vmem_shared>>
      %dma_wait3A_61 = arith.constant 0 : i32
      %dma_wait3A_62 = tpu.memref_slice %arg10[%add3A_9, %dma_wait3A_61] : memref<10240x128xf32, #tpu.memory_space<vmem_shared>> -> memref<128x128xf32, #tpu.memory_space<vmem_shared>>
      tpu.wait_dma2 semaphore(%run_scoped3A : memref<!tpu.dma_semaphore, #tpu.memory_space<semaphore_mem>>) src(%arg8 : memref<128x128xf32, #tpu.memory_space<vmem>>) dst(%dma_wait3A_62 : memref<128x128xf32, #tpu.memory_space<vmem_shared>>)
      tpu.yield
    }) : () -> ()
    %mul3A_10 = arith.constant 640 : i32
    %mul3A_11 = arith.muli %arg1, %mul3A_10 : i32
    %add3A_12 = arith.constant 128 : i32
    %add3A_13 = arith.addi %mul3A_11, %add3A_12 : i32
    "tpu.region"() ({
      %run_scoped3A = tpu.sem_alloc : memref<!tpu.dma_semaphore, #tpu.memory_space<semaphore_mem>>
      %dma_start3A_56 = arith.constant 0 : i32
      %dma_start3A_57 = tpu.memref_slice %arg10[%add3A_13, %dma_start3A_56] : memref<10240x128xf32, #tpu.memory_space<vmem_shared>> -> memref<128x128xf32, #tpu.memory_space<vmem_shared>>
      %dma_start3A_58 = arith.constant 0 : i32
      %dma_start3A_59 = tpu.memref_slice %arg10[%add3A_13, %dma_start3A_58] : memref<10240x128xf32, #tpu.memory_space<vmem_shared>> -> memref<128x128xf32, #tpu.memory_space<vmem_shared>>
      tpu.enqueue_dma source(%arg8 : memref<128x128xf32, #tpu.memory_space<vmem>>) target(%dma_start3A_59 : memref<128x128xf32, #tpu.memory_space<vmem_shared>>) target_semaphore(%run_scoped3A : memref<!tpu.dma_semaphore, #tpu.memory_space<semaphore_mem>>)
      %dma_wait3A = arith.constant 0 : i32
      %dma_wait3A_60 = tpu.memref_slice %arg10[%add3A_13, %dma_wait3A] : memref<10240x128xf32, #tpu.memory_space<vmem_shared>> -> memref<128x128xf32, #tpu.memory_space<vmem_shared>>
      %dma_wait3A_61 = arith.constant 0 : i32
      %dma_wait3A_62 = tpu.memref_slice %arg10[%add3A_13, %dma_wait3A_61] : memref<10240x128xf32, #tpu.memory_space<vmem_shared>> -> memref<128x128xf32, #tpu.memory_space<vmem_shared>>
      tpu.wait_dma2 semaphore(%run_scoped3A : memref<!tpu.dma_semaphore, #tpu.memory_space<semaphore_mem>>) src(%arg8 : memref<128x128xf32, #tpu.memory_space<vmem>>) dst(%dma_wait3A_62 : memref<128x128xf32, #tpu.memory_space<vmem_shared>>)
      tpu.yield
    }) : () -> ()
    %mul3A_14 = arith.constant 640 : i32
    %mul3A_15 = arith.muli %arg1, %mul3A_14 : i32
    %add3A_16 = arith.constant 256 : i32
    %add3A_17 = arith.addi %mul3A_15, %add3A_16 : i32
    "tpu.region"() ({
      %run_scoped3A = tpu.sem_alloc : memref<!tpu.dma_semaphore, #tpu.memory_space<semaphore_mem>>
      %dma_start3A_56 = arith.constant 0 : i32
      %dma_start3A_57 = tpu.memref_slice %arg10[%add3A_17, %dma_start3A_56] : memref<10240x128xf32, #tpu.memory_space<vmem_shared>> -> memref<128x128xf32, #tpu.memory_space<vmem_shared>>
      %dma_start3A_58 = arith.constant 0 : i32
      %dma_start3A_59 = tpu.memref_slice %arg10[%add3A_17, %dma_start3A_58] : memref<10240x128xf32, #tpu.memory_space<vmem_shared>> -> memref<128x128xf32, #tpu.memory_space<vmem_shared>>
      tpu.enqueue_dma source(%arg8 : memref<128x128xf32, #tpu.memory_space<vmem>>) target(%dma_start3A_59 : memref<128x128xf32, #tpu.memory_space<vmem_shared>>) target_semaphore(%run_scoped3A : memref<!tpu.dma_semaphore, #tpu.memory_space<semaphore_mem>>)
      %dma_wait3A = arith.constant 0 : i32
      %dma_wait3A_60 = tpu.memref_slice %arg10[%add3A_17, %dma_wait3A] : memref<10240x128xf32, #tpu.memory_space<vmem_shared>> -> memref<128x128xf32, #tpu.memory_space<vmem_shared>>
      %dma_wait3A_61 = arith.constant 0 : i32
      %dma_wait3A_62 = tpu.memref_slice %arg10[%add3A_17, %dma_wait3A_61] : memref<10240x128xf32, #tpu.memory_space<vmem_shared>> -> memref<128x128xf32, #tpu.memory_space<vmem_shared>>
      tpu.wait_dma2 semaphore(%run_scoped3A : memref<!tpu.dma_semaphore, #tpu.memory_space<semaphore_mem>>) src(%arg8 : memref<128x128xf32, #tpu.memory_space<vmem>>) dst(%dma_wait3A_62 : memref<128x128xf32, #tpu.memory_space<vmem_shared>>)
      tpu.yield
    }) : () -> ()
    %mul3A_18 = arith.constant 640 : i32
    %mul3A_19 = arith.muli %arg1, %mul3A_18 : i32
    %add3A_20 = arith.constant 384 : i32
    %add3A_21 = arith.addi %mul3A_19, %add3A_20 : i32
    "tpu.region"() ({
      %run_scoped3A = tpu.sem_alloc : memref<!tpu.dma_semaphore, #tpu.memory_space<semaphore_mem>>
      %dma_start3A_56 = arith.constant 0 : i32
      %dma_start3A_57 = tpu.memref_slice %arg10[%add3A_21, %dma_start3A_56] : memref<10240x128xf32, #tpu.memory_space<vmem_shared>> -> memref<128x128xf32, #tpu.memory_space<vmem_shared>>
      %dma_start3A_58 = arith.constant 0 : i32
      %dma_start3A_59 = tpu.memref_slice %arg10[%add3A_21, %dma_start3A_58] : memref<10240x128xf32, #tpu.memory_space<vmem_shared>> -> memref<128x128xf32, #tpu.memory_space<vmem_shared>>
      tpu.enqueue_dma source(%arg8 : memref<128x128xf32, #tpu.memory_space<vmem>>) target(%dma_start3A_59 : memref<128x128xf32, #tpu.memory_space<vmem_shared>>) target_semaphore(%run_scoped3A : memref<!tpu.dma_semaphore, #tpu.memory_space<semaphore_mem>>)
      %dma_wait3A = arith.constant 0 : i32
      %dma_wait3A_60 = tpu.memref_slice %arg10[%add3A_21, %dma_wait3A] : memref<10240x128xf32, #tpu.memory_space<vmem_shared>> -> memref<128x128xf32, #tpu.memory_space<vmem_shared>>
      %dma_wait3A_61 = arith.constant 0 : i32
      %dma_wait3A_62 = tpu.memref_slice %arg10[%add3A_21, %dma_wait3A_61] : memref<10240x128xf32, #tpu.memory_space<vmem_shared>> -> memref<128x128xf32, #tpu.memory_space<vmem_shared>>
      tpu.wait_dma2 semaphore(%run_scoped3A : memref<!tpu.dma_semaphore, #tpu.memory_space<semaphore_mem>>) src(%arg8 : memref<128x128xf32, #tpu.memory_space<vmem>>) dst(%dma_wait3A_62 : memref<128x128xf32, #tpu.memory_space<vmem_shared>>)
      tpu.yield
    }) : () -> ()
    %mul3A_22 = arith.constant 640 : i32
    %mul3A_23 = arith.muli %arg1, %mul3A_22 : i32
    %add3A_24 = arith.constant 512 : i32
    %add3A_25 = arith.addi %mul3A_23, %add3A_24 : i32
    "tpu.region"() ({
      %run_scoped3A = tpu.sem_alloc : memref<!tpu.dma_semaphore, #tpu.memory_space<semaphore_mem>>
      %dma_start3A_56 = arith.constant 0 : i32
      %dma_start3A_57 = tpu.memref_slice %arg10[%add3A_25, %dma_start3A_56] : memref<10240x128xf32, #tpu.memory_space<vmem_shared>> -> memref<128x128xf32, #tpu.memory_space<vmem_shared>>
      %dma_start3A_58 = arith.constant 0 : i32
      %dma_start3A_59 = tpu.memref_slice %arg10[%add3A_25, %dma_start3A_58] : memref<10240x128xf32, #tpu.memory_space<vmem_shared>> -> memref<128x128xf32, #tpu.memory_space<vmem_shared>>
      tpu.enqueue_dma source(%arg8 : memref<128x128xf32, #tpu.memory_space<vmem>>) target(%dma_start3A_59 : memref<128x128xf32, #tpu.memory_space<vmem_shared>>) target_semaphore(%run_scoped3A : memref<!tpu.dma_semaphore, #tpu.memory_space<semaphore_mem>>)
      %dma_wait3A = arith.constant 0 : i32
      %dma_wait3A_60 = tpu.memref_slice %arg10[%add3A_25, %dma_wait3A] : memref<10240x128xf32, #tpu.memory_space<vmem_shared>> -> memref<128x128xf32, #tpu.memory_space<vmem_shared>>
      %dma_wait3A_61 = arith.constant 0 : i32
      %dma_wait3A_62 = tpu.memref_slice %arg10[%add3A_25, %dma_wait3A_61] : memref<10240x128xf32, #tpu.memory_space<vmem_shared>> -> memref<128x128xf32, #tpu.memory_space<vmem_shared>>
      tpu.wait_dma2 semaphore(%run_scoped3A : memref<!tpu.dma_semaphore, #tpu.memory_space<semaphore_mem>>) src(%arg8 : memref<128x128xf32, #tpu.memory_space<vmem>>) dst(%dma_wait3A_62 : memref<128x128xf32, #tpu.memory_space<vmem_shared>>)
      tpu.yield
    }) : () -> ()
    %barrier3A = arith.constant 0 : index
    tpu.barrier barrier_id(%barrier3A)
    "tpu.region"() ({
      %run_scoped3A = tpu.sem_alloc : memref<!tpu.dma_semaphore, #tpu.memory_space<semaphore_mem>>
      %dma_start3A_56 = arith.constant 0 : i32
      %dma_start3A_57 = arith.constant 0 : i32
      %dma_start3A_58 = tpu.memref_slice %arg3[%add3A, %dma_start3A_56, %dma_start3A_57] : memref<32x80x128xi32, #tpu.memory_space<hbm>> -> memref<1x40x128xi32, #tpu.memory_space<hbm>>
      %dma_start3A_59 = tpu.memref_squeeze %dma_start3A_58 : memref<1x40x128xi32, #tpu.memory_space<hbm>> -> memref<40x128xi32, #tpu.memory_space<hbm>>
      %dma_start3A_60 = arith.constant 0 : i32
      %dma_start3A_61 = arith.constant 0 : i32
      %dma_start3A_62 = tpu.memref_slice %arg3[%add3A, %dma_start3A_60, %dma_start3A_61] : memref<32x80x128xi32, #tpu.memory_space<hbm>> -> memref<1x40x128xi32, #tpu.memory_space<hbm>>
      %dma_start3A_63 = tpu.memref_squeeze %dma_start3A_62 : memref<1x40x128xi32, #tpu.memory_space<hbm>> -> memref<40x128xi32, #tpu.memory_space<hbm>>
      tpu.enqueue_dma source(%dma_start3A_63 : memref<40x128xi32, #tpu.memory_space<hbm>>) target(%arg6 : memref<40x128xi32, #tpu.memory_space<vmem>>) target_semaphore(%run_scoped3A : memref<!tpu.dma_semaphore, #tpu.memory_space<semaphore_mem>>)
      %dma_wait3A = arith.constant 0 : i32
      %dma_wait3A_64 = arith.constant 0 : i32
      %dma_wait3A_65 = tpu.memref_slice %arg3[%add3A, %dma_wait3A, %dma_wait3A_64] : memref<32x80x128xi32, #tpu.memory_space<hbm>> -> memref<1x40x128xi32, #tpu.memory_space<hbm>>
      %dma_wait3A_66 = tpu.memref_squeeze %dma_wait3A_65 : memref<1x40x128xi32, #tpu.memory_space<hbm>> -> memref<40x128xi32, #tpu.memory_space<hbm>>
      %dma_wait3A_67 = arith.constant 0 : i32
      %dma_wait3A_68 = arith.constant 0 : i32
      %dma_wait3A_69 = tpu.memref_slice %arg3[%add3A, %dma_wait3A_67, %dma_wait3A_68] : memref<32x80x128xi32, #tpu.memory_space<hbm>> -> memref<1x40x128xi32, #tpu.memory_space<hbm>>
      %dma_wait3A_70 = tpu.memref_squeeze %dma_wait3A_69 : memref<1x40x128xi32, #tpu.memory_space<hbm>> -> memref<40x128xi32, #tpu.memory_space<hbm>>
      tpu.wait_dma2 semaphore(%run_scoped3A : memref<!tpu.dma_semaphore, #tpu.memory_space<semaphore_mem>>) src(%dma_wait3A_70 : memref<40x128xi32, #tpu.memory_space<hbm>>) dst(%arg6 : memref<40x128xi32, #tpu.memory_space<vmem>>)
      tpu.yield
    }) : () -> ()
    "tpu.region"() ({
      %run_scoped3A = tpu.sem_alloc : memref<!tpu.dma_semaphore, #tpu.memory_space<semaphore_mem>>
      %dma_start3A_56 = arith.constant 0 : i32
      %dma_start3A_57 = arith.constant 0 : i32
      %dma_start3A_58 = tpu.memref_slice %arg4[%add3A, %dma_start3A_56, %dma_start3A_57] : memref<32x80x128xi32, #tpu.memory_space<hbm>> -> memref<1x40x128xi32, #tpu.memory_space<hbm>>
      %dma_start3A_59 = tpu.memref_squeeze %dma_start3A_58 : memref<1x40x128xi32, #tpu.memory_space<hbm>> -> memref<40x128xi32, #tpu.memory_space<hbm>>
      %dma_start3A_60 = arith.constant 0 : i32
      %dma_start3A_61 = arith.constant 0 : i32
      %dma_start3A_62 = tpu.memref_slice %arg4[%add3A, %dma_start3A_60, %dma_start3A_61] : memref<32x80x128xi32, #tpu.memory_space<hbm>> -> memref<1x40x128xi32, #tpu.memory_space<hbm>>
      %dma_start3A_63 = tpu.memref_squeeze %dma_start3A_62 : memref<1x40x128xi32, #tpu.memory_space<hbm>> -> memref<40x128xi32, #tpu.memory_space<hbm>>
      tpu.enqueue_dma source(%dma_start3A_63 : memref<40x128xi32, #tpu.memory_space<hbm>>) target(%arg7 : memref<40x128xi32, #tpu.memory_space<vmem>>) target_semaphore(%run_scoped3A : memref<!tpu.dma_semaphore, #tpu.memory_space<semaphore_mem>>)
      %dma_wait3A = arith.constant 0 : i32
      %dma_wait3A_64 = arith.constant 0 : i32
      %dma_wait3A_65 = tpu.memref_slice %arg4[%add3A, %dma_wait3A, %dma_wait3A_64] : memref<32x80x128xi32, #tpu.memory_space<hbm>> -> memref<1x40x128xi32, #tpu.memory_space<hbm>>
      %dma_wait3A_66 = tpu.memref_squeeze %dma_wait3A_65 : memref<1x40x128xi32, #tpu.memory_space<hbm>> -> memref<40x128xi32, #tpu.memory_space<hbm>>
      %dma_wait3A_67 = arith.constant 0 : i32
      %dma_wait3A_68 = arith.constant 0 : i32
      %dma_wait3A_69 = tpu.memref_slice %arg4[%add3A, %dma_wait3A_67, %dma_wait3A_68] : memref<32x80x128xi32, #tpu.memory_space<hbm>> -> memref<1x40x128xi32, #tpu.memory_space<hbm>>
      %dma_wait3A_70 = tpu.memref_squeeze %dma_wait3A_69 : memref<1x40x128xi32, #tpu.memory_space<hbm>> -> memref<40x128xi32, #tpu.memory_space<hbm>>
      tpu.wait_dma2 semaphore(%run_scoped3A : memref<!tpu.dma_semaphore, #tpu.memory_space<semaphore_mem>>) src(%dma_wait3A_70 : memref<40x128xi32, #tpu.memory_space<hbm>>) dst(%arg7 : memref<40x128xi32, #tpu.memory_space<vmem>>)
      tpu.yield
    }) : () -> ()
    %dma_start3A = arith.constant 0 : i32
    %dma_start3A_26 = arith.constant 0 : i32
    %dma_start3A_27 = tpu.memref_slice %arg6[%dma_start3A, %dma_start3A_26] : memref<40x128xi32, #tpu.memory_space<vmem>> -> memref<1x128xi32, #tpu.memory_space<vmem>>
    %dma_start3A_28 = tpu.memref_squeeze %dma_start3A_27 : memref<1x128xi32, #tpu.memory_space<vmem>> -> memref<128xi32, #tpu.memory_space<vmem>>
    %dma_start3A_29 = arith.constant 0 : i32
    %dma_start3A_30 = arith.constant 0 : i32
    %dma_start3A_31 = tpu.memref_slice %arg2[%dma_start3A_29, %dma_start3A_30] : memref<10240x128xf32, #tpu.memory_space<hbm>> -> memref<10240x128xf32, #tpu.memory_space<hbm>>
    tpu.enqueue_indirect_dma source(%dma_start3A_31 : memref<10240x128xf32, #tpu.memory_space<hbm>>) target(%arg8 : memref<128x128xf32, #tpu.memory_space<vmem>>) offsets(%dma_start3A_28 : memref<128xi32, #tpu.memory_space<vmem>>) semaphore(%arg11 : memref<!tpu.dma_semaphore, #tpu.memory_space<semaphore_mem>>)
    %scan3A_32 = arith.constant 0 : i32
    %scan3A_33 = arith.constant 0 : i32
    %scan3A_34 = arith.constant 20 : i32
    %scan3A_35 = arith.addi %scan3A_33, %scan3A_34 : i32
    %scan3A_36 = arith.constant 1 : i32
    scf.for %scan3A_56 = %scan3A_33 to %scan3A_35 step %scan3A_36  : i32 {
      %mul3A_57 = arith.constant 2 : i32
      %mul3A_58 = arith.muli %mul3A_57, %scan3A_56 : i32
      %add3A_59 = arith.constant 1 : i32
      %add3A_60 = arith.addi %mul3A_58, %add3A_59 : i32
      %dma_start3A_61 = arith.constant 0 : i32
      %dma_start3A_62 = tpu.memref_slice %arg6[%add3A_60, %dma_start3A_61] : memref<40x128xi32, #tpu.memory_space<vmem>> -> memref<1x128xi32, #tpu.memory_space<vmem>>
      %dma_start3A_63 = tpu.memref_squeeze %dma_start3A_62 : memref<1x128xi32, #tpu.memory_space<vmem>> -> memref<128xi32, #tpu.memory_space<vmem>>
      %dma_start3A_64 = arith.constant 0 : i32
      %dma_start3A_65 = arith.constant 0 : i32
      %dma_start3A_66 = tpu.memref_slice %arg2[%dma_start3A_64, %dma_start3A_65] : memref<10240x128xf32, #tpu.memory_space<hbm>> -> memref<10240x128xf32, #tpu.memory_space<hbm>>
      tpu.enqueue_indirect_dma source(%dma_start3A_66 : memref<10240x128xf32, #tpu.memory_space<hbm>>) target(%arg9 : memref<128x128xf32, #tpu.memory_space<vmem>>) offsets(%dma_start3A_63 : memref<128xi32, #tpu.memory_space<vmem>>) semaphore(%arg12 : memref<!tpu.dma_semaphore, #tpu.memory_space<semaphore_mem>>)
      %dma_wait3A = arith.constant 0 : i32
      %dma_wait3A_67 = tpu.memref_slice %arg6[%mul3A_58, %dma_wait3A] : memref<40x128xi32, #tpu.memory_space<vmem>> -> memref<1x128xi32, #tpu.memory_space<vmem>>
      %dma_wait3A_68 = tpu.memref_squeeze %dma_wait3A_67 : memref<1x128xi32, #tpu.memory_space<vmem>> -> memref<128xi32, #tpu.memory_space<vmem>>
      %dma_wait3A_69 = arith.constant 0 : i32
      %dma_wait3A_70 = arith.constant 0 : i32
      %dma_wait3A_71 = tpu.memref_slice %arg2[%dma_wait3A_69, %dma_wait3A_70] : memref<10240x128xf32, #tpu.memory_space<hbm>> -> memref<10240x128xf32, #tpu.memory_space<hbm>>
      tpu.wait_indirect_dma semaphore(%arg11 : memref<!tpu.dma_semaphore, #tpu.memory_space<semaphore_mem>>) src(%dma_wait3A_71 : memref<10240x128xf32, #tpu.memory_space<hbm>>) dst(%arg8 : memref<128x128xf32, #tpu.memory_space<vmem>>)
      "tpu.region"() ({
        %run_scoped3A = tpu.sem_alloc : memref<!tpu.dma_semaphore, #tpu.memory_space<semaphore_mem>>
        %dma_start3A_80 = arith.constant 0 : i32
        %dma_start3A_81 = tpu.memref_slice %arg7[%mul3A_58, %dma_start3A_80] : memref<40x128xi32, #tpu.memory_space<vmem>> -> memref<1x128xi32, #tpu.memory_space<vmem>>
        %dma_start3A_82 = tpu.memref_squeeze %dma_start3A_81 : memref<1x128xi32, #tpu.memory_space<vmem>> -> memref<128xi32, #tpu.memory_space<vmem>>
        %dma_start3A_83 = arith.constant 0 : i32
        %dma_start3A_84 = arith.constant 0 : i32
        %dma_start3A_85 = tpu.memref_slice %arg10[%dma_start3A_83, %dma_start3A_84] : memref<10240x128xf32, #tpu.memory_space<vmem_shared>> -> memref<10240x128xf32, #tpu.memory_space<vmem_shared>>
        tpu.enqueue_indirect_dma source(%arg8 : memref<128x128xf32, #tpu.memory_space<vmem>>) target(%dma_start3A_85 : memref<10240x128xf32, #tpu.memory_space<vmem_shared>>) offsets(%dma_start3A_82 : memref<128xi32, #tpu.memory_space<vmem>>) semaphore(%run_scoped3A : memref<!tpu.dma_semaphore, #tpu.memory_space<semaphore_mem>>) {add = true}
        %dma_wait3A_86 = arith.constant 0 : i32
        %dma_wait3A_87 = tpu.memref_slice %arg7[%mul3A_58, %dma_wait3A_86] : memref<40x128xi32, #tpu.memory_space<vmem>> -> memref<1x128xi32, #tpu.memory_space<vmem>>
        %dma_wait3A_88 = tpu.memref_squeeze %dma_wait3A_87 : memref<1x128xi32, #tpu.memory_space<vmem>> -> memref<128xi32, #tpu.memory_space<vmem>>
        %dma_wait3A_89 = arith.constant 0 : i32
        %dma_wait3A_90 = arith.constant 0 : i32
        %dma_wait3A_91 = tpu.memref_slice %arg10[%dma_wait3A_89, %dma_wait3A_90] : memref<10240x128xf32, #tpu.memory_space<vmem_shared>> -> memref<10240x128xf32, #tpu.memory_space<vmem_shared>>
        tpu.wait_indirect_dma semaphore(%run_scoped3A : memref<!tpu.dma_semaphore, #tpu.memory_space<semaphore_mem>>) src(%arg8 : memref<128x128xf32, #tpu.memory_space<vmem>>) dst(%dma_wait3A_91 : memref<10240x128xf32, #tpu.memory_space<vmem_shared>>)
        tpu.yield
      }) : () -> ()
      %lt3A = arith.constant 19 : i32
      %lt3A_72 = arith.cmpi slt, %scan3A_56, %lt3A : i32
      %convert_element_type3A = arith.extui %lt3A_72 : i1 to i32
      %cond3A = arith.constant 0 : i32
      %cond3A_73 = arith.cmpi ne, %convert_element_type3A, %cond3A : i32
      scf.if %cond3A_73 {
        %add3A_80 = arith.constant 2 : i32
        %add3A_81 = arith.addi %mul3A_58, %add3A_80 : i32
        %dma_start3A_82 = arith.constant 0 : i32
        %dma_start3A_83 = tpu.memref_slice %arg6[%add3A_81, %dma_start3A_82] : memref<40x128xi32, #tpu.memory_space<vmem>> -> memref<1x128xi32, #tpu.memory_space<vmem>>
        %dma_start3A_84 = tpu.memref_squeeze %dma_start3A_83 : memref<1x128xi32, #tpu.memory_space<vmem>> -> memref<128xi32, #tpu.memory_space<vmem>>
        %dma_start3A_85 = arith.constant 0 : i32
        %dma_start3A_86 = arith.constant 0 : i32
        %dma_start3A_87 = tpu.memref_slice %arg2[%dma_start3A_85, %dma_start3A_86] : memref<10240x128xf32, #tpu.memory_space<hbm>> -> memref<10240x128xf32, #tpu.memory_space<hbm>>
        tpu.enqueue_indirect_dma source(%dma_start3A_87 : memref<10240x128xf32, #tpu.memory_space<hbm>>) target(%arg8 : memref<128x128xf32, #tpu.memory_space<vmem>>) offsets(%dma_start3A_84 : memref<128xi32, #tpu.memory_space<vmem>>) semaphore(%arg11 : memref<!tpu.dma_semaphore, #tpu.memory_space<semaphore_mem>>)
      } else {
      }
      %dma_wait3A_74 = arith.constant 0 : i32
      %dma_wait3A_75 = tpu.memref_slice %arg6[%add3A_60, %dma_wait3A_74] : memref<40x128xi32, #tpu.memory_space<vmem>> -> memref<1x128xi32, #tpu.memory_space<vmem>>
      %dma_wait3A_76 = tpu.memref_squeeze %dma_wait3A_75 : memref<1x128xi32, #tpu.memory_space<vmem>> -> memref<128xi32, #tpu.memory_space<vmem>>
      %dma_wait3A_77 = arith.constant 0 : i32
      %dma_wait3A_78 = arith.constant 0 : i32
      %dma_wait3A_79 = tpu.memref_slice %arg2[%dma_wait3A_77, %dma_wait3A_78] : memref<10240x128xf32, #tpu.memory_space<hbm>> -> memref<10240x128xf32, #tpu.memory_space<hbm>>
      tpu.wait_indirect_dma semaphore(%arg12 : memref<!tpu.dma_semaphore, #tpu.memory_space<semaphore_mem>>) src(%dma_wait3A_79 : memref<10240x128xf32, #tpu.memory_space<hbm>>) dst(%arg9 : memref<128x128xf32, #tpu.memory_space<vmem>>)
      "tpu.region"() ({
        %run_scoped3A = tpu.sem_alloc : memref<!tpu.dma_semaphore, #tpu.memory_space<semaphore_mem>>
        %dma_start3A_80 = arith.constant 0 : i32
        %dma_start3A_81 = tpu.memref_slice %arg7[%add3A_60, %dma_start3A_80] : memref<40x128xi32, #tpu.memory_space<vmem>> -> memref<1x128xi32, #tpu.memory_space<vmem>>
        %dma_start3A_82 = tpu.memref_squeeze %dma_start3A_81 : memref<1x128xi32, #tpu.memory_space<vmem>> -> memref<128xi32, #tpu.memory_space<vmem>>
        %dma_start3A_83 = arith.constant 0 : i32
        %dma_start3A_84 = arith.constant 0 : i32
        %dma_start3A_85 = tpu.memref_slice %arg10[%dma_start3A_83, %dma_start3A_84] : memref<10240x128xf32, #tpu.memory_space<vmem_shared>> -> memref<10240x128xf32, #tpu.memory_space<vmem_shared>>
        tpu.enqueue_indirect_dma source(%arg9 : memref<128x128xf32, #tpu.memory_space<vmem>>) target(%dma_start3A_85 : memref<10240x128xf32, #tpu.memory_space<vmem_shared>>) offsets(%dma_start3A_82 : memref<128xi32, #tpu.memory_space<vmem>>) semaphore(%run_scoped3A : memref<!tpu.dma_semaphore, #tpu.memory_space<semaphore_mem>>) {add = true}
        %dma_wait3A_86 = arith.constant 0 : i32
        %dma_wait3A_87 = tpu.memref_slice %arg7[%add3A_60, %dma_wait3A_86] : memref<40x128xi32, #tpu.memory_space<vmem>> -> memref<1x128xi32, #tpu.memory_space<vmem>>
        %dma_wait3A_88 = tpu.memref_squeeze %dma_wait3A_87 : memref<1x128xi32, #tpu.memory_space<vmem>> -> memref<128xi32, #tpu.memory_space<vmem>>
        %dma_wait3A_89 = arith.constant 0 : i32
        %dma_wait3A_90 = arith.constant 0 : i32
        %dma_wait3A_91 = tpu.memref_slice %arg10[%dma_wait3A_89, %dma_wait3A_90] : memref<10240x128xf32, #tpu.memory_space<vmem_shared>> -> memref<10240x128xf32, #tpu.memory_space<vmem_shared>>
        tpu.wait_indirect_dma semaphore(%run_scoped3A : memref<!tpu.dma_semaphore, #tpu.memory_space<semaphore_mem>>) src(%arg9 : memref<128x128xf32, #tpu.memory_space<vmem>>) dst(%dma_wait3A_91 : memref<10240x128xf32, #tpu.memory_space<vmem_shared>>)
        tpu.yield
      }) : () -> ()
    }
    %scan3A_37 = arith.constant 20 : i32
    "tpu.region"() ({
      %run_scoped3A = tpu.sem_alloc : memref<!tpu.dma_semaphore, #tpu.memory_space<semaphore_mem>>
      %dma_start3A_56 = arith.constant 40 : i32
      %dma_start3A_57 = arith.constant 0 : i32
      %dma_start3A_58 = tpu.memref_slice %arg3[%add3A, %dma_start3A_56, %dma_start3A_57] : memref<32x80x128xi32, #tpu.memory_space<hbm>> -> memref<1x40x128xi32, #tpu.memory_space<hbm>>
      %dma_start3A_59 = tpu.memref_squeeze %dma_start3A_58 : memref<1x40x128xi32, #tpu.memory_space<hbm>> -> memref<40x128xi32, #tpu.memory_space<hbm>>
      %dma_start3A_60 = arith.constant 40 : i32
      %dma_start3A_61 = arith.constant 0 : i32
      %dma_start3A_62 = tpu.memref_slice %arg3[%add3A, %dma_start3A_60, %dma_start3A_61] : memref<32x80x128xi32, #tpu.memory_space<hbm>> -> memref<1x40x128xi32, #tpu.memory_space<hbm>>
      %dma_start3A_63 = tpu.memref_squeeze %dma_start3A_62 : memref<1x40x128xi32, #tpu.memory_space<hbm>> -> memref<40x128xi32, #tpu.memory_space<hbm>>
      tpu.enqueue_dma source(%dma_start3A_63 : memref<40x128xi32, #tpu.memory_space<hbm>>) target(%arg6 : memref<40x128xi32, #tpu.memory_space<vmem>>) target_semaphore(%run_scoped3A : memref<!tpu.dma_semaphore, #tpu.memory_space<semaphore_mem>>)
      %dma_wait3A = arith.constant 40 : i32
      %dma_wait3A_64 = arith.constant 0 : i32
      %dma_wait3A_65 = tpu.memref_slice %arg3[%add3A, %dma_wait3A, %dma_wait3A_64] : memref<32x80x128xi32, #tpu.memory_space<hbm>> -> memref<1x40x128xi32, #tpu.memory_space<hbm>>
      %dma_wait3A_66 = tpu.memref_squeeze %dma_wait3A_65 : memref<1x40x128xi32, #tpu.memory_space<hbm>> -> memref<40x128xi32, #tpu.memory_space<hbm>>
      %dma_wait3A_67 = arith.constant 40 : i32
      %dma_wait3A_68 = arith.constant 0 : i32
      %dma_wait3A_69 = tpu.memref_slice %arg3[%add3A, %dma_wait3A_67, %dma_wait3A_68] : memref<32x80x128xi32, #tpu.memory_space<hbm>> -> memref<1x40x128xi32, #tpu.memory_space<hbm>>
      %dma_wait3A_70 = tpu.memref_squeeze %dma_wait3A_69 : memref<1x40x128xi32, #tpu.memory_space<hbm>> -> memref<40x128xi32, #tpu.memory_space<hbm>>
      tpu.wait_dma2 semaphore(%run_scoped3A : memref<!tpu.dma_semaphore, #tpu.memory_space<semaphore_mem>>) src(%dma_wait3A_70 : memref<40x128xi32, #tpu.memory_space<hbm>>) dst(%arg6 : memref<40x128xi32, #tpu.memory_space<vmem>>)
      tpu.yield
    }) : () -> ()
    "tpu.region"() ({
      %run_scoped3A = tpu.sem_alloc : memref<!tpu.dma_semaphore, #tpu.memory_space<semaphore_mem>>
      %dma_start3A_56 = arith.constant 40 : i32
      %dma_start3A_57 = arith.constant 0 : i32
      %dma_start3A_58 = tpu.memref_slice %arg4[%add3A, %dma_start3A_56, %dma_start3A_57] : memref<32x80x128xi32, #tpu.memory_space<hbm>> -> memref<1x40x128xi32, #tpu.memory_space<hbm>>
      %dma_start3A_59 = tpu.memref_squeeze %dma_start3A_58 : memref<1x40x128xi32, #tpu.memory_space<hbm>> -> memref<40x128xi32, #tpu.memory_space<hbm>>
      %dma_start3A_60 = arith.constant 40 : i32
      %dma_start3A_61 = arith.constant 0 : i32
      %dma_start3A_62 = tpu.memref_slice %arg4[%add3A, %dma_start3A_60, %dma_start3A_61] : memref<32x80x128xi32, #tpu.memory_space<hbm>> -> memref<1x40x128xi32, #tpu.memory_space<hbm>>
      %dma_start3A_63 = tpu.memref_squeeze %dma_start3A_62 : memref<1x40x128xi32, #tpu.memory_space<hbm>> -> memref<40x128xi32, #tpu.memory_space<hbm>>
      tpu.enqueue_dma source(%dma_start3A_63 : memref<40x128xi32, #tpu.memory_space<hbm>>) target(%arg7 : memref<40x128xi32, #tpu.memory_space<vmem>>) target_semaphore(%run_scoped3A : memref<!tpu.dma_semaphore, #tpu.memory_space<semaphore_mem>>)
      %dma_wait3A = arith.constant 40 : i32
      %dma_wait3A_64 = arith.constant 0 : i32
      %dma_wait3A_65 = tpu.memref_slice %arg4[%add3A, %dma_wait3A, %dma_wait3A_64] : memref<32x80x128xi32, #tpu.memory_space<hbm>> -> memref<1x40x128xi32, #tpu.memory_space<hbm>>
      %dma_wait3A_66 = tpu.memref_squeeze %dma_wait3A_65 : memref<1x40x128xi32, #tpu.memory_space<hbm>> -> memref<40x128xi32, #tpu.memory_space<hbm>>
      %dma_wait3A_67 = arith.constant 40 : i32
      %dma_wait3A_68 = arith.constant 0 : i32
      %dma_wait3A_69 = tpu.memref_slice %arg4[%add3A, %dma_wait3A_67, %dma_wait3A_68] : memref<32x80x128xi32, #tpu.memory_space<hbm>> -> memref<1x40x128xi32, #tpu.memory_space<hbm>>
      %dma_wait3A_70 = tpu.memref_squeeze %dma_wait3A_69 : memref<1x40x128xi32, #tpu.memory_space<hbm>> -> memref<40x128xi32, #tpu.memory_space<hbm>>
      tpu.wait_dma2 semaphore(%run_scoped3A : memref<!tpu.dma_semaphore, #tpu.memory_space<semaphore_mem>>) src(%dma_wait3A_70 : memref<40x128xi32, #tpu.memory_space<hbm>>) dst(%arg7 : memref<40x128xi32, #tpu.memory_space<vmem>>)
      tpu.yield
    }) : () -> ()
    %dma_start3A_38 = arith.constant 0 : i32
    %dma_start3A_39 = arith.constant 0 : i32
    %dma_start3A_40 = tpu.memref_slice %arg6[%dma_start3A_38, %dma_start3A_39] : memref<40x128xi32, #tpu.memory_space<vmem>> -> memref<1x128xi32, #tpu.memory_space<vmem>>
    %dma_start3A_41 = tpu.memref_squeeze %dma_start3A_40 : memref<1x128xi32, #tpu.memory_space<vmem>> -> memref<128xi32, #tpu.memory_space<vmem>>
    %dma_start3A_42 = arith.constant 0 : i32
    %dma_start3A_43 = arith.constant 0 : i32
    %dma_start3A_44 = tpu.memref_slice %arg2[%dma_start3A_42, %dma_start3A_43] : memref<10240x128xf32, #tpu.memory_space<hbm>> -> memref<10240x128xf32, #tpu.memory_space<hbm>>
    tpu.enqueue_indirect_dma source(%dma_start3A_44 : memref<10240x128xf32, #tpu.memory_space<hbm>>) target(%arg8 : memref<128x128xf32, #tpu.memory_space<vmem>>) offsets(%dma_start3A_41 : memref<128xi32, #tpu.memory_space<vmem>>) semaphore(%arg11 : memref<!tpu.dma_semaphore, #tpu.memory_space<semaphore_mem>>)
    %scan3A_45 = arith.constant 0 : i32
    %scan3A_46 = arith.constant 0 : i32
    %scan3A_47 = arith.constant 20 : i32
    %scan3A_48 = arith.addi %scan3A_46, %scan3A_47 : i32
    %scan3A_49 = arith.constant 1 : i32
    scf.for %scan3A_56 = %scan3A_46 to %scan3A_48 step %scan3A_49  : i32 {
      %mul3A_57 = arith.constant 2 : i32
      %mul3A_58 = arith.muli %mul3A_57, %scan3A_56 : i32
      %add3A_59 = arith.constant 1 : i32
      %add3A_60 = arith.addi %mul3A_58, %add3A_59 : i32
      %dma_start3A_61 = arith.constant 0 : i32
      %dma_start3A_62 = tpu.memref_slice %arg6[%add3A_60, %dma_start3A_61] : memref<40x128xi32, #tpu.memory_space<vmem>> -> memref<1x128xi32, #tpu.memory_space<vmem>>
      %dma_start3A_63 = tpu.memref_squeeze %dma_start3A_62 : memref<1x128xi32, #tpu.memory_space<vmem>> -> memref<128xi32, #tpu.memory_space<vmem>>
      %dma_start3A_64 = arith.constant 0 : i32
      %dma_start3A_65 = arith.constant 0 : i32
      %dma_start3A_66 = tpu.memref_slice %arg2[%dma_start3A_64, %dma_start3A_65] : memref<10240x128xf32, #tpu.memory_space<hbm>> -> memref<10240x128xf32, #tpu.memory_space<hbm>>
      tpu.enqueue_indirect_dma source(%dma_start3A_66 : memref<10240x128xf32, #tpu.memory_space<hbm>>) target(%arg9 : memref<128x128xf32, #tpu.memory_space<vmem>>) offsets(%dma_start3A_63 : memref<128xi32, #tpu.memory_space<vmem>>) semaphore(%arg12 : memref<!tpu.dma_semaphore, #tpu.memory_space<semaphore_mem>>)
      %dma_wait3A = arith.constant 0 : i32
      %dma_wait3A_67 = tpu.memref_slice %arg6[%mul3A_58, %dma_wait3A] : memref<40x128xi32, #tpu.memory_space<vmem>> -> memref<1x128xi32, #tpu.memory_space<vmem>>
      %dma_wait3A_68 = tpu.memref_squeeze %dma_wait3A_67 : memref<1x128xi32, #tpu.memory_space<vmem>> -> memref<128xi32, #tpu.memory_space<vmem>>
      %dma_wait3A_69 = arith.constant 0 : i32
      %dma_wait3A_70 = arith.constant 0 : i32
      %dma_wait3A_71 = tpu.memref_slice %arg2[%dma_wait3A_69, %dma_wait3A_70] : memref<10240x128xf32, #tpu.memory_space<hbm>> -> memref<10240x128xf32, #tpu.memory_space<hbm>>
      tpu.wait_indirect_dma semaphore(%arg11 : memref<!tpu.dma_semaphore, #tpu.memory_space<semaphore_mem>>) src(%dma_wait3A_71 : memref<10240x128xf32, #tpu.memory_space<hbm>>) dst(%arg8 : memref<128x128xf32, #tpu.memory_space<vmem>>)
      "tpu.region"() ({
        %run_scoped3A = tpu.sem_alloc : memref<!tpu.dma_semaphore, #tpu.memory_space<semaphore_mem>>
        %dma_start3A_80 = arith.constant 0 : i32
        %dma_start3A_81 = tpu.memref_slice %arg7[%mul3A_58, %dma_start3A_80] : memref<40x128xi32, #tpu.memory_space<vmem>> -> memref<1x128xi32, #tpu.memory_space<vmem>>
        %dma_start3A_82 = tpu.memref_squeeze %dma_start3A_81 : memref<1x128xi32, #tpu.memory_space<vmem>> -> memref<128xi32, #tpu.memory_space<vmem>>
        %dma_start3A_83 = arith.constant 0 : i32
        %dma_start3A_84 = arith.constant 0 : i32
        %dma_start3A_85 = tpu.memref_slice %arg10[%dma_start3A_83, %dma_start3A_84] : memref<10240x128xf32, #tpu.memory_space<vmem_shared>> -> memref<10240x128xf32, #tpu.memory_space<vmem_shared>>
        tpu.enqueue_indirect_dma source(%arg8 : memref<128x128xf32, #tpu.memory_space<vmem>>) target(%dma_start3A_85 : memref<10240x128xf32, #tpu.memory_space<vmem_shared>>) offsets(%dma_start3A_82 : memref<128xi32, #tpu.memory_space<vmem>>) semaphore(%run_scoped3A : memref<!tpu.dma_semaphore, #tpu.memory_space<semaphore_mem>>) {add = true}
        %dma_wait3A_86 = arith.constant 0 : i32
        %dma_wait3A_87 = tpu.memref_slice %arg7[%mul3A_58, %dma_wait3A_86] : memref<40x128xi32, #tpu.memory_space<vmem>> -> memref<1x128xi32, #tpu.memory_space<vmem>>
        %dma_wait3A_88 = tpu.memref_squeeze %dma_wait3A_87 : memref<1x128xi32, #tpu.memory_space<vmem>> -> memref<128xi32, #tpu.memory_space<vmem>>
        %dma_wait3A_89 = arith.constant 0 : i32
        %dma_wait3A_90 = arith.constant 0 : i32
        %dma_wait3A_91 = tpu.memref_slice %arg10[%dma_wait3A_89, %dma_wait3A_90] : memref<10240x128xf32, #tpu.memory_space<vmem_shared>> -> memref<10240x128xf32, #tpu.memory_space<vmem_shared>>
        tpu.wait_indirect_dma semaphore(%run_scoped3A : memref<!tpu.dma_semaphore, #tpu.memory_space<semaphore_mem>>) src(%arg8 : memref<128x128xf32, #tpu.memory_space<vmem>>) dst(%dma_wait3A_91 : memref<10240x128xf32, #tpu.memory_space<vmem_shared>>)
        tpu.yield
      }) : () -> ()
      %lt3A = arith.constant 19 : i32
      %lt3A_72 = arith.cmpi slt, %scan3A_56, %lt3A : i32
      %convert_element_type3A = arith.extui %lt3A_72 : i1 to i32
      %cond3A = arith.constant 0 : i32
      %cond3A_73 = arith.cmpi ne, %convert_element_type3A, %cond3A : i32
      scf.if %cond3A_73 {
        %add3A_80 = arith.constant 2 : i32
        %add3A_81 = arith.addi %mul3A_58, %add3A_80 : i32
        %dma_start3A_82 = arith.constant 0 : i32
        %dma_start3A_83 = tpu.memref_slice %arg6[%add3A_81, %dma_start3A_82] : memref<40x128xi32, #tpu.memory_space<vmem>> -> memref<1x128xi32, #tpu.memory_space<vmem>>
        %dma_start3A_84 = tpu.memref_squeeze %dma_start3A_83 : memref<1x128xi32, #tpu.memory_space<vmem>> -> memref<128xi32, #tpu.memory_space<vmem>>
        %dma_start3A_85 = arith.constant 0 : i32
        %dma_start3A_86 = arith.constant 0 : i32
        %dma_start3A_87 = tpu.memref_slice %arg2[%dma_start3A_85, %dma_start3A_86] : memref<10240x128xf32, #tpu.memory_space<hbm>> -> memref<10240x128xf32, #tpu.memory_space<hbm>>
        tpu.enqueue_indirect_dma source(%dma_start3A_87 : memref<10240x128xf32, #tpu.memory_space<hbm>>) target(%arg8 : memref<128x128xf32, #tpu.memory_space<vmem>>) offsets(%dma_start3A_84 : memref<128xi32, #tpu.memory_space<vmem>>) semaphore(%arg11 : memref<!tpu.dma_semaphore, #tpu.memory_space<semaphore_mem>>)
      } else {
      }
      %dma_wait3A_74 = arith.constant 0 : i32
      %dma_wait3A_75 = tpu.memref_slice %arg6[%add3A_60, %dma_wait3A_74] : memref<40x128xi32, #tpu.memory_space<vmem>> -> memref<1x128xi32, #tpu.memory_space<vmem>>
      %dma_wait3A_76 = tpu.memref_squeeze %dma_wait3A_75 : memref<1x128xi32, #tpu.memory_space<vmem>> -> memref<128xi32, #tpu.memory_space<vmem>>
      %dma_wait3A_77 = arith.constant 0 : i32
      %dma_wait3A_78 = arith.constant 0 : i32
      %dma_wait3A_79 = tpu.memref_slice %arg2[%dma_wait3A_77, %dma_wait3A_78] : memref<10240x128xf32, #tpu.memory_space<hbm>> -> memref<10240x128xf32, #tpu.memory_space<hbm>>
      tpu.wait_indirect_dma semaphore(%arg12 : memref<!tpu.dma_semaphore, #tpu.memory_space<semaphore_mem>>) src(%dma_wait3A_79 : memref<10240x128xf32, #tpu.memory_space<hbm>>) dst(%arg9 : memref<128x128xf32, #tpu.memory_space<vmem>>)
      "tpu.region"() ({
        %run_scoped3A = tpu.sem_alloc : memref<!tpu.dma_semaphore, #tpu.memory_space<semaphore_mem>>
        %dma_start3A_80 = arith.constant 0 : i32
        %dma_start3A_81 = tpu.memref_slice %arg7[%add3A_60, %dma_start3A_80] : memref<40x128xi32, #tpu.memory_space<vmem>> -> memref<1x128xi32, #tpu.memory_space<vmem>>
        %dma_start3A_82 = tpu.memref_squeeze %dma_start3A_81 : memref<1x128xi32, #tpu.memory_space<vmem>> -> memref<128xi32, #tpu.memory_space<vmem>>
        %dma_start3A_83 = arith.constant 0 : i32
        %dma_start3A_84 = arith.constant 0 : i32
        %dma_start3A_85 = tpu.memref_slice %arg10[%dma_start3A_83, %dma_start3A_84] : memref<10240x128xf32, #tpu.memory_space<vmem_shared>> -> memref<10240x128xf32, #tpu.memory_space<vmem_shared>>
        tpu.enqueue_indirect_dma source(%arg9 : memref<128x128xf32, #tpu.memory_space<vmem>>) target(%dma_start3A_85 : memref<10240x128xf32, #tpu.memory_space<vmem_shared>>) offsets(%dma_start3A_82 : memref<128xi32, #tpu.memory_space<vmem>>) semaphore(%run_scoped3A : memref<!tpu.dma_semaphore, #tpu.memory_space<semaphore_mem>>) {add = true}
        %dma_wait3A_86 = arith.constant 0 : i32
        %dma_wait3A_87 = tpu.memref_slice %arg7[%add3A_60, %dma_wait3A_86] : memref<40x128xi32, #tpu.memory_space<vmem>> -> memref<1x128xi32, #tpu.memory_space<vmem>>
        %dma_wait3A_88 = tpu.memref_squeeze %dma_wait3A_87 : memref<1x128xi32, #tpu.memory_space<vmem>> -> memref<128xi32, #tpu.memory_space<vmem>>
        %dma_wait3A_89 = arith.constant 0 : i32
        %dma_wait3A_90 = arith.constant 0 : i32
        %dma_wait3A_91 = tpu.memref_slice %arg10[%dma_wait3A_89, %dma_wait3A_90] : memref<10240x128xf32, #tpu.memory_space<vmem_shared>> -> memref<10240x128xf32, #tpu.memory_space<vmem_shared>>
        tpu.wait_indirect_dma semaphore(%run_scoped3A : memref<!tpu.dma_semaphore, #tpu.memory_space<semaphore_mem>>) src(%arg9 : memref<128x128xf32, #tpu.memory_space<vmem>>) dst(%dma_wait3A_91 : memref<10240x128xf32, #tpu.memory_space<vmem_shared>>)
        tpu.yield
      }) : () -> ()
    }
    %scan3A_50 = arith.constant 20 : i32
    %barrier3A_51 = arith.constant 0 : index
    tpu.barrier barrier_id(%barrier3A_51)
    %mul3A_52 = arith.constant 640 : i32
    %mul3A_53 = arith.muli %arg1, %mul3A_52 : i32
    %mul3A_54 = arith.constant 640 : i32
    %mul3A_55 = arith.muli %arg1, %mul3A_54 : i32
    "tpu.region"() ({
      %run_scoped3A = tpu.sem_alloc : memref<!tpu.dma_semaphore, #tpu.memory_space<semaphore_mem>>
      %dma_start3A_56 = arith.constant 0 : i32
      %dma_start3A_57 = tpu.memref_slice %arg5[%arg0, %mul3A_55, %dma_start3A_56] : memref<2x10240x128xf32, #tpu.memory_space<hbm>> -> memref<1x640x128xf32, #tpu.memory_space<hbm>>
      %dma_start3A_58 = tpu.memref_squeeze %dma_start3A_57 : memref<1x640x128xf32, #tpu.memory_space<hbm>> -> memref<640x128xf32, #tpu.memory_space<hbm>>
      %dma_start3A_59 = arith.constant 0 : i32
      %dma_start3A_60 = tpu.memref_slice %arg10[%mul3A_53, %dma_start3A_59] : memref<10240x128xf32, #tpu.memory_space<vmem_shared>> -> memref<640x128xf32, #tpu.memory_space<vmem_shared>>
      tpu.enqueue_dma source(%dma_start3A_60 : memref<640x128xf32, #tpu.memory_space<vmem_shared>>) target(%dma_start3A_58 : memref<640x128xf32, #tpu.memory_space<hbm>>) target_semaphore(%run_scoped3A : memref<!tpu.dma_semaphore, #tpu.memory_space<semaphore_mem>>)
      %dma_wait3A = arith.constant 0 : i32
      %dma_wait3A_61 = tpu.memref_slice %arg5[%arg0, %mul3A_55, %dma_wait3A] : memref<2x10240x128xf32, #tpu.memory_space<hbm>> -> memref<1x640x128xf32, #tpu.memory_space<hbm>>
      %dma_wait3A_62 = tpu.memref_squeeze %dma_wait3A_61 : memref<1x640x128xf32, #tpu.memory_space<hbm>> -> memref<640x128xf32, #tpu.memory_space<hbm>>
      %dma_wait3A_63 = arith.constant 0 : i32
      %dma_wait3A_64 = tpu.memref_slice %arg10[%mul3A_53, %dma_wait3A_63] : memref<10240x128xf32, #tpu.memory_space<vmem_shared>> -> memref<640x128xf32, #tpu.memory_space<vmem_shared>>
      tpu.wait_dma2 semaphore(%run_scoped3A : memref<!tpu.dma_semaphore, #tpu.memory_space<semaphore_mem>>) src(%dma_wait3A_64 : memref<640x128xf32, #tpu.memory_space<vmem_shared>>) dst(%dma_wait3A_62 : memref<640x128xf32, #tpu.memory_space<hbm>>)
      tpu.yield
    }) : () -> ()
    return
  }
}

module attributes {stable_mosaic.version = 14 : i64} {
  func.func @_tck_a_body(%arg0: i32, %arg1: memref<2048x128xf32, #tpu.memory_space<vmem>>, %arg2: memref<1x2048x2xf32, #tpu.memory_space<vmem>>, %arg3: memref<1x2048x1xi32, #tpu.memory_space<vmem>>, %arg4: memref<64x1xi32, #tpu.memory_space<vmem>>, %arg5: memref<128x128xf32, #tpu.memory_space<vmem>>, %arg6: memref<10x128xf32, #tpu.memory_space<vmem>>, %arg7: memref<2048x128xf32, #tpu.memory_space<vmem>>, %arg8: memref<2048x1xf32, #tpu.memory_space<vmem>>) attributes {dimension_semantics = [#tpu.dimension_semantics<arbitrary>], iteration_bounds = array<i64: 5>, scalar_prefetch = 0 : i64, scratch_operands = 0 : i64, tpu.core_type = #tpu.core_type<tc>, window_params = [{transform_indices = @transform_0, window_bounds = array<i64: 2048, 128>}, {transform_indices = @transform_1, window_bounds = array<i64: 1, 2048, 2>}, {transform_indices = @transform_2, window_bounds = array<i64: 1, 2048, 1>}, {pipeline_mode = #tpu.pipeline_mode<synchronous>, transform_indices = @transform_3, window_bounds = array<i64: 64, 1>}, {pipeline_mode = #tpu.pipeline_mode<synchronous>, transform_indices = @transform_4, window_bounds = array<i64: 128, 128>}, {pipeline_mode = #tpu.pipeline_mode<synchronous>, transform_indices = @transform_5, window_bounds = array<i64: 10, 128>}, {transform_indices = @transform_6, window_bounds = array<i64: 2048, 128>}, {transform_indices = @transform_7, window_bounds = array<i64: 2048, 1>}]} {
    %get3A = arith.constant 0 : index
    %get3A_0 = arith.constant 0 : index
    %get3A_1 = arith.constant 0 : index
    %get3A_2 = vector.load %arg2[%get3A, %get3A_0, %get3A_1] : memref<1x2048x2xf32, #tpu.memory_space<vmem>>, vector<1x2048x2xf32>
    %get3A_3 = vector.shape_cast %get3A_2 : vector<1x2048x2xf32> to vector<2048x2xf32>
    %slice3A = vector.extract_strided_slice %get3A_3 {offsets = [0, 0], sizes = [2048, 1], strides = [1, 1]} : vector<2048x2xf32> to vector<2048x1xf32>
    %slice3A_4 = vector.extract_strided_slice %get3A_3 {offsets = [0, 1], sizes = [2048, 1], strides = [1, 1]} : vector<2048x2xf32> to vector<2048x1xf32>
    %add3A = arith.addf %slice3A, %slice3A_4 : vector<2048x1xf32>
    %add3A_5 = arith.constant 1.000000e+00 : f32
    %add3A_6 = vector.broadcast %add3A_5 : f32 to vector<2048x1xf32>
    %add3A_7 = arith.addf %add3A, %add3A_6 : vector<2048x1xf32>
    %rsqrt3A = math.rsqrt %add3A_7 : vector<2048x1xf32>
    %get3A_8 = arith.constant 0 : index
    %get3A_9 = arith.constant 0 : index
    %get3A_10 = arith.constant 0 : index
    %get3A_11 = vector.load %arg3[%get3A_8, %get3A_9, %get3A_10] : memref<1x2048x1xi32, #tpu.memory_space<vmem>>, vector<1x2048x1xi32>
    %get3A_12 = vector.shape_cast %get3A_11 : vector<1x2048x1xi32> to vector<2048x1xi32>
    %iota3A = tpu.iota {dimensions = array<i32: 1>} : vector<2048x64xi32>
    %eq3A = vector.broadcast %get3A_12 : vector<2048x1xi32> to vector<2048x64xi32>
    %eq3A_13 = arith.cmpi eq, %eq3A, %iota3A : vector<2048x64xi32>
    %convert_element_type3A = arith.extui %eq3A_13 : vector<2048x64xi1> to vector<2048x64xi32>
    %convert_element_type3A_14 = arith.sitofp %convert_element_type3A : vector<2048x64xi32> to vector<2048x64xf32>
    %get3A_15 = arith.constant 0 : index
    %get3A_16 = arith.constant 0 : index
    %get3A_17 = vector.load %arg4[%get3A_15, %get3A_16] : memref<64x1xi32, #tpu.memory_space<vmem>>, vector<64x1xi32>
    %iota3A_18 = tpu.iota {dimensions = array<i32: 1>} : vector<64x10xi32>
    %eq3A_19 = vector.broadcast %get3A_17 : vector<64x1xi32> to vector<64x10xi32>
    %eq3A_20 = arith.cmpi eq, %eq3A_19, %iota3A_18 : vector<64x10xi32>
    %convert_element_type3A_21 = arith.extui %eq3A_20 : vector<64x10xi1> to vector<64x10xi32>
    %convert_element_type3A_22 = arith.sitofp %convert_element_type3A_21 : vector<64x10xi32> to vector<64x10xf32>
    %get3A_23 = arith.constant 0 : index
    %get3A_24 = arith.constant 0 : index
    %get3A_25 = vector.load %arg6[%get3A_23, %get3A_24] : memref<10x128xf32, #tpu.memory_space<vmem>>, vector<10x128xf32>
    %dot_general3A = arith.constant dense<0.000000e+00> : vector<64x128xf32>
    %dot_general3A_26 = tpu.matmul %convert_element_type3A_22, %get3A_25, %dot_general3A {dimension_numbers = #tpu.dot_dimension_numbers<[1], [0], [0], [1], [0, 0, 1, 1], [], []>, transpose_lhs_hint = false} : vector<64x10xf32>, vector<10x128xf32>, vector<64x128xf32> -> vector<64x128xf32>
    %dot_general3A_27 = arith.constant dense<0.000000e+00> : vector<2048x128xf32>
    %dot_general3A_28 = tpu.matmul %convert_element_type3A_14, %dot_general3A_26, %dot_general3A_27 {dimension_numbers = #tpu.dot_dimension_numbers<[1], [0], [0], [1], [0, 0, 1, 1], [], []>, transpose_lhs_hint = false} : vector<2048x64xf32>, vector<64x128xf32>, vector<2048x128xf32> -> vector<2048x128xf32>
    %get3A_29 = arith.constant 0 : index
    %get3A_30 = arith.constant 0 : index
    %get3A_31 = vector.load %arg1[%get3A_29, %get3A_30] : memref<2048x128xf32, #tpu.memory_space<vmem>>, vector<2048x128xf32>
    %get3A_32 = arith.constant 0 : index
    %get3A_33 = arith.constant 0 : index
    %get3A_34 = vector.load %arg5[%get3A_32, %get3A_33] : memref<128x128xf32, #tpu.memory_space<vmem>>, vector<128x128xf32>
    %dot_general3A_35 = arith.constant dense<0.000000e+00> : vector<2048x128xf32>
    %dot_general3A_36 = tpu.matmul %get3A_31, %get3A_34, %dot_general3A_35 {dimension_numbers = #tpu.dot_dimension_numbers<[1], [0], [0], [1], [0, 0, 1, 1], [], []>, transpose_lhs_hint = false} : vector<2048x128xf32>, vector<128x128xf32>, vector<2048x128xf32> -> vector<2048x128xf32>
    %add3A_37 = arith.addf %dot_general3A_36, %dot_general3A_28 : vector<2048x128xf32>
    %iota3A_38 = tpu.iota {dimensions = array<i32: 0>} : vector<2048x1xi32>
    %mul3A = arith.constant 2048 : i32
    %mul3A_39 = arith.muli %arg0, %mul3A : i32
    %add3A_40 = vector.broadcast %mul3A_39 : i32 to vector<2048x1xi32>
    %add3A_41 = arith.addi %iota3A_38, %add3A_40 : vector<2048x1xi32>
    %lt3A = arith.constant 10000 : i32
    %lt3A_42 = vector.broadcast %lt3A : i32 to vector<2048x1xi32>
    %lt3A_43 = arith.cmpi slt, %add3A_41, %lt3A_42 : vector<2048x1xi32>
    %mul3A_44 = vector.broadcast %rsqrt3A : vector<2048x1xf32> to vector<2048x128xf32>
    %mul3A_45 = arith.mulf %mul3A_44, %add3A_37 : vector<2048x128xf32>
    %jit3A = arith.constant 0.000000e+00 : f32
    %broadcast_in_dim3A = vector.shape_cast %lt3A_43 : vector<2048x1xi1> to vector<2048x1xi1>
    %broadcast_in_dim3A_46 = vector.broadcast %broadcast_in_dim3A : vector<2048x1xi1> to vector<2048x128xi1>
    %broadcast_in_dim3A_47 = vector.broadcast %jit3A : f32 to vector<2048x128xf32>
    %select_n3A = arith.select %broadcast_in_dim3A_46, %mul3A_45, %broadcast_in_dim3A_47 : vector<2048x128xi1>, vector<2048x128xf32>
    %swap3A = arith.constant 0 : index
    %swap3A_48 = arith.constant 0 : index
    %swap3A_49 = vector.load %arg7[%swap3A, %swap3A_48] : memref<2048x128xf32, #tpu.memory_space<vmem>>, vector<2048x128xf32>
    tpu.vector_store %arg7[%swap3A, %swap3A_48], %select_n3A {strides = array<i32>} : memref<2048x128xf32, #tpu.memory_space<vmem>>, vector<2048x128xf32>,
    %swap3A_50 = arith.constant 0 : index
    %swap3A_51 = arith.constant 0 : index
    %swap3A_52 = vector.load %arg8[%swap3A_50, %swap3A_51] : memref<2048x1xf32, #tpu.memory_space<vmem>>, vector<2048x1xf32>
    tpu.vector_store %arg8[%swap3A_50, %swap3A_51], %rsqrt3A {strides = array<i32>} : memref<2048x1xf32, #tpu.memory_space<vmem>>, vector<2048x1xf32>,
    return
  }
  func.func @transform_0(%arg0: i32) -> (i32, i32) {
    %c0_i32 = arith.constant 0 : i32
    %c0_i32_0 = arith.constant 0 : i32
    return %arg0, %c0_i32 : i32, i32
  }
  func.func @transform_1(%arg0: i32) -> (i32, i32, i32) {
    %c0_i32 = arith.constant 0 : i32
    %c0_i32_0 = arith.constant 0 : i32
    %c0_i32_1 = arith.constant 0 : i32
    return %arg0, %c0_i32, %c0_i32_0 : i32, i32, i32
  }
  func.func @transform_2(%arg0: i32) -> (i32, i32, i32) {
    %c0_i32 = arith.constant 0 : i32
    %c0_i32_0 = arith.constant 0 : i32
    %c0_i32_1 = arith.constant 0 : i32
    return %arg0, %c0_i32, %c0_i32_0 : i32, i32, i32
  }
  func.func @transform_3(%arg0: i32) -> (i32, i32) {
    %c0_i32 = arith.constant 0 : i32
    %c0_i32_0 = arith.constant 0 : i32
    %c0_i32_1 = arith.constant 0 : i32
    return %c0_i32, %c0_i32_0 : i32, i32
  }
  func.func @transform_4(%arg0: i32) -> (i32, i32) {
    %c0_i32 = arith.constant 0 : i32
    %c0_i32_0 = arith.constant 0 : i32
    %c0_i32_1 = arith.constant 0 : i32
    return %c0_i32, %c0_i32_0 : i32, i32
  }
  func.func @transform_5(%arg0: i32) -> (i32, i32) {
    %c0_i32 = arith.constant 0 : i32
    %c0_i32_0 = arith.constant 0 : i32
    %c0_i32_1 = arith.constant 0 : i32
    return %c0_i32, %c0_i32_0 : i32, i32
  }
  func.func @transform_6(%arg0: i32) -> (i32, i32) {
    %c0_i32 = arith.constant 0 : i32
    %c0_i32_0 = arith.constant 0 : i32
    return %arg0, %c0_i32 : i32, i32
  }
  func.func @transform_7(%arg0: i32) -> (i32, i32) {
    %c0_i32 = arith.constant 0 : i32
    %c0_i32_0 = arith.constant 0 : i32
    return %arg0, %c0_i32 : i32, i32
  }
}

module attributes {stable_mosaic.version = 14 : i64} {
  func.func @_tck_b_body(%arg0: i32, %arg1: memref<2x2048x128xf32, #tpu.memory_space<vmem>>, %arg2: memref<2048x128xf32, #tpu.memory_space<vmem>>, %arg3: memref<2048x1xf32, #tpu.memory_space<vmem>>, %arg4: memref<1x128xf32, #tpu.memory_space<vmem>>, %arg5: memref<128x128xf32, #tpu.memory_space<vmem>>, %arg6: memref<2048x128xf32, #tpu.memory_space<vmem>>) attributes {dimension_semantics = [#tpu.dimension_semantics<arbitrary>], iteration_bounds = array<i64: 5>, scalar_prefetch = 0 : i64, scratch_operands = 0 : i64, tpu.core_type = #tpu.core_type<tc>, window_params = [{transform_indices = @transform_0, window_bounds = array<i64: 2, 2048, 128>}, {transform_indices = @transform_1, window_bounds = array<i64: 2048, 128>}, {transform_indices = @transform_2, window_bounds = array<i64: 2048, 1>}, {pipeline_mode = #tpu.pipeline_mode<synchronous>, transform_indices = @transform_3, window_bounds = array<i64: 1, 128>}, {pipeline_mode = #tpu.pipeline_mode<synchronous>, transform_indices = @transform_4, window_bounds = array<i64: 128, 128>}, {transform_indices = @transform_5, window_bounds = array<i64: 2048, 128>}]} {
    %get3A = arith.constant 0 : index
    %get3A_0 = arith.constant 0 : index
    %get3A_1 = arith.constant 0 : index
    %get3A_2 = vector.load %arg1[%get3A, %get3A_0, %get3A_1] : memref<2x2048x128xf32, #tpu.memory_space<vmem>>, vector<1x2048x128xf32>
    %get3A_3 = vector.shape_cast %get3A_2 : vector<1x2048x128xf32> to vector<2048x128xf32>
    %get3A_4 = arith.constant 1 : index
    %get3A_5 = arith.constant 0 : index
    %get3A_6 = arith.constant 0 : index
    %get3A_7 = vector.load %arg1[%get3A_4, %get3A_5, %get3A_6] : memref<2x2048x128xf32, #tpu.memory_space<vmem>>, vector<1x2048x128xf32>
    %get3A_8 = vector.shape_cast %get3A_7 : vector<1x2048x128xf32> to vector<2048x128xf32>
    %add3A = arith.addf %get3A_3, %get3A_8 : vector<2048x128xf32>
    %get3A_9 = arith.constant 0 : index
    %get3A_10 = arith.constant 0 : index
    %get3A_11 = vector.load %arg2[%get3A_9, %get3A_10] : memref<2048x128xf32, #tpu.memory_space<vmem>>, vector<2048x128xf32>
    %add3A_12 = arith.addf %add3A, %get3A_11 : vector<2048x128xf32>
    %get3A_13 = arith.constant 0 : index
    %get3A_14 = arith.constant 0 : index
    %get3A_15 = vector.load %arg3[%get3A_13, %get3A_14] : memref<2048x1xf32, #tpu.memory_space<vmem>>, vector<2048x1xf32>
    %mul3A = vector.broadcast %get3A_15 : vector<2048x1xf32> to vector<2048x128xf32>
    %mul3A_16 = arith.mulf %mul3A, %add3A_12 : vector<2048x128xf32>
    %get3A_17 = arith.constant 0 : index
    %get3A_18 = arith.constant 0 : index
    %get3A_19 = vector.load %arg4[%get3A_17, %get3A_18] : memref<1x128xf32, #tpu.memory_space<vmem>>, vector<1x128xf32>
    %add3A_20 = vector.broadcast %get3A_19 : vector<1x128xf32> to vector<2048x128xf32>
    %add3A_21 = arith.addf %mul3A_16, %add3A_20 : vector<2048x128xf32>
    %max3A = arith.constant 0.000000e+00 : f32
    %max3A_22 = vector.broadcast %max3A : f32 to vector<2048x128xf32>
    %max3A_23 = arith.maximumf %add3A_21, %max3A_22 : vector<2048x128xf32>
    %get3A_24 = arith.constant 0 : index
    %get3A_25 = arith.constant 0 : index
    %get3A_26 = vector.load %arg5[%get3A_24, %get3A_25] : memref<128x128xf32, #tpu.memory_space<vmem>>, vector<128x128xf32>
    %dot_general3A = arith.constant dense<0.000000e+00> : vector<2048x128xf32>
    %dot_general3A_27 = tpu.matmul %max3A_23, %get3A_26, %dot_general3A {dimension_numbers = #tpu.dot_dimension_numbers<[1], [0], [0], [1], [0, 0, 1, 1], [], []>, transpose_lhs_hint = false} : vector<2048x128xf32>, vector<128x128xf32>, vector<2048x128xf32> -> vector<2048x128xf32>
    %mul3A_28 = vector.broadcast %get3A_15 : vector<2048x1xf32> to vector<2048x128xf32>
    %mul3A_29 = arith.mulf %mul3A_28, %dot_general3A_27 : vector<2048x128xf32>
    %swap3A = arith.constant 0 : index
    %swap3A_30 = arith.constant 0 : index
    %swap3A_31 = vector.load %arg6[%swap3A, %swap3A_30] : memref<2048x128xf32, #tpu.memory_space<vmem>>, vector<2048x128xf32>
    tpu.vector_store %arg6[%swap3A, %swap3A_30], %mul3A_29 {strides = array<i32>} : memref<2048x128xf32, #tpu.memory_space<vmem>>, vector<2048x128xf32>,
    return
  }
  func.func @transform_0(%arg0: i32) -> (i32, i32, i32) {
    %c0_i32 = arith.constant 0 : i32
    %c0_i32_0 = arith.constant 0 : i32
    %c0_i32_1 = arith.constant 0 : i32
    return %c0_i32, %arg0, %c0_i32_0 : i32, i32, i32
  }
  func.func @transform_1(%arg0: i32) -> (i32, i32) {
    %c0_i32 = arith.constant 0 : i32
    %c0_i32_0 = arith.constant 0 : i32
    return %arg0, %c0_i32 : i32, i32
  }
  func.func @transform_2(%arg0: i32) -> (i32, i32) {
    %c0_i32 = arith.constant 0 : i32
    %c0_i32_0 = arith.constant 0 : i32
    return %arg0, %c0_i32 : i32, i32
  }
  func.func @transform_3(%arg0: i32) -> (i32, i32) {
    %c0_i32 = arith.constant 0 : i32
    %c0_i32_0 = arith.constant 0 : i32
    %c0_i32_1 = arith.constant 0 : i32
    return %c0_i32, %c0_i32_0 : i32, i32
  }
  func.func @transform_4(%arg0: i32) -> (i32, i32) {
    %c0_i32 = arith.constant 0 : i32
    %c0_i32_0 = arith.constant 0 : i32
    %c0_i32_1 = arith.constant 0 : i32
    return %c0_i32, %c0_i32_0 : i32, i32
  }
  func.func @transform_5(%arg0: i32) -> (i32, i32) {
    %c0_i32 = arith.constant 0 : i32
    %c0_i32_0 = arith.constant 0 : i32
    return %arg0, %c0_i32 : i32, i32
  }
}

module attributes {stable_mosaic.version = 14 : i64} {
  func.func @_tck_c_body(%arg0: i32, %arg1: memref<2x2048x128xf32, #tpu.memory_space<vmem>>, %arg2: memref<2048x128xf32, #tpu.memory_space<vmem>>, %arg3: memref<2048x1xf32, #tpu.memory_space<vmem>>, %arg4: memref<1x128xf32, #tpu.memory_space<vmem>>, %arg5: memref<1x2048x1xi32, #tpu.memory_space<vmem>>, %arg6: memref<1x128xf32, #tpu.memory_space<vmem>>, %arg7: memref<1x128xf32, #tpu.memory_space<vmem>>, %arg8: memref<128x1xf32, #tpu.memory_space<vmem>>, %arg9: memref<1x1xf32, #tpu.memory_space<vmem>>, %arg10: memref<64x1xf32, #tpu.memory_space<vmem>>, %arg11: memref<5x2048x128xf32, #tpu.memory_space<vmem>>, %arg12: memref<1x128xf32, #tpu.memory_space<vmem>>, %arg13: memref<1x128xf32, #tpu.memory_space<vmem>>, %arg14: memref<64x128xf32, #tpu.memory_space<vmem>>, %arg15: memref<64x1xf32, #tpu.memory_space<vmem>>) attributes {dimension_semantics = [#tpu.dimension_semantics<arbitrary>], iteration_bounds = array<i64: 10>, scalar_prefetch = 0 : i64, scratch_operands = 5 : i64, tpu.core_type = #tpu.core_type<tc>, window_params = [{transform_indices = @transform_0, window_bounds = array<i64: 2, 2048, 128>}, {transform_indices = @transform_1, window_bounds = array<i64: 2048, 128>}, {transform_indices = @transform_2, window_bounds = array<i64: 2048, 1>}, {pipeline_mode = #tpu.pipeline_mode<synchronous>, transform_indices = @transform_3, window_bounds = array<i64: 1, 128>}, {transform_indices = @transform_4, window_bounds = array<i64: 1, 2048, 1>}, {pipeline_mode = #tpu.pipeline_mode<synchronous>, transform_indices = @transform_5, window_bounds = array<i64: 1, 128>}, {pipeline_mode = #tpu.pipeline_mode<synchronous>, transform_indices = @transform_6, window_bounds = array<i64: 1, 128>}, {pipeline_mode = #tpu.pipeline_mode<synchronous>, transform_indices = @transform_7, window_bounds = array<i64: 128, 1>}, {pipeline_mode = #tpu.pipeline_mode<synchronous>, transform_indices = @transform_8, window_bounds = array<i64: 1, 1>}, {pipeline_mode = #tpu.pipeline_mode<synchronous>, transform_indices = @transform_9, window_bounds = array<i64: 64, 1>}]} {
    %lt3A = arith.constant 5 : i32
    %lt3A_0 = arith.cmpi slt, %arg0, %lt3A : i32
    %convert_element_type3A = arith.extui %lt3A_0 : i1 to i32
    %cond3A = arith.constant 0 : i32
    %cond3A_1 = arith.cmpi ne, %convert_element_type3A, %cond3A : i32
    scf.if %cond3A_1 {
      %get3A = arith.constant 0 : index
      %get3A_6 = arith.constant 0 : index
      %get3A_7 = arith.constant 0 : index
      %get3A_8 = vector.load %arg1[%get3A, %get3A_6, %get3A_7] : memref<2x2048x128xf32, #tpu.memory_space<vmem>>, vector<1x2048x128xf32>
      %get3A_9 = vector.shape_cast %get3A_8 : vector<1x2048x128xf32> to vector<2048x128xf32>
      %get3A_10 = arith.constant 1 : index
      %get3A_11 = arith.constant 0 : index
      %get3A_12 = arith.constant 0 : index
      %get3A_13 = vector.load %arg1[%get3A_10, %get3A_11, %get3A_12] : memref<2x2048x128xf32, #tpu.memory_space<vmem>>, vector<1x2048x128xf32>
      %get3A_14 = vector.shape_cast %get3A_13 : vector<1x2048x128xf32> to vector<2048x128xf32>
      %add3A = arith.addf %get3A_9, %get3A_14 : vector<2048x128xf32>
      %get3A_15 = arith.constant 0 : index
      %get3A_16 = arith.constant 0 : index
      %get3A_17 = vector.load %arg2[%get3A_15, %get3A_16] : memref<2048x128xf32, #tpu.memory_space<vmem>>, vector<2048x128xf32>
      %add3A_18 = arith.addf %add3A, %get3A_17 : vector<2048x128xf32>
      %get3A_19 = arith.constant 0 : index
      %get3A_20 = arith.constant 0 : index
      %get3A_21 = vector.load %arg3[%get3A_19, %get3A_20] : memref<2048x1xf32, #tpu.memory_space<vmem>>, vector<2048x1xf32>
      %mul3A = vector.broadcast %get3A_21 : vector<2048x1xf32> to vector<2048x128xf32>
      %mul3A_22 = arith.mulf %mul3A, %add3A_18 : vector<2048x128xf32>
      %get3A_23 = arith.constant 0 : index
      %get3A_24 = arith.constant 0 : index
      %get3A_25 = vector.load %arg4[%get3A_23, %get3A_24] : memref<1x128xf32, #tpu.memory_space<vmem>>, vector<1x128xf32>
      %add3A_26 = vector.broadcast %get3A_25 : vector<1x128xf32> to vector<2048x128xf32>
      %add3A_27 = arith.addf %mul3A_22, %add3A_26 : vector<2048x128xf32>
      %max3A = arith.constant 0.000000e+00 : f32
      %max3A_28 = vector.broadcast %max3A : f32 to vector<2048x128xf32>
      %max3A_29 = arith.maximumf %add3A_27, %max3A_28 : vector<2048x128xf32>
      %swap3A = arith.index_cast %arg0 : i32 to index
      %swap3A_30 = arith.constant 0 : index
      %swap3A_31 = arith.constant 0 : index
      %swap3A_32 = vector.load %arg11[%swap3A, %swap3A_30, %swap3A_31] : memref<5x2048x128xf32, #tpu.memory_space<vmem>>, vector<1x2048x128xf32>
      %swap3A_33 = vector.shape_cast %swap3A_32 : vector<1x2048x128xf32> to vector<2048x128xf32>
      %swap3A_34 = vector.shape_cast %max3A_29 : vector<2048x128xf32> to vector<1x2048x128xf32>
      tpu.vector_store %arg11[%swap3A, %swap3A_30, %swap3A_31], %swap3A_34 {strides = array<i32>} : memref<5x2048x128xf32, #tpu.memory_space<vmem>>, vector<1x2048x128xf32>,
      %iota3A = tpu.iota {dimensions = array<i32: 0>} : vector<2048x1xi32>
      %mul3A_35 = arith.constant 2048 : i32
      %mul3A_36 = arith.muli %arg0, %mul3A_35 : i32
      %add3A_37 = vector.broadcast %mul3A_36 : i32 to vector<2048x1xi32>
      %add3A_38 = arith.addi %iota3A, %add3A_37 : vector<2048x1xi32>
      %lt3A_39 = arith.constant 10000 : i32
      %lt3A_40 = vector.broadcast %lt3A_39 : i32 to vector<2048x1xi32>
      %lt3A_41 = arith.cmpi slt, %add3A_38, %lt3A_40 : vector<2048x1xi32>
      %jit3A = arith.constant 0.000000e+00 : f32
      %broadcast_in_dim3A = vector.shape_cast %lt3A_41 : vector<2048x1xi1> to vector<2048x1xi1>
      %broadcast_in_dim3A_42 = vector.broadcast %broadcast_in_dim3A : vector<2048x1xi1> to vector<2048x128xi1>
      %broadcast_in_dim3A_43 = vector.broadcast %jit3A : f32 to vector<2048x128xf32>
      %select_n3A = arith.select %broadcast_in_dim3A_42, %max3A_29, %broadcast_in_dim3A_43 : vector<2048x128xi1>, vector<2048x128xf32>
      %eq3A = arith.constant 0 : i32
      %eq3A_44 = arith.cmpi eq, %arg0, %eq3A : i32
      %convert_element_type3A_45 = arith.extui %eq3A_44 : i1 to i32
      %cond3A_46 = arith.constant 0 : i32
      %cond3A_47 = arith.cmpi ne, %convert_element_type3A_45, %cond3A_46 : i32
      scf.if %cond3A_47 {
        %broadcast_in_dim3A_68 = arith.constant 0.000000e+00 : f32
        %broadcast_in_dim3A_69 = vector.broadcast %broadcast_in_dim3A_68 : f32 to vector<1x128xf32>
        %swap3A_70 = arith.constant 0 : index
        %swap3A_71 = arith.constant 0 : index
        %swap3A_72 = vector.load %arg12[%swap3A_70, %swap3A_71] : memref<1x128xf32, #tpu.memory_space<vmem>>, vector<1x128xf32>
        tpu.vector_store %arg12[%swap3A_70, %swap3A_71], %broadcast_in_dim3A_69 {strides = array<i32>} : memref<1x128xf32, #tpu.memory_space<vmem>>, vector<1x128xf32>,
        %broadcast_in_dim3A_73 = arith.constant 0.000000e+00 : f32
        %broadcast_in_dim3A_74 = vector.broadcast %broadcast_in_dim3A_73 : f32 to vector<1x128xf32>
        %swap3A_75 = arith.constant 0 : index
        %swap3A_76 = arith.constant 0 : index
        %swap3A_77 = vector.load %arg13[%swap3A_75, %swap3A_76] : memref<1x128xf32, #tpu.memory_space<vmem>>, vector<1x128xf32>
        tpu.vector_store %arg13[%swap3A_75, %swap3A_76], %broadcast_in_dim3A_74 {strides = array<i32>} : memref<1x128xf32, #tpu.memory_space<vmem>>, vector<1x128xf32>,
      } else {
      }
      %get3A_48 = arith.constant 0 : index
      %get3A_49 = arith.constant 0 : index
      %get3A_50 = vector.load %arg12[%get3A_48, %get3A_49] : memref<1x128xf32, #tpu.memory_space<vmem>>, vector<1x128xf32>
      %reduce_sum3A = arith.constant dense<0.000000e+00> : vector<128xf32>
      %reduce_sum3A_51 = vector.multi_reduction <add>, %select_n3A, %reduce_sum3A [0] : vector<2048x128xf32> to vector<128xf32>
      %broadcast_in_dim3A_52 = vector.shape_cast %reduce_sum3A_51 : vector<128xf32> to vector<1x128xf32>
      %add3A_53 = arith.addf %get3A_50, %broadcast_in_dim3A_52 : vector<1x128xf32>
      %swap3A_54 = arith.constant 0 : index
      %swap3A_55 = arith.constant 0 : index
      %swap3A_56 = vector.load %arg12[%swap3A_54, %swap3A_55] : memref<1x128xf32, #tpu.memory_space<vmem>>, vector<1x128xf32>
      tpu.vector_store %arg12[%swap3A_54, %swap3A_55], %add3A_53 {strides = array<i32>} : memref<1x128xf32, #tpu.memory_space<vmem>>, vector<1x128xf32>,
      %get3A_57 = arith.constant 0 : index
      %get3A_58 = arith.constant 0 : index
      %get3A_59 = vector.load %arg13[%get3A_57, %get3A_58] : memref<1x128xf32, #tpu.memory_space<vmem>>, vector<1x128xf32>
      %mul3A_60 = arith.mulf %select_n3A, %select_n3A : vector<2048x128xf32>
      %reduce_sum3A_61 = arith.constant dense<0.000000e+00> : vector<128xf32>
      %reduce_sum3A_62 = vector.multi_reduction <add>, %mul3A_60, %reduce_sum3A_61 [0] : vector<2048x128xf32> to vector<128xf32>
      %broadcast_in_dim3A_63 = vector.shape_cast %reduce_sum3A_62 : vector<128xf32> to vector<1x128xf32>
      %add3A_64 = arith.addf %get3A_59, %broadcast_in_dim3A_63 : vector<1x128xf32>
      %swap3A_65 = arith.constant 0 : index
      %swap3A_66 = arith.constant 0 : index
      %swap3A_67 = vector.load %arg13[%swap3A_65, %swap3A_66] : memref<1x128xf32, #tpu.memory_space<vmem>>, vector<1x128xf32>
      tpu.vector_store %arg13[%swap3A_65, %swap3A_66], %add3A_64 {strides = array<i32>} : memref<1x128xf32, #tpu.memory_space<vmem>>, vector<1x128xf32>,
    } else {
    }
    %ge3A = arith.constant 5 : i32
    %ge3A_2 = arith.cmpi sge, %arg0, %ge3A : i32
    %convert_element_type3A_3 = arith.extui %ge3A_2 : i1 to i32
    %cond3A_4 = arith.constant 0 : i32
    %cond3A_5 = arith.cmpi ne, %convert_element_type3A_3, %cond3A_4 : i32
    scf.if %cond3A_5 {
      %sub3A = arith.constant 5 : i32
      %sub3A_6 = arith.subi %arg0, %sub3A : i32
      %get3A = arith.constant 0 : index
      %get3A_7 = arith.constant 0 : index
      %get3A_8 = vector.load %arg12[%get3A, %get3A_7] : memref<1x128xf32, #tpu.memory_space<vmem>>, vector<1x128xf32>
      %mul3A = arith.constant 9.99999974E-5 : f32
      %mul3A_9 = vector.broadcast %mul3A : f32 to vector<1x128xf32>
      %mul3A_10 = arith.mulf %get3A_8, %mul3A_9 : vector<1x128xf32>
      %get3A_11 = arith.constant 0 : index
      %get3A_12 = arith.constant 0 : index
      %get3A_13 = vector.load %arg13[%get3A_11, %get3A_12] : memref<1x128xf32, #tpu.memory_space<vmem>>, vector<1x128xf32>
      %mul3A_14 = arith.constant 9.99999974E-5 : f32
      %mul3A_15 = vector.broadcast %mul3A_14 : f32 to vector<1x128xf32>
      %mul3A_16 = arith.mulf %get3A_13, %mul3A_15 : vector<1x128xf32>
      %mul3A_17 = arith.mulf %mul3A_10, %mul3A_10 : vector<1x128xf32>
      %sub3A_18 = arith.subf %mul3A_16, %mul3A_17 : vector<1x128xf32>
      %add3A = arith.constant 9.99999974E-6 : f32
      %add3A_19 = vector.broadcast %add3A : f32 to vector<1x128xf32>
      %add3A_20 = arith.addf %sub3A_18, %add3A_19 : vector<1x128xf32>
      %rsqrt3A = math.rsqrt %add3A_20 : vector<1x128xf32>
      %get3A_21 = arith.index_cast %sub3A_6 : i32 to index
      %get3A_22 = arith.constant 0 : index
      %get3A_23 = arith.constant 0 : index
      %get3A_24 = vector.load %arg11[%get3A_21, %get3A_22, %get3A_23] : memref<5x2048x128xf32, #tpu.memory_space<vmem>>, vector<1x2048x128xf32>
      %get3A_25 = vector.shape_cast %get3A_24 : vector<1x2048x128xf32> to vector<2048x128xf32>
      %sub3A_26 = vector.broadcast %mul3A_10 : vector<1x128xf32> to vector<2048x128xf32>
      %sub3A_27 = arith.subf %get3A_25, %sub3A_26 : vector<2048x128xf32>
      %mul3A_28 = vector.broadcast %rsqrt3A : vector<1x128xf32> to vector<2048x128xf32>
      %mul3A_29 = arith.mulf %sub3A_27, %mul3A_28 : vector<2048x128xf32>
      %get3A_30 = arith.constant 0 : index
      %get3A_31 = arith.constant 0 : index
      %get3A_32 = vector.load %arg6[%get3A_30, %get3A_31] : memref<1x128xf32, #tpu.memory_space<vmem>>, vector<1x128xf32>
      %mul3A_33 = vector.broadcast %get3A_32 : vector<1x128xf32> to vector<2048x128xf32>
      %mul3A_34 = arith.mulf %mul3A_29, %mul3A_33 : vector<2048x128xf32>
      %get3A_35 = arith.constant 0 : index
      %get3A_36 = arith.constant 0 : index
      %get3A_37 = vector.load %arg7[%get3A_35, %get3A_36] : memref<1x128xf32, #tpu.memory_space<vmem>>, vector<1x128xf32>
      %add3A_38 = vector.broadcast %get3A_37 : vector<1x128xf32> to vector<2048x128xf32>
      %add3A_39 = arith.addf %mul3A_34, %add3A_38 : vector<2048x128xf32>
      %max3A = arith.constant 0.000000e+00 : f32
      %max3A_40 = vector.broadcast %max3A : f32 to vector<2048x128xf32>
      %max3A_41 = arith.maximumf %add3A_39, %max3A_40 : vector<2048x128xf32>
      %iota3A = tpu.iota {dimensions = array<i32: 0>} : vector<2048x1xi32>
      %mul3A_42 = arith.constant 2048 : i32
      %mul3A_43 = arith.muli %sub3A_6, %mul3A_42 : i32
      %add3A_44 = vector.broadcast %mul3A_43 : i32 to vector<2048x1xi32>
      %add3A_45 = arith.addi %iota3A, %add3A_44 : vector<2048x1xi32>
      %lt3A_46 = arith.constant 10000 : i32
      %lt3A_47 = vector.broadcast %lt3A_46 : i32 to vector<2048x1xi32>
      %lt3A_48 = arith.cmpi slt, %add3A_45, %lt3A_47 : vector<2048x1xi32>
      %jit3A = arith.constant 0.000000e+00 : f32
      %broadcast_in_dim3A = vector.shape_cast %lt3A_48 : vector<2048x1xi1> to vector<2048x1xi1>
      %broadcast_in_dim3A_49 = vector.broadcast %broadcast_in_dim3A : vector<2048x1xi1> to vector<2048x128xi1>
      %broadcast_in_dim3A_50 = vector.broadcast %jit3A : f32 to vector<2048x128xf32>
      %select_n3A = arith.select %broadcast_in_dim3A_49, %max3A_41, %broadcast_in_dim3A_50 : vector<2048x128xi1>, vector<2048x128xf32>
      %get3A_51 = arith.constant 0 : index
      %get3A_52 = arith.constant 0 : index
      %get3A_53 = arith.constant 0 : index
      %get3A_54 = vector.load %arg5[%get3A_51, %get3A_52, %get3A_53] : memref<1x2048x1xi32, #tpu.memory_space<vmem>>, vector<1x2048x1xi32>
      %get3A_55 = vector.shape_cast %get3A_54 : vector<1x2048x1xi32> to vector<2048x1xi32>
      %iota3A_56 = tpu.iota {dimensions = array<i32: 1>} : vector<2048x64xi32>
      %eq3A = vector.broadcast %get3A_55 : vector<2048x1xi32> to vector<2048x64xi32>
      %eq3A_57 = arith.cmpi eq, %eq3A, %iota3A_56 : vector<2048x64xi32>
      %convert_element_type3A_58 = arith.extui %eq3A_57 : vector<2048x64xi1> to vector<2048x64xi32>
      %convert_element_type3A_59 = arith.sitofp %convert_element_type3A_58 : vector<2048x64xi32> to vector<2048x64xf32>
      %eq3A_60 = arith.constant 5 : i32
      %eq3A_61 = arith.cmpi eq, %arg0, %eq3A_60 : i32
      %convert_element_type3A_62 = arith.extui %eq3A_61 : i1 to i32
      %cond3A_63 = arith.constant 0 : i32
      %cond3A_64 = arith.cmpi ne, %convert_element_type3A_62, %cond3A_63 : i32
      scf.if %cond3A_64 {
        %broadcast_in_dim3A_88 = arith.constant 0.000000e+00 : f32
        %broadcast_in_dim3A_89 = vector.broadcast %broadcast_in_dim3A_88 : f32 to vector<64x128xf32>
        %swap3A_90 = arith.constant 0 : index
        %swap3A_91 = arith.constant 0 : index
        %swap3A_92 = vector.load %arg14[%swap3A_90, %swap3A_91] : memref<64x128xf32, #tpu.memory_space<vmem>>, vector<64x128xf32>
        tpu.vector_store %arg14[%swap3A_90, %swap3A_91], %broadcast_in_dim3A_89 {strides = array<i32>} : memref<64x128xf32, #tpu.memory_space<vmem>>, vector<64x128xf32>,
        %broadcast_in_dim3A_93 = arith.constant 0.000000e+00 : f32
        %broadcast_in_dim3A_94 = vector.broadcast %broadcast_in_dim3A_93 : f32 to vector<64x1xf32>
        %swap3A_95 = arith.constant 0 : index
        %swap3A_96 = arith.constant 0 : index
        %swap3A_97 = vector.load %arg15[%swap3A_95, %swap3A_96] : memref<64x1xf32, #tpu.memory_space<vmem>>, vector<64x1xf32>
        tpu.vector_store %arg15[%swap3A_95, %swap3A_96], %broadcast_in_dim3A_94 {strides = array<i32>} : memref<64x1xf32, #tpu.memory_space<vmem>>, vector<64x1xf32>,
      } else {
      }
      %get3A_65 = arith.constant 0 : index
      %get3A_66 = arith.constant 0 : index
      %get3A_67 = vector.load %arg14[%get3A_65, %get3A_66] : memref<64x128xf32, #tpu.memory_space<vmem>>, vector<64x128xf32>
      %dot_general3A = arith.constant dense<0.000000e+00> : vector<64x128xf32>
      %dot_general3A_68 = tpu.matmul %convert_element_type3A_59, %select_n3A, %dot_general3A {dimension_numbers = #tpu.dot_dimension_numbers<[0], [0], [1], [1], [0, 1, 1, 1], [], []>, transpose_lhs_hint = false} : vector<2048x64xf32>, vector<2048x128xf32>, vector<64x128xf32> -> vector<64x128xf32>
      %add3A_69 = arith.addf %get3A_67, %dot_general3A_68 : vector<64x128xf32>
      %swap3A = arith.constant 0 : index
      %swap3A_70 = arith.constant 0 : index
      %swap3A_71 = vector.load %arg14[%swap3A, %swap3A_70] : memref<64x128xf32, #tpu.memory_space<vmem>>, vector<64x128xf32>
      tpu.vector_store %arg14[%swap3A, %swap3A_70], %add3A_69 {strides = array<i32>} : memref<64x128xf32, #tpu.memory_space<vmem>>, vector<64x128xf32>,
      %get3A_72 = arith.constant 0 : index
      %get3A_73 = arith.constant 0 : index
      %get3A_74 = vector.load %arg15[%get3A_72, %get3A_73] : memref<64x1xf32, #tpu.memory_space<vmem>>, vector<64x1xf32>
      %broadcast_in_dim3A_75 = arith.constant 1.000000e+00 : f32
      %broadcast_in_dim3A_76 = vector.broadcast %broadcast_in_dim3A_75 : f32 to vector<2048x1xf32>
      %dot_general3A_77 = arith.constant dense<0.000000e+00> : vector<64x1xf32>
      %dot_general3A_78 = tpu.matmul %convert_element_type3A_59, %broadcast_in_dim3A_76, %dot_general3A_77 {dimension_numbers = #tpu.dot_dimension_numbers<[0], [0], [1], [1], [0, 1, 1, 1], [], []>, transpose_lhs_hint = false} : vector<2048x64xf32>, vector<2048x1xf32>, vector<64x1xf32> -> vector<64x1xf32>
      %add3A_79 = arith.addf %get3A_74, %dot_general3A_78 : vector<64x1xf32>
      %swap3A_80 = arith.constant 0 : index
      %swap3A_81 = arith.constant 0 : index
      %swap3A_82 = vector.load %arg15[%swap3A_80, %swap3A_81] : memref<64x1xf32, #tpu.memory_space<vmem>>, vector<64x1xf32>
      tpu.vector_store %arg15[%swap3A_80, %swap3A_81], %add3A_79 {strides = array<i32>} : memref<64x1xf32, #tpu.memory_space<vmem>>, vector<64x1xf32>,
      %eq3A_83 = arith.constant 9 : i32
      %eq3A_84 = arith.cmpi eq, %arg0, %eq3A_83 : i32
      %convert_element_type3A_85 = arith.extui %eq3A_84 : i1 to i32
      %cond3A_86 = arith.constant 0 : i32
      %cond3A_87 = arith.cmpi ne, %convert_element_type3A_85, %cond3A_86 : i32
      scf.if %cond3A_87 {
        %get3A_88 = arith.constant 0 : index
        %get3A_89 = arith.constant 0 : index
        %get3A_90 = vector.load %arg14[%get3A_88, %get3A_89] : memref<64x128xf32, #tpu.memory_space<vmem>>, vector<64x128xf32>
        %get3A_91 = arith.constant 0 : index
        %get3A_92 = arith.constant 0 : index
        %get3A_93 = vector.load %arg15[%get3A_91, %get3A_92] : memref<64x1xf32, #tpu.memory_space<vmem>>, vector<64x1xf32>
        %max3A_94 = arith.constant 1.000000e+00 : f32
        %max3A_95 = vector.broadcast %max3A_94 : f32 to vector<64x1xf32>
        %max3A_96 = arith.maximumf %get3A_93, %max3A_95 : vector<64x1xf32>
        %div3A = vector.broadcast %max3A_96 : vector<64x1xf32> to vector<64x128xf32>
        %div3A_97 = arith.divf %get3A_90, %div3A : vector<64x128xf32>
        %get3A_98 = arith.constant 0 : index
        %get3A_99 = arith.constant 0 : index
        %get3A_100 = vector.load %arg8[%get3A_98, %get3A_99] : memref<128x1xf32, #tpu.memory_space<vmem>>, vector<128x1xf32>
        %dot_general3A_101 = arith.constant dense<0.000000e+00> : vector<64x1xf32>
        %dot_general3A_102 = tpu.matmul %div3A_97, %get3A_100, %dot_general3A_101 {dimension_numbers = #tpu.dot_dimension_numbers<[1], [0], [0], [1], [0, 0, 1, 1], [], []>, transpose_lhs_hint = false} : vector<64x128xf32>, vector<128x1xf32>, vector<64x1xf32> -> vector<64x1xf32>
        %get3A_103 = arith.constant 0 : index
        %get3A_104 = arith.constant 0 : index
        %get3A_105 = vector.load %arg9[%get3A_103, %get3A_104] : memref<1x1xf32, #tpu.memory_space<vmem>>, vector<1x1xf32>
        %add3A_106 = vector.broadcast %get3A_105 : vector<1x1xf32> to vector<64x1xf32>
        %add3A_107 = arith.addf %dot_general3A_102, %add3A_106 : vector<64x1xf32>
        %logistic3A = arith.negf %add3A_107 : vector<64x1xf32>
        %logistic3A_108 = math.exp %logistic3A : vector<64x1xf32>
        %logistic3A_109 = arith.constant 1.000000e+00 : f32
        %logistic3A_110 = vector.broadcast %logistic3A_109 : f32 to vector<64x1xf32>
        %logistic3A_111 = arith.addf %logistic3A_110, %logistic3A_108 : vector<64x1xf32>
        %logistic3A_112 = arith.divf %logistic3A_110, %logistic3A_111 : vector<64x1xf32>
        %swap3A_113 = arith.constant 0 : index
        %swap3A_114 = arith.constant 0 : index
        %swap3A_115 = vector.load %arg10[%swap3A_113, %swap3A_114] : memref<64x1xf32, #tpu.memory_space<vmem>>, vector<64x1xf32>
        tpu.vector_store %arg10[%swap3A_113, %swap3A_114], %logistic3A_112 {strides = array<i32>} : memref<64x1xf32, #tpu.memory_space<vmem>>, vector<64x1xf32>,
      } else {
      }
    } else {
    }
    return
  }
  func.func @transform_0(%arg0: i32) -> (i32, i32, i32) {
    %min3A = arith.constant 4 : i32
    %min3A_0 = arith.minsi %arg0, %min3A : i32
    %c0_i32 = arith.constant 0 : i32
    %c0_i32_1 = arith.constant 0 : i32
    %c0_i32_2 = arith.constant 0 : i32
    return %c0_i32, %min3A_0, %c0_i32_1 : i32, i32, i32
  }
  func.func @transform_1(%arg0: i32) -> (i32, i32) {
    %min3A = arith.constant 4 : i32
    %min3A_0 = arith.minsi %arg0, %min3A : i32
    %c0_i32 = arith.constant 0 : i32
    %c0_i32_1 = arith.constant 0 : i32
    return %min3A_0, %c0_i32 : i32, i32
  }
  func.func @transform_2(%arg0: i32) -> (i32, i32) {
    %min3A = arith.constant 4 : i32
    %min3A_0 = arith.minsi %arg0, %min3A : i32
    %c0_i32 = arith.constant 0 : i32
    %c0_i32_1 = arith.constant 0 : i32
    return %min3A_0, %c0_i32 : i32, i32
  }
  func.func @transform_3(%arg0: i32) -> (i32, i32) {
    %c0_i32 = arith.constant 0 : i32
    %c0_i32_0 = arith.constant 0 : i32
    %c0_i32_1 = arith.constant 0 : i32
    return %c0_i32, %c0_i32_0 : i32, i32
  }
  func.func @transform_4(%arg0: i32) -> (i32, i32, i32) {
    %sub3A = arith.constant 5 : i32
    %sub3A_0 = arith.subi %arg0, %sub3A : i32
    %max3A = arith.constant 0 : i32
    %max3A_1 = arith.maxsi %sub3A_0, %max3A : i32
    %c0_i32 = arith.constant 0 : i32
    %c0_i32_2 = arith.constant 0 : i32
    %c0_i32_3 = arith.constant 0 : i32
    return %max3A_1, %c0_i32, %c0_i32_2 : i32, i32, i32
  }
  func.func @transform_5(%arg0: i32) -> (i32, i32) {
    %c0_i32 = arith.constant 0 : i32
    %c0_i32_0 = arith.constant 0 : i32
    %c0_i32_1 = arith.constant 0 : i32
    return %c0_i32, %c0_i32_0 : i32, i32
  }
  func.func @transform_6(%arg0: i32) -> (i32, i32) {
    %c0_i32 = arith.constant 0 : i32
    %c0_i32_0 = arith.constant 0 : i32
    %c0_i32_1 = arith.constant 0 : i32
    return %c0_i32, %c0_i32_0 : i32, i32
  }
  func.func @transform_7(%arg0: i32) -> (i32, i32) {
    %c0_i32 = arith.constant 0 : i32
    %c0_i32_0 = arith.constant 0 : i32
    %c0_i32_1 = arith.constant 0 : i32
    return %c0_i32, %c0_i32_0 : i32, i32
  }
  func.func @transform_8(%arg0: i32) -> (i32, i32) {
    %c0_i32 = arith.constant 0 : i32
    %c0_i32_0 = arith.constant 0 : i32
    %c0_i32_1 = arith.constant 0 : i32
    return %c0_i32, %c0_i32_0 : i32, i32
  }
  func.func @transform_9(%arg0: i32) -> (i32, i32) {
    %c0_i32 = arith.constant 0 : i32
    %c0_i32_0 = arith.constant 0 : i32
    %c0_i32_1 = arith.constant 0 : i32
    return %c0_i32, %c0_i32_0 : i32, i32
  }
}

</mosaic_0001>

<sc_bundles>
// kernel: kernel.11.cloned.1.call-start
scs
__scs_entry_jumppad:
0x0: {  	(pc) =	sbr.rel $0x88, $3  }
0x1: {  	(tag) =	ssettag $0x0;
	lr =	simm.s32 $0x1  }
0x2: {  	[smem:$0x3F95] =	sst lr;
	_ =	strace $0xD0000000  }
0x3: {  	_ = 	snop  }
0x4: {  	_ = 	snop  }
0x5: {  	_ = 	snop  }
0x6: {  	_ = 	snop  }
0x7: {  	_ = 	snop  }
__scs_overlays_trampoline_lowered:
0x8: {  	[smem:$0x3FA4] =	sst s0  }
0x9: {  	[smem:$0x3FA5] =	sst s1  }
0xa: {  	[smem:$0x3FA6] =	sst s2  }
0xb: {  	[smem:$0x3FA7] =	sst s3  }
0xc: {  	[smem:$0x3FA8] =	sst s4  }
0xd: {  	[smem:$0x3FA9] =	sst s5  }
0xe: {  	[smem:$0x3FAA] =	sst s6  }
0xf: {  	[smem:$0x3FAB] =	sst s7  }
0x10: {  	[smem:$0x3FAC] =	sst s8  }
0x11: {  	[smem:$0x3FAD] =	sst s9;
	s0 =	simm.s32 @!p0 $0x0  }
0x12: {  	s1 =	sld [smem:$0x3F93];
	s0 =	simm.s32 @p0 $0x1  }
0x13: {  	[smem:$0x3FAE] =	sst s0;
	s0 =	simm.s32 @!p1 $0x0  }
0x14: {  	s2 =	sld [smem:$0x3F92];
	s0 =	simm.s32 @p1 $0x1  }
0x15: {  	[smem:$0x3FAF] =	sst s0;
	s0 =	simm.s32 @!p2 $0x0  }
0x16: {  	s3 =	sld [smem:$0x3FDB];
	s0 =	simm.s32 @p2 $0x1  }
0x17: {  	s4 =	simm.s32 $0x1BF5;
	[smem:$0x3FB1] =	sst s0  }
0x18: {  	s0 =	sld [smem:$0x3F94];
	_ =	swait.ge [sflag:s4], $0x0  }
0x19: {  	s7 =	sld [smem:$0x3F95]  }
0x1a: {  	s8 =	sadd.s32 $0xFFFFE003, lr  }
0x1b: {  	s9 =	sadd.s32 $0xFFFFFEF7, lr;
	s5 =	simm.s32 $0xFFFFFFFF;
	p2 =	slt.u32 s8, $0xFFFFF086  }
0x1c: {  	p1 =	slt.u32 s9, $0xF7A;
	s5 =	simm.s32 @!p2 $0x0  }
0x1d: {  	s5 =	simm.s32 @p1 $0x1;
	p0 =	seq.s32 s7, s2  }
0x1e: {  	s7 =	smul.u32 @!p0 $0xF7A, s2;
	p2 =	seq.s32 @!p0 s5, $0x0  }
0x1f: {  	s9 =	smul.u32 $0xF7A, s1;
	s8 =	simm.s32 @!p0 $0x1BF5;
	p2 =	por !p2, p0  }
0x20: {  	[sflag:s8] =	ssyncset.s32 @!p0 $0xFFFFF086;
	s6 =	sadd.s32 @!p0 s3, s7;
	s7 =	simm.s32 @!p0 $0x108  }
0x21: {  	s3 =	sadd.s32 s3, s9;
	s6 =	sadd.s32 @!p0 $0x88, s6;
	s7 =	simm.s32 @p2 $0x1082  }
0x22: {  	[simem:s7], [sflag:s8] =	dma.local @!p0 [hbm:s6], $0xF7A  }
0x23: {  	s9 =	sor.u32 $0xD0000000, s2;
	s6 =	simm.s32 $0x108;
	_ =	swait.ge @!p0 [sflag:s8], $0x0  }
0x24: {  	s3 =	sadd.s32 $0x88, s3;
	s6 =	simm.s32 @!p1 $0x1082;
	[sflag:s4] =	ssyncset.s32 $0xFFFFF086  }
0x25: {  	[simem:s6], [sflag:s4] =	dma.local [hbm:s3], $0xF7A  }
0x26: {  	[smem:$0x3F95] =	sst s1;
	(tag) =	ssettag s2;
	_ =	strace s9  }
0x27: {  	s1 =	sld [smem:$0x3FA5]  }
0x28: {  	s2 =	sld [smem:$0x3FA6]  }
0x29: {  	s4 =	sld [smem:$0x3FA8]  }
0x2a: {  	p0 =	seq.s32 s5, $0x0;
	s5 =	sld [smem:$0x3FA9]  }
0x2b: {  	s6 =	sld [smem:$0x3FAA]  }
0x2c: {  	s7 =	sld [smem:$0x3FAB]  }
0x2d: {  	s3 =	simm.s32 $0x108;
	s8 =	sld [smem:$0x3FAC]  }
0x2e: {  	s3 =	simm.s32 @!p0 $0x1082;
	s9 =	sld [smem:$0x3FAD]  }
0x2f: {  	lr =	sadd.s32 s0, s3;
	s0 =	sld [smem:$0x3FA4]  }
0x30: {  	s3 =	sld [smem:$0x3FA7]  }
0x31: {  	[smem:$0x3FB0] =	sst s10  }
0x32: {  	s10 =	sld [smem:$0x3FAE];
	_ =	sdelay $0x3  }
0x33: {  	p0 =	seq.s32 s10, $0x1;
	s10 =	sld [smem:$0x3FB0];
	_ =	sdelay $0x3  }
0x34: {  	[smem:$0x3FB0] =	sst s10  }
0x35: {  	s10 =	sld [smem:$0x3FAF];
	_ =	sdelay $0x3  }
0x36: {  	p1 =	seq.s32 s10, $0x1;
	s10 =	sld [smem:$0x3FB0];
	_ =	sdelay $0x3  }
0x37: {  	[smem:$0x3FB0] =	sst s10  }
0x38: {  	s10 =	sld [smem:$0x3FB1]  }
0x39: {  	_ = 	snop;
	(pc) =	sbr.ind lr, $3  }
0x3a: {  	_ = 	snop  }
0x3b: {  	_ = 	snop  }
0x3c: {  	p2 =	seq.s32 s10, $0x1;
	s10 =	sld [smem:$0x3FB0]  }
0x3d: {  	_ =	shalt  }
0x3e: {  	_ =	shalt  }
0x3f: {  	_ =	shalt  }
0x40: {  	_ =	shalt  }
0x41: {  	_ =	shalt  }
0x42: {  	_ =	shalt  }
0x43: {  	_ =	shalt  }
0x44: {  	_ =	shalt  }
0x45: {  	_ =	shalt  }
0x46: {  	_ =	shalt  }
0x47: {  	_ =	shalt  }
0x48: {  	_ =	shalt  }
0x49: {  	_ =	shalt  }
0x4a: {  	_ =	shalt  }
0x4b: {  	_ =	shalt  }
0x4c: {  	_ =	shalt  }
0x4d: {  	_ =	shalt  }
0x4e: {  	_ =	shalt  }
0x4f: {  	_ =	shalt  }
0x50: {  	_ =	shalt  }
0x51: {  	_ =	shalt  }
0x52: {  	_ =	shalt  }
0x53: {  	_ =	shalt  }
0x54: {  	_ =	shalt  }
0x55: {  	_ =	shalt  }
0x56: {  	_ =	shalt  }
0x57: {  	_ =	shalt  }
0x58: {  	_ =	shalt  }
0x59: {  	_ =	shalt  }
0x5a: {  	_ =	shalt  }
0x5b: {  	_ =	shalt  }
0x5c: {  	_ =	shalt  }
0x5d: {  	_ =	shalt  }
0x5e: {  	_ =	shalt  }
0x5f: {  	_ =	shalt  }
0x60: {  	_ =	shalt  }
0x61: {  	_ =	shalt  }
0x62: {  	_ =	shalt  }
0x63: {  	_ =	shalt  }
0x64: {  	_ =	shalt  }
0x65: {  	_ =	shalt  }
0x66: {  	_ =	shalt  }
0x67: {  	_ =	shalt  }
0x68: {  	_ =	shalt  }
0x69: {  	_ =	shalt  }
0x6a: {  	_ =	shalt  }
0x6b: {  	_ =	shalt  }
0x6c: {  	_ =	shalt  }
0x6d: {  	_ =	shalt  }
0x6e: {  	_ =	shalt  }
0x6f: {  	_ =	shalt  }
0x70: {  	_ =	shalt  }
0x71: {  	_ =	shalt  }
0x72: {  	_ =	shalt  }
0x73: {  	_ =	shalt  }
0x74: {  	_ =	shalt  }
0x75: {  	_ =	shalt  }
0x76: {  	_ =	shalt  }
0x77: {  	_ =	shalt  }
0x78: {  	_ =	shalt  }
0x79: {  	_ =	shalt  }
0x7a: {  	_ =	shalt  }
0x7b: {  	_ =	shalt  }
0x7c: {  	_ =	shalt  }
0x7d: {  	_ =	shalt  }
0x7e: {  	_ =	shalt  }
0x7f: {  	_ =	shalt  }
0x80: {  	_ =	shalt  }
0x81: {  	_ =	shalt  }
0x82: {  	_ =	shalt  }
0x83: {  	_ =	shalt  }
0x84: {  	_ =	shalt  }
0x85: {  	_ =	shalt  }
0x86: {  	_ =	shalt  }
0x87: {  	_ =	shalt  }
.Lfunc_end0:
.L_simem_size_0:
called_computation.1_lowered:
.L_overlay_start_0:
0x88: {  	s2 =	sld [smem:$0x3FD9]  }
0x89: {  	s3 =	sld [smem:$0x3FFE];
	_ =	sdelay $0x1  }
0x8a: {  	s1 =	srdreg.scid  }
0x8b: {  	s0 =	sand.u32 $0x1, s1  }
0x8c: {  	s16 =	sshll.u32 s0, $0xA;
	s2 =	sadd.s32 s3, s2  }
0x8d: {  	s2 =	sadd.s32 s2, s16  }
0x8e: {  	[smem:$0x3FBC] =	sst s2  }
0x8f: {  	_ = 	snop  }
0x90: {  	(tm) =	ssettm $0x1  }
0x91: {  	s17 =	sld [smem:$0x3FFB];
	_ =	sdelay $0x3  }
0x92: {  	_ =	strace s17  }
0x93: {  	s2 =	sld [smem:$0x3FFC];
	_ =	sdelay $0x3  }
0x94: {  	_ =	strace s2  }
0x95: {  	s2 =	sld [smem:$0x3FFD];
	_ =	sdelay $0x3  }
0x96: {  	_ =	strace s2  }
0x97: {  	_ =	strace $0x8FFFFFFF  }
0x98: {  	s18 =	sld [smem:$0x3FDB];
	_ =	sdelay $0x1  }
0x99: {  	s19 =	simm.s32 $_scs_section_size  }
0x9a: {  	s4 =	simm.s32 $_size__tile_overlayer_lowered;
	s5 =	simm.s32 $_tile_overlayer_lowered  }
0x9b: {  	s22 =	simm.s32 $0x1BFF;
	s21 =	sshll.u32 s5, $0x1;
	s2 =	sadd.s32 s19, s18  }
0x9c: {  	s6 =	simm.s32 $0x0;
	s20 =	sshll.u32 s4, $0x1;
	s4 =	sadd.s32 s21, s2  }
0x9d: {  	[timem:s6], [sflag:s22] =	dma.local [hbm:s4], s20  }
0x9e: {  	_ =	swait.ge [sflag:s22], s20  }
0x9f: {  	s3 =	ssub.s32 $0x0, s20;
	[sflag:s22] =	ssyncset.done $0x0  }
0xa0: {  	[sflag:s22] =	ssyncadd.s32 s3;
	_ =	sdelay $0x1  }
0xa1: {  	s23 =	simm.s32 $0x1B8B  }
0xa2: {  	_ =	swait.ge [sflag:s23], $0x1  }
0xa3: {  	[sflag:s23] =	ssyncset.done $0x0  }
0xa4: {  	s25 =	simm.s32 $0x1B8E;
	s24 =	sld [smem:$0x3FFE];
	[sflag:s23] =	ssyncadd.s32 $0xFFFFFFFF  }
0xa5: {  	s26 =	simm.s32 $execute0_lowered;
	[smem:$0x3FD2] =	sst s25  }
0xa6: {  	s4 =	sshll.u32 s26, $0x1;
	_ =	strace $0x80000049;
	[dreg:$0x1] =	wrdreg $0xFFFFFFFF  }
0xa7: {  	s28 =	simm.s32 $_size_execute0_lowered;
	s2 =	sadd.s32 s2, s4;
	[dreg:$0x0] =	wrdreg $0x0  }
0xa8: {  	s4 =	sshll.u32 s28, $0x1;
	[dreg:$0x2] =	wrdreg s2  }
0xa9: {  	[dreg:$0x3] =	wrdreg s4  }
0xaa: {  	[dreg:$0x4] =	wrdreg $0xC0  }
0xab: {  	_ =	task [dreg:s6], $0x5FFFF  }
0xac: {  	[dreg:$0x1] =	wrdreg $0xFFFFFFFF  }
0xad: {  	[dreg:$0x0] =	wrdreg $0x60  }
0xae: {  	[dreg:$0x2] =	wrdreg s24  }
0xaf: {  	[dreg:$0x3] =	wrdreg $0xA8000  }
0xb0: {  	[dreg:$0x4] =	wrdreg $0x9  }
0xb1: {  	_ =	task.clear_ibuf [dreg:s6], $0x5FFFF;
	_ =	strace $0x90000049  }
0xb2: {  	s29 =	simm.s32 $0x9;
	_ =	strace $0x8000004B  }
0xb3: {  	_ =	swait.ge [sflag:s29], $0x1  }
0xb4: {  	[sflag:s29] =	ssyncadd.s32 $0xFFFFFFFF  }
0xb5: {  	_ =	strace $0x9000004B  }
0xb6: {  	_ =	sfence  }
0xb7: {  	s30 =	sld [smem:$0x0];
	_ =	sdelay $0x2  }
0xb8: {  	s31 =	sshll.u32 s1, $0xD;
	s1 =	sshrl.u32 s1, $0x2  }
0xb9: {  	s3 =	sand.u32 $0x4000, s31;
	s1 =	sadd.s32 s1, s30  }
0xba: {  	s0 =	sor.u32 s3, s0;
	s1 =	sshll.u32 s1, $0x11  }
0xbb: {  	s0 =	sor.u32 s1, s0  }
0xbc: {  	s0 =	sadd.s32 $0x8F2B, s0  }
0xbd: {  	[sflag:s0] =	ssyncadd.remote.s32 $0x1  }
0xbe: {  	_ =	sfence.sel $0xFFFF  }
0xbf: {  	[dreg:$0x0] =	wrdreg $0xFFFFFFFF;
	(pc) =	sbr.abs _section_cstart, $3  }
0xc0: {  	[dreg:$0x1] =	wrdreg $0xFFFFFFFF  }
0xc1: {  	_ =	task.clear_ibuf [dreg:s6], $0x2FFFF;
	_ =	strace $0x9FFFFFFF  }
0xc2: {  	(tm) =	ssettm $0x7FFFFFFF  }
0xc3: {  	_ =	shalt  }
tec
execute0_lowered:
.L_overlay_start_1:
0x0: {  	(tag) =	ssettag $0x1  }
0x1: {  	s6 =	rddreg [dreg:$0x0]  }
0x2: {  	s1 =	rddreg [dreg:$0x1];
	s2 =	srdreg.scid  }
0x3: {  	s0 =	rddreg [dreg:$0x2];
	s3 =	simm.s32 $0x0;
	s17 =	simm.s32 $0x3  }
0x4: {  	s18 =	simm.s32 $0x1400;
	s19 =	simm.s32 $0x80;
	s20 =	simm.s32 $0x6800  }
0x5: {  	s21 =	simm.s32 $0x1;
	s22 =	simm.s32 $0x2;
	s23 =	simm.s32 $0x1380  }
0x6: {  	s24 =	simm.s32 $0x2700;
	s5 =	sand.u32 $0x1, s2;
	s2 =	stileid.u32  }
0x7: {  	s25 =	simm.s32 $0x2780;
	[smem:$0x7FF] =	sst s3;
	s7 =	smul.u32 $0x140000, s5  }
0x8: {  	s4 =	sadd.s32 $0x40400, s6;
	s12 =	sadd.s32 $0xD800, s6;
	s8 =	smul.u32 $0x14000, s2  }
0x9: {  	s13 =	sadd.s32 $0x3800, s6;
	s29 =	smul.u32 $0x50000, s2;
	s9 =	sshll.u32 s5, $0x4  }
0xa: {  	_ =	strace $0x8000004A;
	s10 =	ssub.s32 $0x2, s5;
	s9 =	sor.u32 s2, s9  }
0xb: {  	s31 =	sshrl.u32 s10, $0x1;
	s7 =	sadd.s32 s8, s7;
	s30 =	sshrl.u32 s29, $0x2  }
0xc: {  	s9 =	smul.u32 $0x2800, s9;
	s15 =	ssub.s32 s10, s31;
	s7 =	sshrl.u32 s7, $0x3  }
0xd: {  	s5 =	sadd.s32 s30, s1;
	s15 =	smax.u32 s15, $0x1;
	s14 =	sadd.s32 s7, s6  }
0xe: {  	s6 =	sadd.s32 $0x4000, s5;
	s7 =	sadd.s32 $0x8000, s5;
	s11 =	sshrl.u32 s9, $0x3  }
0xf: {  	s8 =	sadd.s32 $0xC000, s5;
	s9 =	sadd.s32 $0x10000, s5;
	s10 =	sadd.s32 s12, s11  }
0x10: {  	s16 =	sadd.s32 $0x280, s11;
	s11 =	sadd.s32 s13, s11;
	s14 =	sadd.s32 $0x68400, s14  }
0x11: {  	v0 =	vimm.f32 $0.0e+00;
	s12 =	sadd.s32 s12, s16;
	s13 =	sadd.s32 s13, s16;
	s16 =	simm.s32 $0x2800  }
.LBB2_1:
0x12: {  	s26 =	simm.s32 $0x0;
	s28 =	simm.s32 $0x200  }
.LBB2_2:
0x13: {  	p0 =	sne.s32 s28, $0xFE00;
	[tilespmem:s26+$0x2870] =	vst v0  }
0x14: {  	[tilespmem:s26+$0x2800] =	vst v0  }
0x15: {  	[tilespmem:s26+$0x2810] =	vst v0  }
.Ltmp0:
0x16: {  	[tilespmem:s26+$0x2820] =	vst v0;
	(pc) =	sbr.rel @p0 .LBB2_2-.Ltmp0, $4  }
0x17: {  	[tilespmem:s26+$0x2830] =	vst v0  }
0x18: {  	[tilespmem:s26+$0x2840] =	vst v0  }
0x19: {  	[tilespmem:s26+$0x2850] =	vst v0  }
0x1a: {  	[tilespmem:s26+$0x2860] =	vst v0;
	s26 =	sshra.s32 s28, $0x2;
	s28 =	sadd.s32 $0x200, s28  }
0x1b: {  	[tilespmem:s26+$0x2870] =	vst v0  }
0x1c: {  	[tilespmem:s26+$0x2800] =	vst v0  }
0x1d: {  	[tilespmem:s26+$0x2810] =	vst v0  }
0x1e: {  	[tilespmem:s26+$0x2820] =	vst v0  }
0x1f: {  	[tilespmem:s26+$0x2830] =	vst v0  }
0x20: {  	[tilespmem:s26+$0x2840] =	vst v0  }
0x21: {  	[tilespmem:s26+$0x2850] =	vst v0  }
0x22: {  	[tilespmem:s26+$0x2860] =	vst v0  }
0x23: {  	[spmem:s5] =	stream.linear.scatter [tilespmem:s16], [sflag:$0x3], $0x4000, $0x38;
	[tilespmem:$0x1E800] =	vst v63  }
0x24: {  	_ =	swait.ge [sflag:s17], $0x4000  }
0x25: {  	[sflag:s17] =	ssyncset.done $0x0  }
0x26: {  	[sflag:s17] =	ssyncadd.s32 $0xFFFFC000  }
0x27: {  	[spmem:s6] =	stream.linear.scatter [tilespmem:s16], [sflag:$0x3], $0x4000, $0x38;
	[tilespmem:$0x1E800] =	vst v63  }
0x28: {  	_ =	swait.ge [sflag:s17], $0x4000  }
0x29: {  	[sflag:s17] =	ssyncset.done $0x0  }
0x2a: {  	[sflag:s17] =	ssyncadd.s32 $0xFFFFC000  }
0x2b: {  	[spmem:s7] =	stream.linear.scatter [tilespmem:s16], [sflag:$0x3], $0x4000, $0x38;
	[tilespmem:$0x1E800] =	vst v63  }
0x2c: {  	_ =	swait.ge [sflag:s17], $0x4000  }
0x2d: {  	[sflag:s17] =	ssyncset.done $0x0  }
0x2e: {  	[sflag:s17] =	ssyncadd.s32 $0xFFFFC000  }
0x2f: {  	[spmem:s8] =	stream.linear.scatter [tilespmem:s16], [sflag:$0x3], $0x4000, $0x38;
	[tilespmem:$0x1E800] =	vst v63  }
0x30: {  	_ =	swait.ge [sflag:s17], $0x4000  }
0x31: {  	[sflag:s17] =	ssyncset.done $0x0  }
0x32: {  	[sflag:s17] =	ssyncadd.s32 $0xFFFFC000  }
0x33: {  	[spmem:s9] =	stream.linear.scatter [tilespmem:s16], [sflag:$0x3], $0x4000, $0x38;
	[tilespmem:$0x1E800] =	vst v63  }
0x34: {  	_ =	swait.ge [sflag:s17], $0x4000  }
0x35: {  	[sflag:s17] =	ssyncset.done $0x0  }
0x36: {  	[sflag:s17] =	ssyncadd.s32 $0xFFFFC000  }
0x37: {  	s30 =	simm.s32 $0x0;
	[bflag:$0x0] =	sbarrier.arrive $0xFFFF  }
0x38: {  	[tilespmem:s30], [sflag:$0x3] =	stream.linear.gather [hbm4b:s10+s30], $0x1400, $0x38;
	[tilespmem:$0x1E800] =	vst v63  }
0x39: {  	_ =	swait.ge [sflag:s17], $0x1400  }
0x3a: {  	[sflag:s17] =	ssyncset.done $0x0  }
0x3b: {  	[sflag:s17] =	ssyncadd.s32 $0xFFFFEC00  }
0x3c: {  	[tilespmem:s18], [sflag:$0x3] =	stream.linear.gather [hbm4b:s11+s30], $0x1400, $0x38;
	[tilespmem:$0x1E800] =	vst v63  }
0x3d: {  	_ =	swait.ge [sflag:s17], $0x1400  }
0x3e: {  	[sflag:s17] =	ssyncset.done $0x0  }
0x3f: {  	[sflag:s17] =	ssyncadd.s32 $0xFFFFEC00  }
0x40: {  	[tilespmem:s16], [sflag:$0x1] =	stream.indirect.gather [hbm4b:s4+s19], $0x80, s30, s19, $0xb8;
	[tilespmem:$0x1E800] =	vst v63  }
0x41: {  	s31 =	simm.s32 $0x80  }
0x42: {  	[tilespmem:s20], [sflag:$0x2] =	stream.indirect.gather [hbm4b:s4+s19], $0x80, s31, s19, $0xb8;
	[tilespmem:$0x1E800] =	vst v63  }
0x43: {  	_ =	swait.ge [sflag:s21], $0x4000  }
0x44: {  	[sflag:s21] =	ssyncset.done $0x0  }
0x45: {  	s29 =	simm.s32 $0x1400;
	[sflag:s21] =	ssyncadd.s32 $0xFFFFC000  }
0x46: {  	[spmem:s1] =	stream.indirect.scatter.add.f32 [tilespmem:s16], [sflag:$0x3], $0x80, s29, s19, $0xb8;
	[tilespmem:$0x1E800] =	vst v63  }
0x47: {  	_ =	swait.ge [sflag:s17], $0x4000  }
0x48: {  	[sflag:s17] =	ssyncset.done $0x0  }
0x49: {  	s30 =	simm.s32 $0x100;
	[sflag:s17] =	ssyncadd.s32 $0xFFFFC000  }
0x4a: {  	[tilespmem:s16], [sflag:$0x1] =	stream.indirect.gather [hbm4b:s4+s19], $0x80, s30, s19, $0xb8;
	[tilespmem:$0x1E800] =	vst v63  }
0x4b: {  	_ =	swait.ge [sflag:s22], $0x4000  }
0x4c: {  	[sflag:s22] =	ssyncset.done $0x0  }
0x4d: {  	s31 =	simm.s32 $0x1480;
	[sflag:s22] =	ssyncadd.s32 $0xFFFFC000  }
0x4e: {  	[spmem:s1] =	stream.indirect.scatter.add.f32 [tilespmem:s20], [sflag:$0x3], $0x80, s31, s19, $0xb8;
	[tilespmem:$0x1E800] =	vst v63  }
0x4f: {  	_ =	swait.ge [sflag:s17], $0x4000  }
0x50: {  	s28 =	simm.s32 $0x800;
	s26 =	simm.s32 $0x100;
	[sflag:s17] =	ssyncset.done $0x0  }
.LBB2_4:
0x51: {  	s29 =	sadd.s32 $0x80, s26  }
0x52: {  	[sflag:s17] =	ssyncadd.s32 $0xFFFFC000;
	s30 =	smov.u32 s28;
	s31 =	sadd.s32 $0x400, s28  }
0x53: {  	[tilespmem:s20], [sflag:$0x2] =	stream.indirect.gather [hbm4b:s4+s19], $0x80, s29, s19, $0xb8;
	[tilespmem:$0x1E800] =	vst v63  }
0x54: {  	p0 =	sne.s32 s28, $0x4800;
	_ =	swait.ge [sflag:s21], $0x4000  }
0x55: {  	[sflag:s21] =	ssyncset.done $0x0  }
0x56: {  	s28 =	sadd.s32 $0x1400, s26;
	[sflag:s21] =	ssyncadd.s32 $0xFFFFC000  }
0x57: {  	[spmem:s1] =	stream.indirect.scatter.add.f32 [tilespmem:s16], [sflag:$0x3], $0x80, s28, s19, $0xb8;
	[tilespmem:$0x1E800] =	vst v63  }
0x58: {  	_ =	swait.ge [sflag:s17], $0x4000  }
0x59: {  	[sflag:s17] =	ssyncset.done $0x0  }
0x5a: {  	s28 =	sadd.s32 $0x100, s26;
	[sflag:s17] =	ssyncadd.s32 $0xFFFFC000  }
0x5b: {  	[tilespmem:s16], [sflag:$0x1] =	stream.indirect.gather [hbm4b:s4+s19], $0x80, s28, s19, $0xb8;
	[tilespmem:$0x1E800] =	vst v63  }
0x5c: {  	_ =	swait.ge [sflag:s22], $0x4000  }
.Ltmp1:
0x5d: {  	[sflag:s22] =	ssyncset.done $0x0;
	(pc) =	sbr.rel @p0 .LBB2_4-.Ltmp1, $4  }
0x5e: {  	s26 =	sadd.s32 $0x1480, s26;
	[sflag:s22] =	ssyncadd.s32 $0xFFFFC000  }
0x5f: {  	[spmem:s1] =	stream.indirect.scatter.add.f32 [tilespmem:s20], [sflag:$0x3], $0x80, s26, s19, $0xb8;
	[tilespmem:$0x1E800] =	vst v63  }
0x60: {  	_ =	swait.ge [sflag:s17], $0x4000  }
0x61: {  	s28 =	smov.u32 s31;
	s26 =	sshra.s32 s30, $0x2;
	[sflag:s17] =	ssyncset.done $0x0  }
0x62: {  	s28 =	sadd.s32 $0x80, s26;
	[sflag:s17] =	ssyncadd.s32 $0xFFFFC000  }
0x63: {  	[tilespmem:s20], [sflag:$0x2] =	stream.indirect.gather [hbm4b:s4+s19], $0x80, s28, s19, $0xb8;
	[tilespmem:$0x1E800] =	vst v63  }
0x64: {  	_ =	swait.ge [sflag:s21], $0x4000  }
0x65: {  	[sflag:s21] =	ssyncset.done $0x0  }
0x66: {  	s28 =	sadd.s32 $0x1400, s26;
	[sflag:s21] =	ssyncadd.s32 $0xFFFFC000  }
0x67: {  	[spmem:s1] =	stream.indirect.scatter.add.f32 [tilespmem:s16], [sflag:$0x3], $0x80, s28, s19, $0xb8;
	[tilespmem:$0x1E800] =	vst v63  }
0x68: {  	_ =	swait.ge [sflag:s17], $0x4000  }
0x69: {  	[sflag:s17] =	ssyncset.done $0x0  }
0x6a: {  	s28 =	sadd.s32 $0x100, s26;
	[sflag:s17] =	ssyncadd.s32 $0xFFFFC000  }
0x6b: {  	[tilespmem:s16], [sflag:$0x1] =	stream.indirect.gather [hbm4b:s4+s19], $0x80, s28, s19, $0xb8;
	[tilespmem:$0x1E800] =	vst v63  }
0x6c: {  	_ =	swait.ge [sflag:s22], $0x4000  }
0x6d: {  	[sflag:s22] =	ssyncset.done $0x0  }
0x6e: {  	s29 =	sadd.s32 $0x1480, s26;
	[sflag:s22] =	ssyncadd.s32 $0xFFFFC000  }
0x6f: {  	[spmem:s1] =	stream.indirect.scatter.add.f32 [tilespmem:s20], [sflag:$0x3], $0x80, s29, s19, $0xb8;
	[tilespmem:$0x1E800] =	vst v63  }
0x70: {  	_ =	swait.ge [sflag:s17], $0x4000  }
0x71: {  	[sflag:s17] =	ssyncset.done $0x0  }
0x72: {  	[sflag:s17] =	ssyncadd.s32 $0xFFFFC000  }
0x73: {  	[tilespmem:s20], [sflag:$0x2] =	stream.indirect.gather [hbm4b:s4+s19], $0x80, s23, s19, $0xb8;
	[tilespmem:$0x1E800] =	vst v63  }
0x74: {  	_ =	swait.ge [sflag:s21], $0x4000  }
0x75: {  	[sflag:s21] =	ssyncset.done $0x0  }
0x76: {  	[sflag:s21] =	ssyncadd.s32 $0xFFFFC000  }
0x77: {  	[spmem:s1] =	stream.indirect.scatter.add.f32 [tilespmem:s16], [sflag:$0x3], $0x80, s24, s19, $0xb8;
	[tilespmem:$0x1E800] =	vst v63  }
0x78: {  	_ =	swait.ge [sflag:s17], $0x4000  }
0x79: {  	[sflag:s17] =	ssyncset.done $0x0  }
0x7a: {  	[sflag:s17] =	ssyncadd.s32 $0xFFFFC000  }
0x7b: {  	_ =	swait.ge [sflag:s22], $0x4000  }
0x7c: {  	[sflag:s22] =	ssyncset.done $0x0  }
0x7d: {  	[sflag:s22] =	ssyncadd.s32 $0xFFFFC000  }
0x7e: {  	[spmem:s1] =	stream.indirect.scatter.add.f32 [tilespmem:s20], [sflag:$0x3], $0x80, s25, s19, $0xb8;
	[tilespmem:$0x1E800] =	vst v63  }
0x7f: {  	_ =	swait.ge [sflag:s17], $0x4000  }
0x80: {  	[sflag:s17] =	ssyncset.done $0x0  }
0x81: {  	s30 =	simm.s32 $0x0;
	[sflag:s17] =	ssyncadd.s32 $0xFFFFC000  }
0x82: {  	[tilespmem:s30], [sflag:$0x3] =	stream.linear.gather [hbm4b:s12+s30], $0x1400, $0x38;
	[tilespmem:$0x1E800] =	vst v63  }
0x83: {  	_ =	swait.ge [sflag:s17], $0x1400  }
0x84: {  	[sflag:s17] =	ssyncset.done $0x0  }
0x85: {  	[sflag:s17] =	ssyncadd.s32 $0xFFFFEC00  }
0x86: {  	[tilespmem:s18], [sflag:$0x3] =	stream.linear.gather [hbm4b:s13+s30], $0x1400, $0x38;
	[tilespmem:$0x1E800] =	vst v63  }
0x87: {  	_ =	swait.ge [sflag:s17], $0x1400  }
0x88: {  	[sflag:s17] =	ssyncset.done $0x0  }
0x89: {  	[sflag:s17] =	ssyncadd.s32 $0xFFFFEC00  }
0x8a: {  	[tilespmem:s16], [sflag:$0x1] =	stream.indirect.gather [hbm4b:s4+s19], $0x80, s30, s19, $0xb8;
	[tilespmem:$0x1E800] =	vst v63  }
0x8b: {  	s31 =	simm.s32 $0x80  }
0x8c: {  	[tilespmem:s20], [sflag:$0x2] =	stream.indirect.gather [hbm4b:s4+s19], $0x80, s31, s19, $0xb8;
	[tilespmem:$0x1E800] =	vst v63  }
0x8d: {  	_ =	swait.ge [sflag:s21], $0x4000  }
0x8e: {  	[sflag:s21] =	ssyncset.done $0x0  }
0x8f: {  	s29 =	simm.s32 $0x1400;
	[sflag:s21] =	ssyncadd.s32 $0xFFFFC000  }
0x90: {  	[spmem:s1] =	stream.indirect.scatter.add.f32 [tilespmem:s16], [sflag:$0x3], $0x80, s29, s19, $0xb8;
	[tilespmem:$0x1E800] =	vst v63  }
0x91: {  	_ =	swait.ge [sflag:s17], $0x4000  }
0x92: {  	[sflag:s17] =	ssyncset.done $0x0  }
0x93: {  	s30 =	simm.s32 $0x100;
	[sflag:s17] =	ssyncadd.s32 $0xFFFFC000  }
0x94: {  	[tilespmem:s16], [sflag:$0x1] =	stream.indirect.gather [hbm4b:s4+s19], $0x80, s30, s19, $0xb8;
	[tilespmem:$0x1E800] =	vst v63  }
0x95: {  	_ =	swait.ge [sflag:s22], $0x4000  }
0x96: {  	[sflag:s22] =	ssyncset.done $0x0  }
0x97: {  	s31 =	simm.s32 $0x1480;
	[sflag:s22] =	ssyncadd.s32 $0xFFFFC000  }
0x98: {  	[spmem:s1] =	stream.indirect.scatter.add.f32 [tilespmem:s20], [sflag:$0x3], $0x80, s31, s19, $0xb8;
	[tilespmem:$0x1E800] =	vst v63  }
0x99: {  	_ =	swait.ge [sflag:s17], $0x4000  }
0x9a: {  	s26 =	simm.s32 $0x100;
	s28 =	simm.s32 $0x800;
	[sflag:s17] =	ssyncset.done $0x0  }
.LBB2_6:
0x9b: {  	s29 =	sadd.s32 $0x80, s26  }
0x9c: {  	[sflag:s17] =	ssyncadd.s32 $0xFFFFC000;
	s30 =	smov.u32 s28;
	s31 =	sadd.s32 $0x400, s28  }
0x9d: {  	[tilespmem:s20], [sflag:$0x2] =	stream.indirect.gather [hbm4b:s4+s19], $0x80, s29, s19, $0xb8;
	[tilespmem:$0x1E800] =	vst v63  }
0x9e: {  	p0 =	sne.s32 s28, $0x4800;
	_ =	swait.ge [sflag:s21], $0x4000  }
0x9f: {  	[sflag:s21] =	ssyncset.done $0x0  }
0xa0: {  	s28 =	sadd.s32 $0x1400, s26;
	[sflag:s21] =	ssyncadd.s32 $0xFFFFC000  }
0xa1: {  	[spmem:s1] =	stream.indirect.scatter.add.f32 [tilespmem:s16], [sflag:$0x3], $0x80, s28, s19, $0xb8;
	[tilespmem:$0x1E800] =	vst v63  }
0xa2: {  	_ =	swait.ge [sflag:s17], $0x4000  }
0xa3: {  	[sflag:s17] =	ssyncset.done $0x0  }
0xa4: {  	s28 =	sadd.s32 $0x100, s26;
	[sflag:s17] =	ssyncadd.s32 $0xFFFFC000  }
0xa5: {  	[tilespmem:s16], [sflag:$0x1] =	stream.indirect.gather [hbm4b:s4+s19], $0x80, s28, s19, $0xb8;
	[tilespmem:$0x1E800] =	vst v63  }
0xa6: {  	_ =	swait.ge [sflag:s22], $0x4000  }
.Ltmp2:
0xa7: {  	[sflag:s22] =	ssyncset.done $0x0;
	(pc) =	sbr.rel @p0 .LBB2_6-.Ltmp2, $4  }
0xa8: {  	s26 =	sadd.s32 $0x1480, s26;
	[sflag:s22] =	ssyncadd.s32 $0xFFFFC000  }
0xa9: {  	[spmem:s1] =	stream.indirect.scatter.add.f32 [tilespmem:s20], [sflag:$0x3], $0x80, s26, s19, $0xb8;
	[tilespmem:$0x1E800] =	vst v63  }
0xaa: {  	_ =	swait.ge [sflag:s17], $0x4000  }
0xab: {  	s28 =	smov.u32 s31;
	s26 =	sshra.s32 s30, $0x2;
	[sflag:s17] =	ssyncset.done $0x0  }
0xac: {  	s28 =	sadd.s32 $0x80, s26;
	[sflag:s17] =	ssyncadd.s32 $0xFFFFC000  }
0xad: {  	[tilespmem:s20], [sflag:$0x2] =	stream.indirect.gather [hbm4b:s4+s19], $0x80, s28, s19, $0xb8;
	[tilespmem:$0x1E800] =	vst v63  }
0xae: {  	_ =	swait.ge [sflag:s21], $0x4000  }
0xaf: {  	[sflag:s21] =	ssyncset.done $0x0  }
0xb0: {  	s30 =	sadd.s32 $0x1400, s26;
	[sflag:s21] =	ssyncadd.s32 $0xFFFFC000  }
0xb1: {  	[spmem:s1] =	stream.indirect.scatter.add.f32 [tilespmem:s16], [sflag:$0x3], $0x80, s30, s19, $0xb8;
	[tilespmem:$0x1E800] =	vst v63  }
0xb2: {  	_ =	swait.ge [sflag:s17], $0x4000  }
0xb3: {  	[sflag:s17] =	ssyncset.done $0x0  }
0xb4: {  	s31 =	sadd.s32 $0x100, s26;
	[sflag:s17] =	ssyncadd.s32 $0xFFFFC000  }
0xb5: {  	[tilespmem:s16], [sflag:$0x1] =	stream.indirect.gather [hbm4b:s4+s19], $0x80, s31, s19, $0xb8;
	[tilespmem:$0x1E800] =	vst v63  }
0xb6: {  	_ =	swait.ge [sflag:s22], $0x4000  }
0xb7: {  	[sflag:s22] =	ssyncset.done $0x0  }
0xb8: {  	s29 =	sadd.s32 $0x1480, s26;
	[sflag:s22] =	ssyncadd.s32 $0xFFFFC000  }
0xb9: {  	[spmem:s1] =	stream.indirect.scatter.add.f32 [tilespmem:s20], [sflag:$0x3], $0x80, s29, s19, $0xb8;
	[tilespmem:$0x1E800] =	vst v63  }
0xba: {  	_ =	swait.ge [sflag:s17], $0x4000  }
0xbb: {  	[sflag:s17] =	ssyncset.done $0x0  }
0xbc: {  	[sflag:s17] =	ssyncadd.s32 $0xFFFFC000  }
0xbd: {  	[tilespmem:s20], [sflag:$0x2] =	stream.indirect.gather [hbm4b:s4+s19], $0x80, s23, s19, $0xb8;
	[tilespmem:$0x1E800] =	vst v63  }
0xbe: {  	_ =	swait.ge [sflag:s21], $0x4000  }
0xbf: {  	[sflag:s21] =	ssyncset.done $0x0  }
0xc0: {  	[sflag:s21] =	ssyncadd.s32 $0xFFFFC000  }
0xc1: {  	[spmem:s1] =	stream.indirect.scatter.add.f32 [tilespmem:s16], [sflag:$0x3], $0x80, s24, s19, $0xb8;
	[tilespmem:$0x1E800] =	vst v63  }
0xc2: {  	_ =	swait.ge [sflag:s17], $0x4000  }
0xc3: {  	[sflag:s17] =	ssyncset.done $0x0  }
0xc4: {  	[sflag:s17] =	ssyncadd.s32 $0xFFFFC000  }
0xc5: {  	_ =	swait.ge [sflag:s22], $0x4000  }
0xc6: {  	[sflag:s22] =	ssyncset.done $0x0  }
0xc7: {  	[sflag:s22] =	ssyncadd.s32 $0xFFFFC000  }
0xc8: {  	[spmem:s1] =	stream.indirect.scatter.add.f32 [tilespmem:s20], [sflag:$0x3], $0x80, s25, s19, $0xb8;
	[tilespmem:$0x1E800] =	vst v63  }
0xc9: {  	_ =	swait.ge [sflag:s17], $0x4000  }
0xca: {  	s3 =	sadd.s32 $0x1, s3;
	s30 =	sshll.u32 s2, $0x6;
	[sflag:s17] =	ssyncset.done $0x0  }
0xcb: {  	p0 =	sne.s32 s3, s15;
	s26 =	sor.u32 $0x1C03, s30;
	[sflag:s17] =	ssyncadd.s32 $0xFFFFC000  }
.Ltmp3:
0xcc: {  	s31 =	sshrl.u32 s5, $0x3;
	[bflag:$0x0] =	sbarrier.arrive $0xFFFF;
	(pc) =	sbr.rel @p0 .LBB2_1-.Ltmp3, $4  }
0xcd: {  	[hbm:s14], [sflag:s26] =	dma.local [spmem:s31], $0x2800  }
0xce: {  	_ =	swait.ge [sflag:s17], $0x2800  }
0xcf: {  	[sflag:s17] =	ssyncset.done $0x0  }
0xd0: {  	[sflag:s17] =	ssyncadd.s32 $0xFFFFD800  }
0xd1: {  	_ =	sfence.sel $0x180000  }
0xd2: {  	[bflag:$0x0] =	sbarrier.arrive $0xFFFF  }
0xd3: {  	p0 =	sne.s32 s2, $0x0;
	_ =	strace $0x9000004A  }
0xd4: {  	s0 =	sadd.s32 @!p0 $0x100000, s0;
	[bflag:$0x2] =	sbarrier.arrive $0xFFFF  }
0xd5: {  	[sflag:s0] =	ssyncadd.tile.s32 @!p0 $0x1;
	_ =	shalt  }
.Lfunc_end2:
_tile_overlayer_lowered:
.L_overlay_start_2:
0xd6: {  	(tag) =	ssettag $0x2  }
0xd7: {  	s0 =	rddreg [dreg:$0x0];
	s2 =	stileid.u32  }
0xd8: {  	s1 =	rddreg [dreg:$0x1];
	p0 =	sne.s32 s2, $0x0  }
0xd9: {  	s3 =	rddreg [dreg:$0x2];
	[bflag:$0x3] =	sbarrier.arrive $0xFFFF;
	s2 =	simm.s32 @!p0 $0x1C03  }
0xda: {  	[timem:s3], [sflag:s2] =	dma.local @!p0 [hbm:s0], s1  }
0xdb: {  	s0 =	simm.s32 @!p0 $0x3  }
0xdc: {  	_ =	swait.ge @!p0 [sflag:s0], s1  }
0xdd: {  	s1 =	ssub.s32 @!p0 $0x0, s1;
	[sflag:s0] =	ssyncset.done @!p0 $0x0  }
0xde: {  	[sflag:s0] =	ssyncadd.s32 @!p0 s1  }
0xdf: {  	[bflag:$0x3] =	sbarrier.arrive $0xFFFF  }
0xe0: {  	_ =	shalt  }

// kernel: kernel.14.cloned.1.call-start
scs
__scs_entry_jumppad:
0x0: {  	(pc) =	sbr.rel $0x88, $3  }
0x1: {  	(tag) =	ssettag $0x0;
	lr =	simm.s32 $0x1  }
0x2: {  	[smem:$0x3F95] =	sst lr;
	_ =	strace $0xD0000000  }
0x3: {  	_ = 	snop  }
0x4: {  	_ = 	snop  }
0x5: {  	_ = 	snop  }
0x6: {  	_ = 	snop  }
0x7: {  	_ = 	snop  }
__scs_overlays_trampoline_lowered:
0x8: {  	[smem:$0x3FA4] =	sst s0  }
0x9: {  	[smem:$0x3FA5] =	sst s1  }
0xa: {  	[smem:$0x3FA6] =	sst s2  }
0xb: {  	[smem:$0x3FA7] =	sst s3  }
0xc: {  	[smem:$0x3FA8] =	sst s4  }
0xd: {  	[smem:$0x3FA9] =	sst s5  }
0xe: {  	[smem:$0x3FAA] =	sst s6  }
0xf: {  	[smem:$0x3FAB] =	sst s7  }
0x10: {  	[smem:$0x3FAC] =	sst s8  }
0x11: {  	[smem:$0x3FAD] =	sst s9;
	s0 =	simm.s32 @!p0 $0x0  }
0x12: {  	s1 =	sld [smem:$0x3F93];
	s0 =	simm.s32 @p0 $0x1  }
0x13: {  	[smem:$0x3FAE] =	sst s0;
	s0 =	simm.s32 @!p1 $0x0  }
0x14: {  	s2 =	sld [smem:$0x3F92];
	s0 =	simm.s32 @p1 $0x1  }
0x15: {  	[smem:$0x3FAF] =	sst s0;
	s0 =	simm.s32 @!p2 $0x0  }
0x16: {  	s3 =	sld [smem:$0x3FDB];
	s0 =	simm.s32 @p2 $0x1  }
0x17: {  	s4 =	simm.s32 $0x1BF5;
	[smem:$0x3FB1] =	sst s0  }
0x18: {  	s0 =	sld [smem:$0x3F94];
	_ =	swait.ge [sflag:s4], $0x0  }
0x19: {  	s7 =	sld [smem:$0x3F95]  }
0x1a: {  	s8 =	sadd.s32 $0xFFFFE003, lr  }
0x1b: {  	s9 =	sadd.s32 $0xFFFFFEF7, lr;
	s5 =	simm.s32 $0xFFFFFFFF;
	p2 =	slt.u32 s8, $0xFFFFF086  }
0x1c: {  	p1 =	slt.u32 s9, $0xF7A;
	s5 =	simm.s32 @!p2 $0x0  }
0x1d: {  	s5 =	simm.s32 @p1 $0x1;
	p0 =	seq.s32 s7, s2  }
0x1e: {  	s7 =	smul.u32 @!p0 $0xF7A, s2;
	p2 =	seq.s32 @!p0 s5, $0x0  }
0x1f: {  	s9 =	smul.u32 $0xF7A, s1;
	s8 =	simm.s32 @!p0 $0x1BF5;
	p2 =	por !p2, p0  }
0x20: {  	[sflag:s8] =	ssyncset.s32 @!p0 $0xFFFFF086;
	s6 =	sadd.s32 @!p0 s3, s7;
	s7 =	simm.s32 @!p0 $0x108  }
0x21: {  	s3 =	sadd.s32 s3, s9;
	s6 =	sadd.s32 @!p0 $0x88, s6;
	s7 =	simm.s32 @p2 $0x1082  }
0x22: {  	[simem:s7], [sflag:s8] =	dma.local @!p0 [hbm:s6], $0xF7A  }
0x23: {  	s9 =	sor.u32 $0xD0000000, s2;
	s6 =	simm.s32 $0x108;
	_ =	swait.ge @!p0 [sflag:s8], $0x0  }
0x24: {  	s3 =	sadd.s32 $0x88, s3;
	s6 =	simm.s32 @!p1 $0x1082;
	[sflag:s4] =	ssyncset.s32 $0xFFFFF086  }
0x25: {  	[simem:s6], [sflag:s4] =	dma.local [hbm:s3], $0xF7A  }
0x26: {  	[smem:$0x3F95] =	sst s1;
	(tag) =	ssettag s2;
	_ =	strace s9  }
0x27: {  	s1 =	sld [smem:$0x3FA5]  }
0x28: {  	s2 =	sld [smem:$0x3FA6]  }
0x29: {  	s4 =	sld [smem:$0x3FA8]  }
0x2a: {  	p0 =	seq.s32 s5, $0x0;
	s5 =	sld [smem:$0x3FA9]  }
0x2b: {  	s6 =	sld [smem:$0x3FAA]  }
0x2c: {  	s7 =	sld [smem:$0x3FAB]  }
0x2d: {  	s3 =	simm.s32 $0x108;
	s8 =	sld [smem:$0x3FAC]  }
0x2e: {  	s3 =	simm.s32 @!p0 $0x1082;
	s9 =	sld [smem:$0x3FAD]  }
0x2f: {  	lr =	sadd.s32 s0, s3;
	s0 =	sld [smem:$0x3FA4]  }
0x30: {  	s3 =	sld [smem:$0x3FA7]  }
0x31: {  	[smem:$0x3FB0] =	sst s10  }
0x32: {  	s10 =	sld [smem:$0x3FAE];
	_ =	sdelay $0x3  }
0x33: {  	p0 =	seq.s32 s10, $0x1;
	s10 =	sld [smem:$0x3FB0];
	_ =	sdelay $0x3  }
0x34: {  	[smem:$0x3FB0] =	sst s10  }
0x35: {  	s10 =	sld [smem:$0x3FAF];
	_ =	sdelay $0x3  }
0x36: {  	p1 =	seq.s32 s10, $0x1;
	s10 =	sld [smem:$0x3FB0];
	_ =	sdelay $0x3  }
0x37: {  	[smem:$0x3FB0] =	sst s10  }
0x38: {  	s10 =	sld [smem:$0x3FB1]  }
0x39: {  	_ = 	snop;
	(pc) =	sbr.ind lr, $3  }
0x3a: {  	_ = 	snop  }
0x3b: {  	_ = 	snop  }
0x3c: {  	p2 =	seq.s32 s10, $0x1;
	s10 =	sld [smem:$0x3FB0]  }
0x3d: {  	_ =	shalt  }
0x3e: {  	_ =	shalt  }
0x3f: {  	_ =	shalt  }
0x40: {  	_ =	shalt  }
0x41: {  	_ =	shalt  }
0x42: {  	_ =	shalt  }
0x43: {  	_ =	shalt  }
0x44: {  	_ =	shalt  }
0x45: {  	_ =	shalt  }
0x46: {  	_ =	shalt  }
0x47: {  	_ =	shalt  }
0x48: {  	_ =	shalt  }
0x49: {  	_ =	shalt  }
0x4a: {  	_ =	shalt  }
0x4b: {  	_ =	shalt  }
0x4c: {  	_ =	shalt  }
0x4d: {  	_ =	shalt  }
0x4e: {  	_ =	shalt  }
0x4f: {  	_ =	shalt  }
0x50: {  	_ =	shalt  }
0x51: {  	_ =	shalt  }
0x52: {  	_ =	shalt  }
0x53: {  	_ =	shalt  }
0x54: {  	_ =	shalt  }
0x55: {  	_ =	shalt  }
0x56: {  	_ =	shalt  }
0x57: {  	_ =	shalt  }
0x58: {  	_ =	shalt  }
0x59: {  	_ =	shalt  }
0x5a: {  	_ =	shalt  }
0x5b: {  	_ =	shalt  }
0x5c: {  	_ =	shalt  }
0x5d: {  	_ =	shalt  }
0x5e: {  	_ =	shalt  }
0x5f: {  	_ =	shalt  }
0x60: {  	_ =	shalt  }
0x61: {  	_ =	shalt  }
0x62: {  	_ =	shalt  }
0x63: {  	_ =	shalt  }
0x64: {  	_ =	shalt  }
0x65: {  	_ =	shalt  }
0x66: {  	_ =	shalt  }
0x67: {  	_ =	shalt  }
0x68: {  	_ =	shalt  }
0x69: {  	_ =	shalt  }
0x6a: {  	_ =	shalt  }
0x6b: {  	_ =	shalt  }
0x6c: {  	_ =	shalt  }
0x6d: {  	_ =	shalt  }
0x6e: {  	_ =	shalt  }
0x6f: {  	_ =	shalt  }
0x70: {  	_ =	shalt  }
0x71: {  	_ =	shalt  }
0x72: {  	_ =	shalt  }
0x73: {  	_ =	shalt  }
0x74: {  	_ =	shalt  }
0x75: {  	_ =	shalt  }
0x76: {  	_ =	shalt  }
0x77: {  	_ =	shalt  }
0x78: {  	_ =	shalt  }
0x79: {  	_ =	shalt  }
0x7a: {  	_ =	shalt  }
0x7b: {  	_ =	shalt  }
0x7c: {  	_ =	shalt  }
0x7d: {  	_ =	shalt  }
0x7e: {  	_ =	shalt  }
0x7f: {  	_ =	shalt  }
0x80: {  	_ =	shalt  }
0x81: {  	_ =	shalt  }
0x82: {  	_ =	shalt  }
0x83: {  	_ =	shalt  }
0x84: {  	_ =	shalt  }
0x85: {  	_ =	shalt  }
0x86: {  	_ =	shalt  }
0x87: {  	_ =	shalt  }
.Lfunc_end0:
.L_simem_size_0:
called_computation.2_lowered:
.L_overlay_start_0:
0x88: {  	s2 =	sld [smem:$0x3FD9]  }
0x89: {  	s3 =	sld [smem:$0x3FFE];
	_ =	sdelay $0x1  }
0x8a: {  	s1 =	srdreg.scid  }
0x8b: {  	s0 =	sand.u32 $0x1, s1  }
0x8c: {  	s16 =	sshll.u32 s0, $0xA;
	s2 =	sadd.s32 s3, s2  }
0x8d: {  	s2 =	sadd.s32 s2, s16  }
0x8e: {  	[smem:$0x3FBC] =	sst s2  }
0x8f: {  	_ = 	snop  }
0x90: {  	(tm) =	ssettm $0x1  }
0x91: {  	s17 =	sld [smem:$0x3FFB];
	_ =	sdelay $0x3  }
0x92: {  	_ =	strace s17  }
0x93: {  	s2 =	sld [smem:$0x3FFC];
	_ =	sdelay $0x3  }
0x94: {  	_ =	strace s2  }
0x95: {  	s2 =	sld [smem:$0x3FFD];
	_ =	sdelay $0x3  }
0x96: {  	_ =	strace s2  }
0x97: {  	_ =	strace $0x8FFFFFFF  }
0x98: {  	s18 =	sld [smem:$0x3FDB];
	_ =	sdelay $0x1  }
0x99: {  	s19 =	simm.s32 $_scs_section_size  }
0x9a: {  	s4 =	simm.s32 $_size__tile_overlayer_lowered;
	s5 =	simm.s32 $_tile_overlayer_lowered  }
0x9b: {  	s22 =	simm.s32 $0x1BFF;
	s21 =	sshll.u32 s5, $0x1;
	s2 =	sadd.s32 s19, s18  }
0x9c: {  	s6 =	simm.s32 $0x0;
	s20 =	sshll.u32 s4, $0x1;
	s4 =	sadd.s32 s21, s2  }
0x9d: {  	[timem:s6], [sflag:s22] =	dma.local [hbm:s4], s20  }
0x9e: {  	_ =	swait.ge [sflag:s22], s20  }
0x9f: {  	s3 =	ssub.s32 $0x0, s20;
	[sflag:s22] =	ssyncset.done $0x0  }
0xa0: {  	[sflag:s22] =	ssyncadd.s32 s3;
	_ =	sdelay $0x1  }
0xa1: {  	s23 =	simm.s32 $0x1B8B  }
0xa2: {  	_ =	swait.ge [sflag:s23], $0x1  }
0xa3: {  	[sflag:s23] =	ssyncset.done $0x0  }
0xa4: {  	s25 =	simm.s32 $0x1B8E;
	s24 =	sld [smem:$0x3FFE];
	[sflag:s23] =	ssyncadd.s32 $0xFFFFFFFF  }
0xa5: {  	s26 =	simm.s32 $execute0_lowered;
	[smem:$0x3FD2] =	sst s25  }
0xa6: {  	s4 =	sshll.u32 s26, $0x1;
	_ =	strace $0x8000004C;
	[dreg:$0x1] =	wrdreg $0xFFFFFFFF  }
0xa7: {  	s28 =	simm.s32 $_size_execute0_lowered;
	s2 =	sadd.s32 s2, s4;
	[dreg:$0x0] =	wrdreg $0x0  }
0xa8: {  	s4 =	sshll.u32 s28, $0x1;
	[dreg:$0x2] =	wrdreg s2  }
0xa9: {  	[dreg:$0x3] =	wrdreg s4  }
0xaa: {  	[dreg:$0x4] =	wrdreg $0xC0  }
0xab: {  	_ =	task [dreg:s6], $0x5FFFF  }
0xac: {  	[dreg:$0x1] =	wrdreg $0xFFFFFFFF  }
0xad: {  	[dreg:$0x0] =	wrdreg $0x60  }
0xae: {  	[dreg:$0x2] =	wrdreg s24  }
0xaf: {  	[dreg:$0x3] =	wrdreg $0xA8000  }
0xb0: {  	[dreg:$0x4] =	wrdreg $0x9  }
0xb1: {  	_ =	task.clear_ibuf [dreg:s6], $0x5FFFF;
	_ =	strace $0x9000004C  }
0xb2: {  	s29 =	simm.s32 $0x9;
	_ =	strace $0x8000004E  }
0xb3: {  	_ =	swait.ge [sflag:s29], $0x1  }
0xb4: {  	[sflag:s29] =	ssyncadd.s32 $0xFFFFFFFF  }
0xb5: {  	_ =	strace $0x9000004E  }
0xb6: {  	_ =	sfence  }
0xb7: {  	s30 =	sld [smem:$0x0];
	_ =	sdelay $0x2  }
0xb8: {  	s31 =	sshll.u32 s1, $0xD;
	s1 =	sshrl.u32 s1, $0x2  }
0xb9: {  	s3 =	sand.u32 $0x4000, s31;
	s1 =	sadd.s32 s1, s30  }
0xba: {  	s0 =	sor.u32 s3, s0;
	s1 =	sshll.u32 s1, $0x11  }
0xbb: {  	s0 =	sor.u32 s1, s0  }
0xbc: {  	s0 =	sadd.s32 $0x8F2B, s0  }
0xbd: {  	[sflag:s0] =	ssyncadd.remote.s32 $0x1  }
0xbe: {  	_ =	sfence.sel $0xFFFF  }
0xbf: {  	[dreg:$0x0] =	wrdreg $0xFFFFFFFF;
	(pc) =	sbr.abs _section_cstart, $3  }
0xc0: {  	[dreg:$0x1] =	wrdreg $0xFFFFFFFF  }
0xc1: {  	_ =	task.clear_ibuf [dreg:s6], $0x2FFFF;
	_ =	strace $0x9FFFFFFF  }
0xc2: {  	(tm) =	ssettm $0x7FFFFFFF  }
0xc3: {  	_ =	shalt  }
tec
execute0_lowered:
.L_overlay_start_1:
0x0: {  	(tag) =	ssettag $0x1  }
0x1: {  	s6 =	rddreg [dreg:$0x0]  }
0x2: {  	s1 =	rddreg [dreg:$0x1];
	s2 =	srdreg.scid  }
0x3: {  	s0 =	rddreg [dreg:$0x2];
	s3 =	simm.s32 $0x0;
	s17 =	simm.s32 $0x3  }
0x4: {  	s18 =	simm.s32 $0x1400;
	s19 =	simm.s32 $0x80;
	s20 =	simm.s32 $0x6800  }
0x5: {  	s21 =	simm.s32 $0x1;
	s22 =	simm.s32 $0x2;
	s23 =	simm.s32 $0x1380  }
0x6: {  	s24 =	simm.s32 $0x2700;
	s5 =	sand.u32 $0x1, s2;
	s2 =	stileid.u32  }
0x7: {  	s25 =	simm.s32 $0x2780;
	[smem:$0x7FF] =	sst s3;
	s7 =	smul.u32 $0x140000, s5  }
0x8: {  	s4 =	sadd.s32 $0x40400, s6;
	s12 =	sadd.s32 $0xD800, s6;
	s8 =	smul.u32 $0x14000, s2  }
0x9: {  	s13 =	sadd.s32 $0x3800, s6;
	s29 =	smul.u32 $0x50000, s2;
	s9 =	sshll.u32 s5, $0x4  }
0xa: {  	_ =	strace $0x8000004D;
	s10 =	ssub.s32 $0x2, s5;
	s9 =	sor.u32 s2, s9  }
0xb: {  	s31 =	sshrl.u32 s10, $0x1;
	s7 =	sadd.s32 s8, s7;
	s30 =	sshrl.u32 s29, $0x2  }
0xc: {  	s9 =	smul.u32 $0x2800, s9;
	s15 =	ssub.s32 s10, s31;
	s7 =	sshrl.u32 s7, $0x3  }
0xd: {  	s5 =	sadd.s32 s30, s1;
	s15 =	smax.u32 s15, $0x1;
	s14 =	sadd.s32 s7, s6  }
0xe: {  	s6 =	sadd.s32 $0x4000, s5;
	s7 =	sadd.s32 $0x8000, s5;
	s11 =	sshrl.u32 s9, $0x3  }
0xf: {  	s8 =	sadd.s32 $0xC000, s5;
	s9 =	sadd.s32 $0x10000, s5;
	s10 =	sadd.s32 s12, s11  }
0x10: {  	s16 =	sadd.s32 $0x280, s11;
	s11 =	sadd.s32 s13, s11;
	s14 =	sadd.s32 $0x68400, s14  }
0x11: {  	v0 =	vimm.f32 $0.0e+00;
	s12 =	sadd.s32 s12, s16;
	s13 =	sadd.s32 s13, s16;
	s16 =	simm.s32 $0x2800  }
.LBB2_1:
0x12: {  	s26 =	simm.s32 $0x0;
	s28 =	simm.s32 $0x200  }
.LBB2_2:
0x13: {  	p0 =	sne.s32 s28, $0xFE00;
	[tilespmem:s26+$0x2870] =	vst v0  }
0x14: {  	[tilespmem:s26+$0x2800] =	vst v0  }
0x15: {  	[tilespmem:s26+$0x2810] =	vst v0  }
.Ltmp0:
0x16: {  	[tilespmem:s26+$0x2820] =	vst v0;
	(pc) =	sbr.rel @p0 .LBB2_2-.Ltmp0, $4  }
0x17: {  	[tilespmem:s26+$0x2830] =	vst v0  }
0x18: {  	[tilespmem:s26+$0x2840] =	vst v0  }
0x19: {  	[tilespmem:s26+$0x2850] =	vst v0  }
0x1a: {  	[tilespmem:s26+$0x2860] =	vst v0;
	s26 =	sshra.s32 s28, $0x2;
	s28 =	sadd.s32 $0x200, s28  }
0x1b: {  	[tilespmem:s26+$0x2870] =	vst v0  }
0x1c: {  	[tilespmem:s26+$0x2800] =	vst v0  }
0x1d: {  	[tilespmem:s26+$0x2810] =	vst v0  }
0x1e: {  	[tilespmem:s26+$0x2820] =	vst v0  }
0x1f: {  	[tilespmem:s26+$0x2830] =	vst v0  }
0x20: {  	[tilespmem:s26+$0x2840] =	vst v0  }
0x21: {  	[tilespmem:s26+$0x2850] =	vst v0  }
0x22: {  	[tilespmem:s26+$0x2860] =	vst v0  }
0x23: {  	[spmem:s5] =	stream.linear.scatter [tilespmem:s16], [sflag:$0x3], $0x4000, $0x38;
	[tilespmem:$0x1E800] =	vst v63  }
0x24: {  	_ =	swait.ge [sflag:s17], $0x4000  }
0x25: {  	[sflag:s17] =	ssyncset.done $0x0  }
0x26: {  	[sflag:s17] =	ssyncadd.s32 $0xFFFFC000  }
0x27: {  	[spmem:s6] =	stream.linear.scatter [tilespmem:s16], [sflag:$0x3], $0x4000, $0x38;
	[tilespmem:$0x1E800] =	vst v63  }
0x28: {  	_ =	swait.ge [sflag:s17], $0x4000  }
0x29: {  	[sflag:s17] =	ssyncset.done $0x0  }
0x2a: {  	[sflag:s17] =	ssyncadd.s32 $0xFFFFC000  }
0x2b: {  	[spmem:s7] =	stream.linear.scatter [tilespmem:s16], [sflag:$0x3], $0x4000, $0x38;
	[tilespmem:$0x1E800] =	vst v63  }
0x2c: {  	_ =	swait.ge [sflag:s17], $0x4000  }
0x2d: {  	[sflag:s17] =	ssyncset.done $0x0  }
0x2e: {  	[sflag:s17] =	ssyncadd.s32 $0xFFFFC000  }
0x2f: {  	[spmem:s8] =	stream.linear.scatter [tilespmem:s16], [sflag:$0x3], $0x4000, $0x38;
	[tilespmem:$0x1E800] =	vst v63  }
0x30: {  	_ =	swait.ge [sflag:s17], $0x4000  }
0x31: {  	[sflag:s17] =	ssyncset.done $0x0  }
0x32: {  	[sflag:s17] =	ssyncadd.s32 $0xFFFFC000  }
0x33: {  	[spmem:s9] =	stream.linear.scatter [tilespmem:s16], [sflag:$0x3], $0x4000, $0x38;
	[tilespmem:$0x1E800] =	vst v63  }
0x34: {  	_ =	swait.ge [sflag:s17], $0x4000  }
0x35: {  	[sflag:s17] =	ssyncset.done $0x0  }
0x36: {  	[sflag:s17] =	ssyncadd.s32 $0xFFFFC000  }
0x37: {  	s30 =	simm.s32 $0x0;
	[bflag:$0x0] =	sbarrier.arrive $0xFFFF  }
0x38: {  	[tilespmem:s30], [sflag:$0x3] =	stream.linear.gather [hbm4b:s10+s30], $0x1400, $0x38;
	[tilespmem:$0x1E800] =	vst v63  }
0x39: {  	_ =	swait.ge [sflag:s17], $0x1400  }
0x3a: {  	[sflag:s17] =	ssyncset.done $0x0  }
0x3b: {  	[sflag:s17] =	ssyncadd.s32 $0xFFFFEC00  }
0x3c: {  	[tilespmem:s18], [sflag:$0x3] =	stream.linear.gather [hbm4b:s11+s30], $0x1400, $0x38;
	[tilespmem:$0x1E800] =	vst v63  }
0x3d: {  	_ =	swait.ge [sflag:s17], $0x1400  }
0x3e: {  	[sflag:s17] =	ssyncset.done $0x0  }
0x3f: {  	[sflag:s17] =	ssyncadd.s32 $0xFFFFEC00  }
0x40: {  	[tilespmem:s16], [sflag:$0x1] =	stream.indirect.gather [hbm4b:s4+s19], $0x80, s30, s19, $0xb8;
	[tilespmem:$0x1E800] =	vst v63  }
0x41: {  	s31 =	simm.s32 $0x80  }
0x42: {  	[tilespmem:s20], [sflag:$0x2] =	stream.indirect.gather [hbm4b:s4+s19], $0x80, s31, s19, $0xb8;
	[tilespmem:$0x1E800] =	vst v63  }
0x43: {  	_ =	swait.ge [sflag:s21], $0x4000  }
0x44: {  	[sflag:s21] =	ssyncset.done $0x0  }
0x45: {  	s29 =	simm.s32 $0x1400;
	[sflag:s21] =	ssyncadd.s32 $0xFFFFC000  }
0x46: {  	[spmem:s1] =	stream.indirect.scatter.add.f32 [tilespmem:s16], [sflag:$0x3], $0x80, s29, s19, $0xb8;
	[tilespmem:$0x1E800] =	vst v63  }
0x47: {  	_ =	swait.ge [sflag:s17], $0x4000  }
0x48: {  	[sflag:s17] =	ssyncset.done $0x0  }
0x49: {  	s30 =	simm.s32 $0x100;
	[sflag:s17] =	ssyncadd.s32 $0xFFFFC000  }
0x4a: {  	[tilespmem:s16], [sflag:$0x1] =	stream.indirect.gather [hbm4b:s4+s19], $0x80, s30, s19, $0xb8;
	[tilespmem:$0x1E800] =	vst v63  }
0x4b: {  	_ =	swait.ge [sflag:s22], $0x4000  }
0x4c: {  	[sflag:s22] =	ssyncset.done $0x0  }
0x4d: {  	s31 =	simm.s32 $0x1480;
	[sflag:s22] =	ssyncadd.s32 $0xFFFFC000  }
0x4e: {  	[spmem:s1] =	stream.indirect.scatter.add.f32 [tilespmem:s20], [sflag:$0x3], $0x80, s31, s19, $0xb8;
	[tilespmem:$0x1E800] =	vst v63  }
0x4f: {  	_ =	swait.ge [sflag:s17], $0x4000  }
0x50: {  	s28 =	simm.s32 $0x800;
	s26 =	simm.s32 $0x100;
	[sflag:s17] =	ssyncset.done $0x0  }
.LBB2_4:
0x51: {  	s29 =	sadd.s32 $0x80, s26  }
0x52: {  	[sflag:s17] =	ssyncadd.s32 $0xFFFFC000;
	s30 =	smov.u32 s28;
	s31 =	sadd.s32 $0x400, s28  }
0x53: {  	[tilespmem:s20], [sflag:$0x2] =	stream.indirect.gather [hbm4b:s4+s19], $0x80, s29, s19, $0xb8;
	[tilespmem:$0x1E800] =	vst v63  }
0x54: {  	p0 =	sne.s32 s28, $0x4800;
	_ =	swait.ge [sflag:s21], $0x4000  }
0x55: {  	[sflag:s21] =	ssyncset.done $0x0  }
0x56: {  	s28 =	sadd.s32 $0x1400, s26;
	[sflag:s21] =	ssyncadd.s32 $0xFFFFC000  }
0x57: {  	[spmem:s1] =	stream.indirect.scatter.add.f32 [tilespmem:s16], [sflag:$0x3], $0x80, s28, s19, $0xb8;
	[tilespmem:$0x1E800] =	vst v63  }
0x58: {  	_ =	swait.ge [sflag:s17], $0x4000  }
0x59: {  	[sflag:s17] =	ssyncset.done $0x0  }
0x5a: {  	s28 =	sadd.s32 $0x100, s26;
	[sflag:s17] =	ssyncadd.s32 $0xFFFFC000  }
0x5b: {  	[tilespmem:s16], [sflag:$0x1] =	stream.indirect.gather [hbm4b:s4+s19], $0x80, s28, s19, $0xb8;
	[tilespmem:$0x1E800] =	vst v63  }
0x5c: {  	_ =	swait.ge [sflag:s22], $0x4000  }
.Ltmp1:
0x5d: {  	[sflag:s22] =	ssyncset.done $0x0;
	(pc) =	sbr.rel @p0 .LBB2_4-.Ltmp1, $4  }
0x5e: {  	s26 =	sadd.s32 $0x1480, s26;
	[sflag:s22] =	ssyncadd.s32 $0xFFFFC000  }
0x5f: {  	[spmem:s1] =	stream.indirect.scatter.add.f32 [tilespmem:s20], [sflag:$0x3], $0x80, s26, s19, $0xb8;
	[tilespmem:$0x1E800] =	vst v63  }
0x60: {  	_ =	swait.ge [sflag:s17], $0x4000  }
0x61: {  	s28 =	smov.u32 s31;
	s26 =	sshra.s32 s30, $0x2;
	[sflag:s17] =	ssyncset.done $0x0  }
0x62: {  	s28 =	sadd.s32 $0x80, s26;
	[sflag:s17] =	ssyncadd.s32 $0xFFFFC000  }
0x63: {  	[tilespmem:s20], [sflag:$0x2] =	stream.indirect.gather [hbm4b:s4+s19], $0x80, s28, s19, $0xb8;
	[tilespmem:$0x1E800] =	vst v63  }
0x64: {  	_ =	swait.ge [sflag:s21], $0x4000  }
0x65: {  	[sflag:s21] =	ssyncset.done $0x0  }
0x66: {  	s28 =	sadd.s32 $0x1400, s26;
	[sflag:s21] =	ssyncadd.s32 $0xFFFFC000  }
0x67: {  	[spmem:s1] =	stream.indirect.scatter.add.f32 [tilespmem:s16], [sflag:$0x3], $0x80, s28, s19, $0xb8;
	[tilespmem:$0x1E800] =	vst v63  }
0x68: {  	_ =	swait.ge [sflag:s17], $0x4000  }
0x69: {  	[sflag:s17] =	ssyncset.done $0x0  }
0x6a: {  	s28 =	sadd.s32 $0x100, s26;
	[sflag:s17] =	ssyncadd.s32 $0xFFFFC000  }
0x6b: {  	[tilespmem:s16], [sflag:$0x1] =	stream.indirect.gather [hbm4b:s4+s19], $0x80, s28, s19, $0xb8;
	[tilespmem:$0x1E800] =	vst v63  }
0x6c: {  	_ =	swait.ge [sflag:s22], $0x4000  }
0x6d: {  	[sflag:s22] =	ssyncset.done $0x0  }
0x6e: {  	s29 =	sadd.s32 $0x1480, s26;
	[sflag:s22] =	ssyncadd.s32 $0xFFFFC000  }
0x6f: {  	[spmem:s1] =	stream.indirect.scatter.add.f32 [tilespmem:s20], [sflag:$0x3], $0x80, s29, s19, $0xb8;
	[tilespmem:$0x1E800] =	vst v63  }
0x70: {  	_ =	swait.ge [sflag:s17], $0x4000  }
0x71: {  	[sflag:s17] =	ssyncset.done $0x0  }
0x72: {  	[sflag:s17] =	ssyncadd.s32 $0xFFFFC000  }
0x73: {  	[tilespmem:s20], [sflag:$0x2] =	stream.indirect.gather [hbm4b:s4+s19], $0x80, s23, s19, $0xb8;
	[tilespmem:$0x1E800] =	vst v63  }
0x74: {  	_ =	swait.ge [sflag:s21], $0x4000  }
0x75: {  	[sflag:s21] =	ssyncset.done $0x0  }
0x76: {  	[sflag:s21] =	ssyncadd.s32 $0xFFFFC000  }
0x77: {  	[spmem:s1] =	stream.indirect.scatter.add.f32 [tilespmem:s16], [sflag:$0x3], $0x80, s24, s19, $0xb8;
	[tilespmem:$0x1E800] =	vst v63  }
0x78: {  	_ =	swait.ge [sflag:s17], $0x4000  }
0x79: {  	[sflag:s17] =	ssyncset.done $0x0  }
0x7a: {  	[sflag:s17] =	ssyncadd.s32 $0xFFFFC000  }
0x7b: {  	_ =	swait.ge [sflag:s22], $0x4000  }
0x7c: {  	[sflag:s22] =	ssyncset.done $0x0  }
0x7d: {  	[sflag:s22] =	ssyncadd.s32 $0xFFFFC000  }
0x7e: {  	[spmem:s1] =	stream.indirect.scatter.add.f32 [tilespmem:s20], [sflag:$0x3], $0x80, s25, s19, $0xb8;
	[tilespmem:$0x1E800] =	vst v63  }
0x7f: {  	_ =	swait.ge [sflag:s17], $0x4000  }
0x80: {  	[sflag:s17] =	ssyncset.done $0x0  }
0x81: {  	s30 =	simm.s32 $0x0;
	[sflag:s17] =	ssyncadd.s32 $0xFFFFC000  }
0x82: {  	[tilespmem:s30], [sflag:$0x3] =	stream.linear.gather [hbm4b:s12+s30], $0x1400, $0x38;
	[tilespmem:$0x1E800] =	vst v63  }
0x83: {  	_ =	swait.ge [sflag:s17], $0x1400  }
0x84: {  	[sflag:s17] =	ssyncset.done $0x0  }
0x85: {  	[sflag:s17] =	ssyncadd.s32 $0xFFFFEC00  }
0x86: {  	[tilespmem:s18], [sflag:$0x3] =	stream.linear.gather [hbm4b:s13+s30], $0x1400, $0x38;
	[tilespmem:$0x1E800] =	vst v63  }
0x87: {  	_ =	swait.ge [sflag:s17], $0x1400  }
0x88: {  	[sflag:s17] =	ssyncset.done $0x0  }
0x89: {  	[sflag:s17] =	ssyncadd.s32 $0xFFFFEC00  }
0x8a: {  	[tilespmem:s16], [sflag:$0x1] =	stream.indirect.gather [hbm4b:s4+s19], $0x80, s30, s19, $0xb8;
	[tilespmem:$0x1E800] =	vst v63  }
0x8b: {  	s31 =	simm.s32 $0x80  }
0x8c: {  	[tilespmem:s20], [sflag:$0x2] =	stream.indirect.gather [hbm4b:s4+s19], $0x80, s31, s19, $0xb8;
	[tilespmem:$0x1E800] =	vst v63  }
0x8d: {  	_ =	swait.ge [sflag:s21], $0x4000  }
0x8e: {  	[sflag:s21] =	ssyncset.done $0x0  }
0x8f: {  	s29 =	simm.s32 $0x1400;
	[sflag:s21] =	ssyncadd.s32 $0xFFFFC000  }
0x90: {  	[spmem:s1] =	stream.indirect.scatter.add.f32 [tilespmem:s16], [sflag:$0x3], $0x80, s29, s19, $0xb8;
	[tilespmem:$0x1E800] =	vst v63  }
0x91: {  	_ =	swait.ge [sflag:s17], $0x4000  }
0x92: {  	[sflag:s17] =	ssyncset.done $0x0  }
0x93: {  	s30 =	simm.s32 $0x100;
	[sflag:s17] =	ssyncadd.s32 $0xFFFFC000  }
0x94: {  	[tilespmem:s16], [sflag:$0x1] =	stream.indirect.gather [hbm4b:s4+s19], $0x80, s30, s19, $0xb8;
	[tilespmem:$0x1E800] =	vst v63  }
0x95: {  	_ =	swait.ge [sflag:s22], $0x4000  }
0x96: {  	[sflag:s22] =	ssyncset.done $0x0  }
0x97: {  	s31 =	simm.s32 $0x1480;
	[sflag:s22] =	ssyncadd.s32 $0xFFFFC000  }
0x98: {  	[spmem:s1] =	stream.indirect.scatter.add.f32 [tilespmem:s20], [sflag:$0x3], $0x80, s31, s19, $0xb8;
	[tilespmem:$0x1E800] =	vst v63  }
0x99: {  	_ =	swait.ge [sflag:s17], $0x4000  }
0x9a: {  	s26 =	simm.s32 $0x100;
	s28 =	simm.s32 $0x800;
	[sflag:s17] =	ssyncset.done $0x0  }
.LBB2_6:
0x9b: {  	s29 =	sadd.s32 $0x80, s26  }
0x9c: {  	[sflag:s17] =	ssyncadd.s32 $0xFFFFC000;
	s30 =	smov.u32 s28;
	s31 =	sadd.s32 $0x400, s28  }
0x9d: {  	[tilespmem:s20], [sflag:$0x2] =	stream.indirect.gather [hbm4b:s4+s19], $0x80, s29, s19, $0xb8;
	[tilespmem:$0x1E800] =	vst v63  }
0x9e: {  	p0 =	sne.s32 s28, $0x4800;
	_ =	swait.ge [sflag:s21], $0x4000  }
0x9f: {  	[sflag:s21] =	ssyncset.done $0x0  }
0xa0: {  	s28 =	sadd.s32 $0x1400, s26;
	[sflag:s21] =	ssyncadd.s32 $0xFFFFC000  }
0xa1: {  	[spmem:s1] =	stream.indirect.scatter.add.f32 [tilespmem:s16], [sflag:$0x3], $0x80, s28, s19, $0xb8;
	[tilespmem:$0x1E800] =	vst v63  }
0xa2: {  	_ =	swait.ge [sflag:s17], $0x4000  }
0xa3: {  	[sflag:s17] =	ssyncset.done $0x0  }
0xa4: {  	s28 =	sadd.s32 $0x100, s26;
	[sflag:s17] =	ssyncadd.s32 $0xFFFFC000  }
0xa5: {  	[tilespmem:s16], [sflag:$0x1] =	stream.indirect.gather [hbm4b:s4+s19], $0x80, s28, s19, $0xb8;
	[tilespmem:$0x1E800] =	vst v63  }
0xa6: {  	_ =	swait.ge [sflag:s22], $0x4000  }
.Ltmp2:
0xa7: {  	[sflag:s22] =	ssyncset.done $0x0;
	(pc) =	sbr.rel @p0 .LBB2_6-.Ltmp2, $4  }
0xa8: {  	s26 =	sadd.s32 $0x1480, s26;
	[sflag:s22] =	ssyncadd.s32 $0xFFFFC000  }
0xa9: {  	[spmem:s1] =	stream.indirect.scatter.add.f32 [tilespmem:s20], [sflag:$0x3], $0x80, s26, s19, $0xb8;
	[tilespmem:$0x1E800] =	vst v63  }
0xaa: {  	_ =	swait.ge [sflag:s17], $0x4000  }
0xab: {  	s28 =	smov.u32 s31;
	s26 =	sshra.s32 s30, $0x2;
	[sflag:s17] =	ssyncset.done $0x0  }
0xac: {  	s28 =	sadd.s32 $0x80, s26;
	[sflag:s17] =	ssyncadd.s32 $0xFFFFC000  }
0xad: {  	[tilespmem:s20], [sflag:$0x2] =	stream.indirect.gather [hbm4b:s4+s19], $0x80, s28, s19, $0xb8;
	[tilespmem:$0x1E800] =	vst v63  }
0xae: {  	_ =	swait.ge [sflag:s21], $0x4000  }
0xaf: {  	[sflag:s21] =	ssyncset.done $0x0  }
0xb0: {  	s30 =	sadd.s32 $0x1400, s26;
	[sflag:s21] =	ssyncadd.s32 $0xFFFFC000  }
0xb1: {  	[spmem:s1] =	stream.indirect.scatter.add.f32 [tilespmem:s16], [sflag:$0x3], $0x80, s30, s19, $0xb8;
	[tilespmem:$0x1E800] =	vst v63  }
0xb2: {  	_ =	swait.ge [sflag:s17], $0x4000  }
0xb3: {  	[sflag:s17] =	ssyncset.done $0x0  }
0xb4: {  	s31 =	sadd.s32 $0x100, s26;
	[sflag:s17] =	ssyncadd.s32 $0xFFFFC000  }
0xb5: {  	[tilespmem:s16], [sflag:$0x1] =	stream.indirect.gather [hbm4b:s4+s19], $0x80, s31, s19, $0xb8;
	[tilespmem:$0x1E800] =	vst v63  }
0xb6: {  	_ =	swait.ge [sflag:s22], $0x4000  }
0xb7: {  	[sflag:s22] =	ssyncset.done $0x0  }
0xb8: {  	s29 =	sadd.s32 $0x1480, s26;
	[sflag:s22] =	ssyncadd.s32 $0xFFFFC000  }
0xb9: {  	[spmem:s1] =	stream.indirect.scatter.add.f32 [tilespmem:s20], [sflag:$0x3], $0x80, s29, s19, $0xb8;
	[tilespmem:$0x1E800] =	vst v63  }
0xba: {  	_ =	swait.ge [sflag:s17], $0x4000  }
0xbb: {  	[sflag:s17] =	ssyncset.done $0x0  }
0xbc: {  	[sflag:s17] =	ssyncadd.s32 $0xFFFFC000  }
0xbd: {  	[tilespmem:s20], [sflag:$0x2] =	stream.indirect.gather [hbm4b:s4+s19], $0x80, s23, s19, $0xb8;
	[tilespmem:$0x1E800] =	vst v63  }
0xbe: {  	_ =	swait.ge [sflag:s21], $0x4000  }
0xbf: {  	[sflag:s21] =	ssyncset.done $0x0  }
0xc0: {  	[sflag:s21] =	ssyncadd.s32 $0xFFFFC000  }
0xc1: {  	[spmem:s1] =	stream.indirect.scatter.add.f32 [tilespmem:s16], [sflag:$0x3], $0x80, s24, s19, $0xb8;
	[tilespmem:$0x1E800] =	vst v63  }
0xc2: {  	_ =	swait.ge [sflag:s17], $0x4000  }
0xc3: {  	[sflag:s17] =	ssyncset.done $0x0  }
0xc4: {  	[sflag:s17] =	ssyncadd.s32 $0xFFFFC000  }
0xc5: {  	_ =	swait.ge [sflag:s22], $0x4000  }
0xc6: {  	[sflag:s22] =	ssyncset.done $0x0  }
0xc7: {  	[sflag:s22] =	ssyncadd.s32 $0xFFFFC000  }
0xc8: {  	[spmem:s1] =	stream.indirect.scatter.add.f32 [tilespmem:s20], [sflag:$0x3], $0x80, s25, s19, $0xb8;
	[tilespmem:$0x1E800] =	vst v63  }
0xc9: {  	_ =	swait.ge [sflag:s17], $0x4000  }
0xca: {  	s3 =	sadd.s32 $0x1, s3;
	s30 =	sshll.u32 s2, $0x6;
	[sflag:s17] =	ssyncset.done $0x0  }
0xcb: {  	p0 =	sne.s32 s3, s15;
	s26 =	sor.u32 $0x1C03, s30;
	[sflag:s17] =	ssyncadd.s32 $0xFFFFC000  }
.Ltmp3:
0xcc: {  	s31 =	sshrl.u32 s5, $0x3;
	[bflag:$0x0] =	sbarrier.arrive $0xFFFF;
	(pc) =	sbr.rel @p0 .LBB2_1-.Ltmp3, $4  }
0xcd: {  	[hbm:s14], [sflag:s26] =	dma.local [spmem:s31], $0x2800  }
0xce: {  	_ =	swait.ge [sflag:s17], $0x2800  }
0xcf: {  	[sflag:s17] =	ssyncset.done $0x0  }
0xd0: {  	[sflag:s17] =	ssyncadd.s32 $0xFFFFD800  }
0xd1: {  	_ =	sfence.sel $0x180000  }
0xd2: {  	[bflag:$0x0] =	sbarrier.arrive $0xFFFF  }
0xd3: {  	p0 =	sne.s32 s2, $0x0;
	_ =	strace $0x9000004D  }
0xd4: {  	s0 =	sadd.s32 @!p0 $0x100000, s0;
	[bflag:$0x2] =	sbarrier.arrive $0xFFFF  }
0xd5: {  	[sflag:s0] =	ssyncadd.tile.s32 @!p0 $0x1;
	_ =	shalt  }
.Lfunc_end2:
_tile_overlayer_lowered:
.L_overlay_start_2:
0xd6: {  	(tag) =	ssettag $0x2  }
0xd7: {  	s0 =	rddreg [dreg:$0x0];
	s2 =	stileid.u32  }
0xd8: {  	s1 =	rddreg [dreg:$0x1];
	p0 =	sne.s32 s2, $0x0  }
0xd9: {  	s3 =	rddreg [dreg:$0x2];
	[bflag:$0x3] =	sbarrier.arrive $0xFFFF;
	s2 =	simm.s32 @!p0 $0x1C03  }
0xda: {  	[timem:s3], [sflag:s2] =	dma.local @!p0 [hbm:s0], s1  }
0xdb: {  	s0 =	simm.s32 @!p0 $0x3  }
0xdc: {  	_ =	swait.ge @!p0 [sflag:s0], s1  }
0xdd: {  	s1 =	ssub.s32 @!p0 $0x0, s1;
	[sflag:s0] =	ssyncset.done @!p0 $0x0  }
0xde: {  	[sflag:s0] =	ssyncadd.s32 @!p0 s1  }
0xdf: {  	[bflag:$0x3] =	sbarrier.arrive $0xFFFF  }
0xe0: {  	_ =	shalt  }

// kernel: kernel.8.cloned.1.call-start
scs
__scs_entry_jumppad:
0x0: {  	(pc) =	sbr.rel $0x88, $3  }
0x1: {  	(tag) =	ssettag $0x0;
	lr =	simm.s32 $0x1  }
0x2: {  	[smem:$0x3F95] =	sst lr;
	_ =	strace $0xD0000000  }
0x3: {  	_ = 	snop  }
0x4: {  	_ = 	snop  }
0x5: {  	_ = 	snop  }
0x6: {  	_ = 	snop  }
0x7: {  	_ = 	snop  }
__scs_overlays_trampoline_lowered:
0x8: {  	[smem:$0x3FA4] =	sst s0  }
0x9: {  	[smem:$0x3FA5] =	sst s1  }
0xa: {  	[smem:$0x3FA6] =	sst s2  }
0xb: {  	[smem:$0x3FA7] =	sst s3  }
0xc: {  	[smem:$0x3FA8] =	sst s4  }
0xd: {  	[smem:$0x3FA9] =	sst s5  }
0xe: {  	[smem:$0x3FAA] =	sst s6  }
0xf: {  	[smem:$0x3FAB] =	sst s7  }
0x10: {  	[smem:$0x3FAC] =	sst s8  }
0x11: {  	[smem:$0x3FAD] =	sst s9;
	s0 =	simm.s32 @!p0 $0x0  }
0x12: {  	s1 =	sld [smem:$0x3F93];
	s0 =	simm.s32 @p0 $0x1  }
0x13: {  	[smem:$0x3FAE] =	sst s0;
	s0 =	simm.s32 @!p1 $0x0  }
0x14: {  	s2 =	sld [smem:$0x3F92];
	s0 =	simm.s32 @p1 $0x1  }
0x15: {  	[smem:$0x3FAF] =	sst s0;
	s0 =	simm.s32 @!p2 $0x0  }
0x16: {  	s3 =	sld [smem:$0x3FDB];
	s0 =	simm.s32 @p2 $0x1  }
0x17: {  	s4 =	simm.s32 $0x1BF5;
	[smem:$0x3FB1] =	sst s0  }
0x18: {  	s0 =	sld [smem:$0x3F94];
	_ =	swait.ge [sflag:s4], $0x0  }
0x19: {  	s7 =	sld [smem:$0x3F95]  }
0x1a: {  	s8 =	sadd.s32 $0xFFFFE003, lr  }
0x1b: {  	s9 =	sadd.s32 $0xFFFFFEF7, lr;
	s5 =	simm.s32 $0xFFFFFFFF;
	p2 =	slt.u32 s8, $0xFFFFF086  }
0x1c: {  	p1 =	slt.u32 s9, $0xF7A;
	s5 =	simm.s32 @!p2 $0x0  }
0x1d: {  	s5 =	simm.s32 @p1 $0x1;
	p0 =	seq.s32 s7, s2  }
0x1e: {  	s7 =	smul.u32 @!p0 $0xF7A, s2;
	p2 =	seq.s32 @!p0 s5, $0x0  }
0x1f: {  	s9 =	smul.u32 $0xF7A, s1;
	s8 =	simm.s32 @!p0 $0x1BF5;
	p2 =	por !p2, p0  }
0x20: {  	[sflag:s8] =	ssyncset.s32 @!p0 $0xFFFFF086;
	s6 =	sadd.s32 @!p0 s3, s7;
	s7 =	simm.s32 @!p0 $0x108  }
0x21: {  	s3 =	sadd.s32 s3, s9;
	s6 =	sadd.s32 @!p0 $0x88, s6;
	s7 =	simm.s32 @p2 $0x1082  }
0x22: {  	[simem:s7], [sflag:s8] =	dma.local @!p0 [hbm:s6], $0xF7A  }
0x23: {  	s9 =	sor.u32 $0xD0000000, s2;
	s6 =	simm.s32 $0x108;
	_ =	swait.ge @!p0 [sflag:s8], $0x0  }
0x24: {  	s3 =	sadd.s32 $0x88, s3;
	s6 =	simm.s32 @!p1 $0x1082;
	[sflag:s4] =	ssyncset.s32 $0xFFFFF086  }
0x25: {  	[simem:s6], [sflag:s4] =	dma.local [hbm:s3], $0xF7A  }
0x26: {  	[smem:$0x3F95] =	sst s1;
	(tag) =	ssettag s2;
	_ =	strace s9  }
0x27: {  	s1 =	sld [smem:$0x3FA5]  }
0x28: {  	s2 =	sld [smem:$0x3FA6]  }
0x29: {  	s4 =	sld [smem:$0x3FA8]  }
0x2a: {  	p0 =	seq.s32 s5, $0x0;
	s5 =	sld [smem:$0x3FA9]  }
0x2b: {  	s6 =	sld [smem:$0x3FAA]  }
0x2c: {  	s7 =	sld [smem:$0x3FAB]  }
0x2d: {  	s3 =	simm.s32 $0x108;
	s8 =	sld [smem:$0x3FAC]  }
0x2e: {  	s3 =	simm.s32 @!p0 $0x1082;
	s9 =	sld [smem:$0x3FAD]  }
0x2f: {  	lr =	sadd.s32 s0, s3;
	s0 =	sld [smem:$0x3FA4]  }
0x30: {  	s3 =	sld [smem:$0x3FA7]  }
0x31: {  	[smem:$0x3FB0] =	sst s10  }
0x32: {  	s10 =	sld [smem:$0x3FAE];
	_ =	sdelay $0x3  }
0x33: {  	p0 =	seq.s32 s10, $0x1;
	s10 =	sld [smem:$0x3FB0];
	_ =	sdelay $0x3  }
0x34: {  	[smem:$0x3FB0] =	sst s10  }
0x35: {  	s10 =	sld [smem:$0x3FAF];
	_ =	sdelay $0x3  }
0x36: {  	p1 =	seq.s32 s10, $0x1;
	s10 =	sld [smem:$0x3FB0];
	_ =	sdelay $0x3  }
0x37: {  	[smem:$0x3FB0] =	sst s10  }
0x38: {  	s10 =	sld [smem:$0x3FB1]  }
0x39: {  	_ = 	snop;
	(pc) =	sbr.ind lr, $3  }
0x3a: {  	_ = 	snop  }
0x3b: {  	_ = 	snop  }
0x3c: {  	p2 =	seq.s32 s10, $0x1;
	s10 =	sld [smem:$0x3FB0]  }
0x3d: {  	_ =	shalt  }
0x3e: {  	_ =	shalt  }
0x3f: {  	_ =	shalt  }
0x40: {  	_ =	shalt  }
0x41: {  	_ =	shalt  }
0x42: {  	_ =	shalt  }
0x43: {  	_ =	shalt  }
0x44: {  	_ =	shalt  }
0x45: {  	_ =	shalt  }
0x46: {  	_ =	shalt  }
0x47: {  	_ =	shalt  }
0x48: {  	_ =	shalt  }
0x49: {  	_ =	shalt  }
0x4a: {  	_ =	shalt  }
0x4b: {  	_ =	shalt  }
0x4c: {  	_ =	shalt  }
0x4d: {  	_ =	shalt  }
0x4e: {  	_ =	shalt  }
0x4f: {  	_ =	shalt  }
0x50: {  	_ =	shalt  }
0x51: {  	_ =	shalt  }
0x52: {  	_ =	shalt  }
0x53: {  	_ =	shalt  }
0x54: {  	_ =	shalt  }
0x55: {  	_ =	shalt  }
0x56: {  	_ =	shalt  }
0x57: {  	_ =	shalt  }
0x58: {  	_ =	shalt  }
0x59: {  	_ =	shalt  }
0x5a: {  	_ =	shalt  }
0x5b: {  	_ =	shalt  }
0x5c: {  	_ =	shalt  }
0x5d: {  	_ =	shalt  }
0x5e: {  	_ =	shalt  }
0x5f: {  	_ =	shalt  }
0x60: {  	_ =	shalt  }
0x61: {  	_ =	shalt  }
0x62: {  	_ =	shalt  }
0x63: {  	_ =	shalt  }
0x64: {  	_ =	shalt  }
0x65: {  	_ =	shalt  }
0x66: {  	_ =	shalt  }
0x67: {  	_ =	shalt  }
0x68: {  	_ =	shalt  }
0x69: {  	_ =	shalt  }
0x6a: {  	_ =	shalt  }
0x6b: {  	_ =	shalt  }
0x6c: {  	_ =	shalt  }
0x6d: {  	_ =	shalt  }
0x6e: {  	_ =	shalt  }
0x6f: {  	_ =	shalt  }
0x70: {  	_ =	shalt  }
0x71: {  	_ =	shalt  }
0x72: {  	_ =	shalt  }
0x73: {  	_ =	shalt  }
0x74: {  	_ =	shalt  }
0x75: {  	_ =	shalt  }
0x76: {  	_ =	shalt  }
0x77: {  	_ =	shalt  }
0x78: {  	_ =	shalt  }
0x79: {  	_ =	shalt  }
0x7a: {  	_ =	shalt  }
0x7b: {  	_ =	shalt  }
0x7c: {  	_ =	shalt  }
0x7d: {  	_ =	shalt  }
0x7e: {  	_ =	shalt  }
0x7f: {  	_ =	shalt  }
0x80: {  	_ =	shalt  }
0x81: {  	_ =	shalt  }
0x82: {  	_ =	shalt  }
0x83: {  	_ =	shalt  }
0x84: {  	_ =	shalt  }
0x85: {  	_ =	shalt  }
0x86: {  	_ =	shalt  }
0x87: {  	_ =	shalt  }
.Lfunc_end0:
.L_simem_size_0:
called_computation_lowered:
.L_overlay_start_0:
0x88: {  	s2 =	sld [smem:$0x3FD9]  }
0x89: {  	s3 =	sld [smem:$0x3FFE];
	_ =	sdelay $0x1  }
0x8a: {  	s1 =	srdreg.scid  }
0x8b: {  	s0 =	sand.u32 $0x1, s1  }
0x8c: {  	s17 =	sshll.u32 s0, $0xA;
	s2 =	sadd.s32 s3, s2  }
0x8d: {  	s2 =	sadd.s32 s2, s17  }
0x8e: {  	[smem:$0x3FBC] =	sst s2  }
0x8f: {  	_ = 	snop  }
0x90: {  	s2 =	sld [smem:$0x3FD0];
	(tm) =	ssettm $0x1  }
0x91: {  	s18 =	sld [smem:$0x3FFB];
	_ =	sdelay $0x3  }
0x92: {  	_ =	strace s18  }
0x93: {  	s3 =	sld [smem:$0x3FFC];
	_ =	sdelay $0x3  }
0x94: {  	_ =	strace s3  }
0x95: {  	s3 =	sld [smem:$0x3FFD];
	_ =	sdelay $0x3  }
0x96: {  	_ =	strace s3  }
0x97: {  	_ =	strace $0x8FFFFFFF  }
0x98: {  	s19 =	sld [smem:$0x3FDB];
	_ =	sdelay $0x1  }
0x99: {  	s4 =	simm.s32 $_scs_section_size  }
0x9a: {  	s5 =	simm.s32 $_size__tile_overlayer_lowered;
	s6 =	simm.s32 $_tile_overlayer_lowered  }
0x9b: {  	s22 =	simm.s32 $0x1BFF;
	s21 =	sshll.u32 s6, $0x1;
	s3 =	sadd.s32 s4, s19  }
0x9c: {  	s7 =	simm.s32 $0x0;
	s20 =	sshll.u32 s5, $0x1;
	s5 =	sadd.s32 s21, s3  }
0x9d: {  	[timem:s7], [sflag:s22] =	dma.local [hbm:s5], s20  }
0x9e: {  	_ =	swait.ge [sflag:s22], s20  }
0x9f: {  	s4 =	ssub.s32 $0x0, s20;
	[sflag:s22] =	ssyncset.done $0x0  }
0xa0: {  	[sflag:s22] =	ssyncadd.s32 s4;
	_ =	sdelay $0x1  }
0xa1: {  	s23 =	simm.s32 $0x1B8B  }
0xa2: {  	_ =	swait.ge [sflag:s23], $0x1  }
0xa3: {  	[sflag:s23] =	ssyncset.done $0x0  }
0xa4: {  	s25 =	simm.s32 $0x1B8E;
	s24 =	sld [smem:$0x3FFE];
	[sflag:s23] =	ssyncadd.s32 $0xFFFFFFFF  }
0xa5: {  	s26 =	simm.s32 $execute0_lowered;
	[smem:$0x3FD2] =	sst s25  }
0xa6: {  	s5 =	sshll.u32 s26, $0x1;
	_ =	strace $0x80000046;
	[dreg:$0x1] =	wrdreg $0xFFFFFFFF  }
0xa7: {  	s28 =	simm.s32 $_size_execute0_lowered;
	s3 =	sadd.s32 s3, s5;
	[dreg:$0x0] =	wrdreg $0x0  }
0xa8: {  	s5 =	sshll.u32 s28, $0x1;
	[dreg:$0x2] =	wrdreg s3  }
0xa9: {  	[dreg:$0x3] =	wrdreg s5  }
0xaa: {  	[dreg:$0x4] =	wrdreg $0xC0  }
0xab: {  	_ =	task [dreg:s7], $0x5FFFF  }
0xac: {  	[dreg:$0x1] =	wrdreg $0xFFFFFFFF  }
0xad: {  	[dreg:$0x0] =	wrdreg $0x60  }
0xae: {  	[dreg:$0x2] =	wrdreg s24  }
0xaf: {  	[dreg:$0x3] =	wrdreg s2  }
0xb0: {  	[dreg:$0x4] =	wrdreg $0x28800  }
0xb1: {  	[dreg:$0x5] =	wrdreg $0x9  }
0xb2: {  	_ =	task.clear_ibuf [dreg:s7], $0x6FFFF;
	_ =	strace $0x90000046  }
0xb3: {  	s29 =	simm.s32 $0x9;
	_ =	strace $0x80000048  }
0xb4: {  	_ =	swait.ge [sflag:s29], $0x1  }
0xb5: {  	[sflag:s29] =	ssyncadd.s32 $0xFFFFFFFF  }
0xb6: {  	_ =	strace $0x90000048  }
0xb7: {  	_ =	sfence  }
0xb8: {  	s30 =	sld [smem:$0x0];
	_ =	sdelay $0x2  }
0xb9: {  	s31 =	sshll.u32 s1, $0xD;
	s1 =	sshrl.u32 s1, $0x2  }
0xba: {  	s3 =	sand.u32 $0x4000, s31;
	s1 =	sadd.s32 s1, s30  }
0xbb: {  	s0 =	sor.u32 s3, s0;
	s1 =	sshll.u32 s1, $0x11  }
0xbc: {  	s0 =	sor.u32 s1, s0  }
0xbd: {  	s0 =	sadd.s32 $0x8F2B, s0  }
0xbe: {  	[sflag:s0] =	ssyncadd.remote.s32 $0x1  }
0xbf: {  	_ =	sfence.sel $0xFFFF  }
0xc0: {  	[dreg:$0x0] =	wrdreg $0xFFFFFFFF;
	(pc) =	sbr.abs _section_cstart, $3  }
0xc1: {  	[dreg:$0x1] =	wrdreg $0xFFFFFFFF  }
0xc2: {  	_ =	task.clear_ibuf [dreg:s7], $0x2FFFF;
	_ =	strace $0x9FFFFFFF  }
0xc3: {  	(tm) =	ssettm $0x7FFFFFFF  }
tec
execute0_lowered:
.L_overlay_start_1:
0x0: {  	(tag) =	ssettag $0x1  }
0x1: {  	s6 =	rddreg [dreg:$0x0]  }
0x2: {  	s2 =	rddreg [dreg:$0x1]  }
0x3: {  	s0 =	srdreg.scid;
	s3 =	rddreg [dreg:$0x2];
	s4 =	simm.s32 $0x0  }
0x4: {  	s13 =	simm.s32 $0x80;
	s14 =	simm.s32 $0x20;
	s15 =	simm.s32 $0x10  }
0x5: {  	s16 =	simm.s32 $0x0;
	s5 =	sand.u32 $0x1, s0;
	s0 =	stileid.u32  }
0x6: {  	[smem:$0x7FF] =	sst s4;
	s1 =	sshll.u32 s5, $0x4;
	s8 =	smul.u32 $0x500, s0  }
0x7: {  	s9 =	sshll.u32 s5, $0x7;
	s29 =	ssub.s32 $0x2, s5;
	s10 =	smul.u32 $0xA00, s0  }
0x8: {  	s5 =	sadd.s32 $0x17800, s6;
	s11 =	sshll.u32 s0, $0x6;
	s1 =	sor.u32 s0, s1  }
0x9: {  	s30 =	sshrl.u32 s29, $0x1;
	s11 =	sor.u32 $0x1C01, s11;
	s7 =	smul.u32 $0x500, s1  }
0xa: {  	s1 =	rddreg [dreg:$0x3];
	_ =	strace $0x80000047;
	s8 =	sor.u32 s9, s8  }
0xb: {  	s9 =	ssub.s32 s29, s30;
	s31 =	sshrl.u32 s10, $0x2;
	s10 =	simm.s32 $0x2800  }
0xc: {  	s8 =	sshrl.u32 s8, $0x3;
	s12 =	sadd.s32 s31, s3;
	s7 =	sadd.s32 s7, s6  }
0xd: {  	s8 =	sadd.s32 s8, s6;
	s12 =	sshrl.u32 s12, $0x3;
	s6 =	sadd.s32 $0x3800, s7  }
0xe: {  	s7 =	sadd.s32 $0x17A00, s8;
	s8 =	smax.u32 s9, $0x1;
	s9 =	simm.s32 $0x1  }
.LBB2_1:
0xf: {  	[tilespmem:s4], [sflag:$0x1] =	stream.linear.gather [hbm4b:s6+s4], $0x2800, $0x38;
	[tilespmem:$0x2B00] =	vst v63  }
0x10: {  	_ =	swait.ge [sflag:s9], $0x2800  }
0x11: {  	[sflag:s9] =	ssyncset.done $0x0  }
0x12: {  	[sflag:s9] =	ssyncadd.s32 $0xFFFFD800  }
0x13: {  	[tilespmem:s10], [sflag:$0x1] =	stream.linear.gather [hbm4b:s2+s4], $0x80, $0x38;
	[tilespmem:$0x2B00] =	vst v63  }
0x14: {  	_ =	swait.ge [sflag:s9], $0x80  }
0x15: {  	[sflag:s9] =	ssyncset.done $0x0  }
0x16: {  	[sflag:s9] =	ssyncadd.s32 $0xFFFFFF80  }
0x17: {  	[spmem:s12], [sflag:s11] =	dma.local [hbm:s5], $0x50  }
0x18: {  	_ =	swait.ge [sflag:s9], $0x50  }
0x19: {  	[sflag:s9] =	ssyncset.done $0x0  }
0x1a: {  	[sflag:s9] =	ssyncadd.s32 $0xFFFFFFB0  }
0x1b: {  	s17 =	simm.s32 $0x0;
	[bflag:$0x0] =	sbarrier.arrive $0xFFFF  }
0x1c: {  	[spmem:s3] =	stream.indirect.scatter.add.f32 [tilespmem:s10], [sflag:$0x1], $0x1, s17, s13, $0xb8;
	[tilespmem:$0x2B00] =	vst v63  }
0x1d: {  	_ =	swait.ge [sflag:s9], $0x80  }
0x1e: {  	s17 =	simm.s32 $0x200;
	[sflag:s9] =	ssyncset.done $0x0  }
.LBB2_2:
0x1f: {  	s18 =	sshra.s32 s17, $0x2;
	[sflag:s9] =	ssyncadd.s32 $0xFFFFFF80;
	p0 =	sne.s32 s17, $0x9E00  }
0x20: {  	[spmem:s3] =	stream.indirect.scatter.add.f32 [tilespmem:s10], [sflag:$0x1], $0x1, s18, s13, $0xb8;
	[tilespmem:$0x2B00] =	vst v63  }
.Ltmp0:
0x21: {  	_ = 	snop;
	(pc) =	sbr.rel @p0 .LBB2_2-.Ltmp0, $4  }
0x22: {  	_ = 	snop  }
0x23: {  	s17 =	sadd.s32 $0x200, s17  }
0x24: {  	_ =	swait.ge [sflag:s9], $0x80  }
0x25: {  	[sflag:s9] =	ssyncset.done $0x0  }
0x26: {  	s16 =	sadd.s32 $0x1, s16  }
0x27: {  	[sflag:s9] =	ssyncadd.s32 $0xFFFFFF80;
	p0 =	sne.s32 s16, s8  }
.Ltmp1:
0x28: {  	[bflag:$0x0] =	sbarrier.arrive $0xFFFF;
	(pc) =	sbr.rel @p0 .LBB2_1-.Ltmp1, $4  }
0x29: {  	[hbm:s7@s14], [sflag:s11] =	dma.strided [spmem:s12@s15], $0x50, s9, $0x10   }
0x2a: {  	_ =	swait.ge [sflag:s9], $0x50  }
0x2b: {  	[sflag:s9] =	ssyncset.done $0x0  }
0x2c: {  	[sflag:s9] =	ssyncadd.s32 $0xFFFFFFB0  }
0x2d: {  	_ =	sfence.sel $0x180000  }
0x2e: {  	[bflag:$0x0] =	sbarrier.arrive $0xFFFF  }
0x2f: {  	p0 =	sne.s32 s0, $0x0;
	_ =	strace $0x90000047  }
0x30: {  	s0 =	sadd.s32 @!p0 $0x100000, s1;
	[bflag:$0x2] =	sbarrier.arrive $0xFFFF  }
0x31: {  	[sflag:s0] =	ssyncadd.tile.s32 @!p0 $0x1;
	_ =	shalt  }
.Lfunc_end2:
_tile_overlayer_lowered:
.L_overlay_start_2:
0x32: {  	(tag) =	ssettag $0x2  }
0x33: {  	s0 =	rddreg [dreg:$0x0];
	s2 =	stileid.u32  }
0x34: {  	s1 =	rddreg [dreg:$0x1];
	p0 =	sne.s32 s2, $0x0  }
0x35: {  	s3 =	rddreg [dreg:$0x2];
	[bflag:$0x3] =	sbarrier.arrive $0xFFFF;
	s2 =	simm.s32 @!p0 $0x1C01  }
0x36: {  	[timem:s3], [sflag:s2] =	dma.local @!p0 [hbm:s0], s1  }
0x37: {  	s0 =	simm.s32 @!p0 $0x1  }
0x38: {  	_ =	swait.ge @!p0 [sflag:s0], s1  }
0x39: {  	s1 =	ssub.s32 @!p0 $0x0, s1;
	[sflag:s0] =	ssyncset.done @!p0 $0x0  }
0x3a: {  	[sflag:s0] =	ssyncadd.s32 @!p0 s1  }
0x3b: {  	[bflag:$0x3] =	sbarrier.arrive $0xFFFF  }
0x3c: {  	_ =	shalt  }

</sc_bundles>
